<compile_context>
chip_gen: v7x
topology: tpu7x:2x2x1
jax: 0.10.2.dev20260603
libtpu: 0.0.44.dev20260713+nightly
codegen_flags: <defaults>
</compile_context>

<pallas_src>
import dataclasses
import functools

import jax
import jax.numpy as jnp
from jax import lax
from jax.experimental import pallas as pl
from jax.experimental.pallas import tpu as pltpu
from jax.experimental.pallas import tpu_sc as plsc

NN = 10000
EE = 320000
NC = 2
NS = 16
NW = NC * NS
RCH = 80
NRCH = NN // RCH
RRI = -(-NRCH // NS)

_MESH = plsc.VectorSubcoreMesh(core_axis_name="c", subcore_axis_name="s")

_CP = pltpu.CompilerParams()
if "needs_layout_passes" in pltpu.CompilerParams.__dataclass_fields__:
    _CP = dataclasses.replace(_CP, needs_layout_passes=False)


GCH = 128
TCH = EE // GCH
NJB = TCH // NW
REM = TCH % NW
NQUAD = (NJB + 4) // 4


@functools.partial(
    pl.kernel,
    out_type=(
        jax.ShapeDtypeStruct((NC, NN, 128), jnp.float32),
        jax.ShapeDtypeStruct((NW, NN), jnp.float32),
    ),
    mesh=_MESH,
    scratch_types=[
        pltpu.VMEM_SHARED((NN, 128), jnp.float32),
        pltpu.VMEM((2, 2, 2, GCH), jnp.int32),
        pltpu.VMEM((2, GCH, 128), jnp.float32),
        pltpu.VMEM((NN,), jnp.float32),
        pltpu.SemaphoreType.DMA,
        pltpu.SemaphoreType.DMA,
        pltpu.SemaphoreType.DMA,
        pltpu.SemaphoreType.DMA,
        pltpu.SemaphoreType.DMA,
    ],
    compiler_params=_CP,
)
def _sc_segsum(x_hbm, ei_hbm, sum_hbm, cnt_hbm,
               acc_sh, idxb, msgs, cnt_loc,
               semg0, semg1, sems0, sems1, semi):
    c = lax.axis_index("c")
    s = lax.axis_index("s")
    wid = s * NC + c
    nj = NJB + jnp.where(wid < REM, 1, 0)
    cstart = wid * NJB + jnp.minimum(wid, REM)

    @pl.loop(0, RCH)
    def _(r):
        @pl.loop(0, 128 // 16)
        def _(j):
            msgs.at[0, r, pl.ds(j * 16, 16)][...] = jnp.zeros(
                (16,), jnp.float32)
    @pl.loop(0, NN // 16)
    def _(i):
        cnt_loc.at[pl.ds(i * 16, 16)][...] = jnp.zeros((16,), jnp.float32)

    @pl.loop(0, RRI)
    def _(i):
        k = s + i * NS
        @pl.when(k < NRCH)
        def _():
            pltpu.sync_copy(msgs.at[0, pl.ds(0, RCH)],
                            acc_sh.at[pl.ds(k * RCH, RCH)])
    plsc.subcore_barrier()

    def scat_wait(b, sems):
        pltpu.make_async_copy(msgs.at[b], acc_sh.at[idxb.at[0, 0, 1]],
                              sems).wait()

    def blk_start(bi, slot):
        pltpu.make_async_copy(ei_hbm.at[pl.ds(cstart + 2 * bi, 2)],
                              idxb.at[slot], semi).start()

    def blk_wait(slot):
        pltpu.make_async_copy(ei_hbm.at[pl.ds(cstart, 2)],
                              idxb.at[slot], semi).wait()

    def fetch(j, b, u, t, semg, sems):
        @pl.when(j >= 2)
        def _():
            scat_wait(b, sems)
        pltpu.make_async_copy(x_hbm.at[idxb.at[u, t, 0]], msgs.at[b],
                              semg).start()
        @pl.loop(0, GCH // 16)
        def _(e):
            idxv = idxb[u, t, 1, pl.ds(e * 16, 16)]
            plsc.addupdate_scatter(cnt_loc, [idxv],
                                   jnp.ones((16,), jnp.float32))

    def drain(b, u, t, semg, sems):
        pltpu.make_async_copy(x_hbm.at[idxb.at[0, 0, 0]], msgs.at[b],
                              semg).wait()
        pltpu.async_copy(msgs.at[b], acc_sh.at[idxb.at[u, t, 1]], sems,
                        add=True)

    def step(i, cur):
        j0 = 2 * i
        nxt = cur ^ 1
        @pl.when(j0 + 1 < nj)
        def _():
            fetch(j0 + 1, 1, cur, 1, semg1, sems1)
        @pl.when(j0 + 2 < nj)
        def _():
            blk_start(i + 1, nxt)
        @pl.when(j0 < nj)
        def _():
            drain(0, cur, 0, semg0, sems0)
        @pl.when(j0 + 2 < nj)
        def _():
            blk_wait(nxt)
            fetch(j0 + 2, 0, nxt, 0, semg0, sems0)
        @pl.when(j0 + 1 < nj)
        def _():
            drain(1, cur, 1, semg1, sems1)

    pltpu.sync_copy(ei_hbm.at[pl.ds(cstart, 2)], idxb.at[0])
    fetch(0, 0, 0, 0, semg0, sems0)

    @pl.loop(0, NQUAD)
    def _(q):
        step(2 * q, 0)
        step(2 * q + 1, 1)

    scat_wait(0, sems0)
    scat_wait(1, sems1)
    pltpu.sync_copy(cnt_loc, cnt_hbm.at[wid])
    plsc.subcore_barrier()

    @pl.loop(0, RRI)
    def _(i):
        k = s + i * NS
        @pl.when(k < NRCH)
        def _():
            r0 = k * RCH
            pltpu.sync_copy(acc_sh.at[pl.ds(r0, RCH)],
                            sum_hbm.at[c, pl.ds(r0, RCH)])


BLK = 1000


def _dot(a, b):
    return jax.lax.dot(a, b, precision=jax.lax.Precision.HIGHEST,
                       preferred_element_type=jnp.float32)


def _lin_body(x_ref, w_ref, b_ref, o_ref):
    o_ref[...] = _dot(x_ref[...], w_ref[...]) + b_ref[...]


def _lin(x, w, b):
    n, d = x.shape
    o = w.shape[1]
    return pl.pallas_call(
        _lin_body,
        grid=(n // BLK,),
        in_specs=[
            pl.BlockSpec((BLK, d), lambda i: (i, 0)),
            pl.BlockSpec((d, o), lambda i: (0, 0)),
            pl.BlockSpec((1, o), lambda i: (0, 0)),
        ],
        out_specs=pl.BlockSpec((BLK, o), lambda i: (i, 0)),
        out_shape=jax.ShapeDtypeStruct((n, o), jnp.float32),
    )(x, w, b)


def _tc1_body(s1_ref, c_ref, xr_ref, w1l_ref, h_ref):
    cnt = jnp.maximum(c_ref[...], 1.0)
    mean = (s1_ref[0] + s1_ref[1]) / cnt
    h_ref[...] = jnp.maximum(
        _dot(mean, w1l_ref[...]) + xr_ref[...], 0.0)


def _tc1(sums1, cnts, xr, w1l):
    return pl.pallas_call(
        _tc1_body,
        grid=(NN // BLK,),
        in_specs=[
            pl.BlockSpec((NC, BLK, 128), lambda i: (0, i, 0)),
            pl.BlockSpec((BLK, 1), lambda i: (i, 0)),
            pl.BlockSpec((BLK, 128), lambda i: (i, 0)),
            pl.BlockSpec((128, 128), lambda i: (0, 0)),
        ],
        out_specs=pl.BlockSpec((BLK, 128), lambda i: (i, 0)),
        out_shape=jax.ShapeDtypeStruct((NN, 128), jnp.float32),
    )(sums1, cnts, xr, w1l)


def _tc2_body(s2_ref, c_ref, hr_ref, w2l_ref, z_ref, lsm_ref):
    cnt = jnp.maximum(c_ref[...], 1.0)
    mean = (s2_ref[0] + s2_ref[1]) / cnt
    z = _dot(mean, w2l_ref[...]) + hr_ref[...]
    z_ref[...] = z
    e = z - jnp.max(z, axis=1, keepdims=True)
    lsm_ref[...] = e - jnp.log(jnp.sum(jnp.exp(e), axis=1, keepdims=True))


def _tc2(sums2, cnts, hr, w2l):
    return pl.pallas_call(
        _tc2_body,
        grid=(NN // BLK,),
        in_specs=[
            pl.BlockSpec((NC, BLK, 128), lambda i: (0, i, 0)),
            pl.BlockSpec((BLK, 1), lambda i: (i, 0)),
            pl.BlockSpec((BLK, 64), lambda i: (i, 0)),
            pl.BlockSpec((128, 64), lambda i: (0, 0)),
        ],
        out_specs=[
            pl.BlockSpec((BLK, 64), lambda i: (i, 0)),
            pl.BlockSpec((BLK, 64), lambda i: (i, 0)),
        ],
        out_shape=[
            jax.ShapeDtypeStruct((NN, 64), jnp.float32),
            jax.ShapeDtypeStruct((NN, 64), jnp.float32),
        ],
    )(sums2, cnts, hr, w2l)


def kernel(x, edge_index, W1_l, W1_r, b1, W2_l, W2_r, b2):
    ei3 = edge_index.reshape(2, TCH, GCH).transpose(1, 0, 2)
    xr = _lin(x, W1_r, b1.reshape(1, -1))
    sums1, cnts = _sc_segsum(x, ei3)
    cnt = jnp.sum(cnts, axis=0)[:, None]
    h = _tc1(sums1, cnt, xr, W1_l)
    hr = _lin(h, W2_r, b2.reshape(1, -1))
    sums2, _ = _sc_segsum(h, ei3)
    z, lsm = _tc2(sums2, cnt, hr, W2_l)
    return (z, lsm)

# --- scband reference (transcript-rebuilt; emitter-appended) ---
"""Pipeline reference for scband-graph-sage-gnn-71287867179094 (READ-ONLY COPY).

The authoritative reference and input builder live on the scoring server;
editing this copy changes nothing except your own understanding.
"""

import jax, jax.numpy as jnp
import numpy as np

N = 10000
E = 320000
D = 128
H = 128
O = 64


def setup_inputs(seed: int = 0) -> dict:
    key = jax.random.key(seed)
    ks = jax.random.split(key, 9)
    x = jax.random.normal(ks[0], (N, D), dtype=jnp.float32)
    edge_index = jax.random.randint(ks[1], (2, E), 0, N, dtype=jnp.int32)
    s1 = 1.0 / np.sqrt(D)
    s2 = 1.0 / np.sqrt(H)
    W1_l = jax.random.uniform(ks[2], (D, H), jnp.float32, -s1, s1)
    W1_r = jax.random.uniform(ks[3], (D, H), jnp.float32, -s1, s1)
    b1 = jnp.zeros((H,), jnp.float32)
    W2_l = jax.random.uniform(ks[4], (H, O), jnp.float32, -s2, s2)
    W2_r = jax.random.uniform(ks[5], (H, O), jnp.float32, -s2, s2)
    b2 = jnp.zeros((O,), jnp.float32)
    return {"x": x, "edge_index": edge_index, "W1_l": W1_l, "W1_r": W1_r, "b1": b1, "W2_l": W2_l, "W2_r": W2_r, "b2": b2}


def _sage_conv(h, edge_index, W_l, W_r, b):
    # PyG SAGEConv with mean aggregation:
    #   out = lin_l(mean_{j in N(i)} h_j) + lin_r(h_i)
    src = edge_index[0]
    dst = edge_index[1]
    msgs = jnp.take(h, src, axis=0)                      # gather over source nodes
    summed = jax.ops.segment_sum(msgs, dst, num_segments=N)
    cnt = jax.ops.segment_sum(jnp.ones((msgs.shape[0], 1), jnp.float32), dst, num_segments=N)
    mean = summed / jnp.maximum(cnt, 1.0)
    return mean @ W_l + b + h @ W_r


def reference(x, edge_index, W1_l, W1_r, b1, W2_l, W2_r, b2):
    h = _sage_conv(x, edge_index, W1_l, W1_r, b1)
    h = jax.nn.relu(h)
    # dropout p=0.5 is identity in eval mode
    h = _sage_conv(h, edge_index, W2_l, W2_r, b2)
    return (h, jax.nn.log_softmax(h, axis=1))

if __name__ == "__main__":
    import jax
    _d = setup_inputs()
    print(jax.jit(kernel)(*tuple(_d.values())))

</pallas_src>

<mosaic_0001>
#map = affine_map<(d0, d1) -> (0, 0)>
#map1 = affine_map<(d0, d1) -> (0, 0, 0)>
module attributes {stable_mosaic.version = 14 : i64} {
  func.func @_sc_segsum(%arg0: i32, %arg1: i32, %arg2: memref<10000x128xf32, #tpu.memory_space<hbm>>, %arg3: memref<2500x2x128xi32, #tpu.memory_space<hbm>>, %arg4: memref<2x10000x128xf32, #tpu.memory_space<hbm>>, %arg5: memref<32x10000xf32, #tpu.memory_space<hbm>>, %arg6: memref<10000x128xf32, #tpu.memory_space<vmem_shared>>, %arg7: memref<2x2x2x128xi32, #tpu.memory_space<vmem>>, %arg8: memref<2x128x128xf32, #tpu.memory_space<vmem>>, %arg9: memref<10000xf32, #tpu.memory_space<vmem>>, %arg10: memref<!tpu.dma_semaphore, #tpu.memory_space<semaphore_mem>>, %arg11: memref<!tpu.dma_semaphore, #tpu.memory_space<semaphore_mem>>, %arg12: memref<!tpu.dma_semaphore, #tpu.memory_space<semaphore_mem>>, %arg13: memref<!tpu.dma_semaphore, #tpu.memory_space<semaphore_mem>>, %arg14: memref<!tpu.dma_semaphore, #tpu.memory_space<semaphore_mem>>) attributes {dimension_semantics = [#tpu.dimension_semantics<core_parallel>, #tpu.dimension_semantics<subcore_parallel>], iteration_bounds = array<i64: 2, 16>, scalar_prefetch = 0 : i64, scratch_operands = 9 : i64, tpu.core_type = #tpu.core_type<sc_vector_subcore>, window_params = [{transform_indices = #map}, {transform_indices = #map1}, {transform_indices = #map1}, {transform_indices = #map}]} {
    %mul3A = arith.constant 2 : i32
    %mul3A_0 = arith.muli %arg1, %mul3A : i32
    %add3A = arith.addi %mul3A_0, %arg0 : i32
    %lt3A = arith.constant 4 : i32
    %lt3A_1 = arith.cmpi slt, %add3A, %lt3A : i32
    %jit3A = arith.constant 1 : i32
    %jit3A_2 = arith.constant 0 : i32
    %select_n3A = arith.select %lt3A_1, %jit3A, %jit3A_2 : i32
    %add3A_3 = arith.constant 78 : i32
    %add3A_4 = arith.addi %add3A_3, %select_n3A : i32
    %mul3A_5 = arith.constant 78 : i32
    %mul3A_6 = arith.muli %add3A, %mul3A_5 : i32
    %min3A = arith.constant 4 : i32
    %min3A_7 = arith.minsi %add3A, %min3A : i32
    %add3A_8 = arith.addi %mul3A_6, %min3A_7 : i32
    %scan3A = arith.constant 0 : i32
    %scan3A_9 = arith.constant 80 : i32
    %scan3A_10 = arith.addi %scan3A, %scan3A_9 : i32
    %scan3A_11 = arith.constant 1 : i32
    scf.for %scan3A_79 = %scan3A to %scan3A_10 step %scan3A_11  : i32 {
      %mul3A_80 = arith.constant 1 : i32
      %mul3A_81 = arith.muli %scan3A_79, %mul3A_80 : i32
      %add3A_82 = arith.constant 0 : i32
      %add3A_83 = arith.addi %add3A_82, %mul3A_81 : i32
      %scan3A_84 = arith.constant 0 : i32
      %scan3A_85 = arith.constant 8 : i32
      %scan3A_86 = arith.addi %scan3A_84, %scan3A_85 : i32
      %scan3A_87 = arith.constant 1 : i32
      scf.for %scan3A_89 = %scan3A_84 to %scan3A_86 step %scan3A_87  : i32 {
        %mul3A_90 = arith.constant 1 : i32
        %mul3A_91 = arith.muli %scan3A_89, %mul3A_90 : i32
        %add3A_92 = arith.constant 0 : i32
        %add3A_93 = arith.addi %add3A_92, %mul3A_91 : i32
        %broadcast_in_dim3A = arith.constant 0.000000e+00 : f32
        %broadcast_in_dim3A_94 = vector.broadcast %broadcast_in_dim3A : f32 to vector<16xf32>
        %mul3A_95 = arith.constant 16 : i32
        %mul3A_96 = arith.muli %add3A_93, %mul3A_95 : i32
        %swap3A = arith.constant 0 : i32
        %swap3A_97 = arith.index_cast %swap3A : i32 to index
        %swap3A_98 = arith.index_cast %add3A_83 : i32 to index
        %swap3A_99 = arith.index_cast %mul3A_96 : i32 to index
        %swap3A_100 = tpu.vector_load %arg8[%swap3A_97, %swap3A_98, %swap3A_99] {strides = array<i32>} : memref<2x128x128xf32, #tpu.memory_space<vmem>>, vector<16xf32>,
        tpu.vector_store %arg8[%swap3A_97, %swap3A_98, %swap3A_99], %broadcast_in_dim3A_94 {strides = array<i32>} : memref<2x128x128xf32, #tpu.memory_space<vmem>>, vector<16xf32>,
      }
      %scan3A_88 = arith.constant 8 : i32
    }
    %scan3A_12 = arith.constant 80 : i32
    %scan3A_13 = arith.constant 0 : i32
    %scan3A_14 = arith.constant 625 : i32
    %scan3A_15 = arith.addi %scan3A_13, %scan3A_14 : i32
    %scan3A_16 = arith.constant 1 : i32
    scf.for %scan3A_79 = %scan3A_13 to %scan3A_15 step %scan3A_16  : i32 {
      %mul3A_80 = arith.constant 1 : i32
      %mul3A_81 = arith.muli %scan3A_79, %mul3A_80 : i32
      %add3A_82 = arith.constant 0 : i32
      %add3A_83 = arith.addi %add3A_82, %mul3A_81 : i32
      %broadcast_in_dim3A = arith.constant 0.000000e+00 : f32
      %broadcast_in_dim3A_84 = vector.broadcast %broadcast_in_dim3A : f32 to vector<16xf32>
      %mul3A_85 = arith.constant 16 : i32
      %mul3A_86 = arith.muli %add3A_83, %mul3A_85 : i32
      %swap3A = arith.index_cast %mul3A_86 : i32 to index
      %swap3A_87 = tpu.vector_load %arg9[%swap3A] {strides = array<i32>} : memref<10000xf32, #tpu.memory_space<vmem>>, vector<16xf32>,
      tpu.vector_store %arg9[%swap3A], %broadcast_in_dim3A_84 {strides = array<i32>} : memref<10000xf32, #tpu.memory_space<vmem>>, vector<16xf32>,
    }
    %scan3A_17 = arith.constant 625 : i32
    %scan3A_18 = arith.constant 0 : i32
    %scan3A_19 = arith.constant 8 : i32
    %scan3A_20 = arith.addi %scan3A_18, %scan3A_19 : i32
    %scan3A_21 = arith.constant 1 : i32
    scf.for %scan3A_79 = %scan3A_18 to %scan3A_20 step %scan3A_21  : i32 {
      %mul3A_80 = arith.constant 1 : i32
      %mul3A_81 = arith.muli %scan3A_79, %mul3A_80 : i32
      %add3A_82 = arith.constant 0 : i32
      %add3A_83 = arith.addi %add3A_82, %mul3A_81 : i32
      %mul3A_84 = arith.constant 16 : i32
      %mul3A_85 = arith.muli %add3A_83, %mul3A_84 : i32
      %add3A_86 = arith.addi %arg1, %mul3A_85 : i32
      %lt3A_87 = arith.constant 125 : i32
      %lt3A_88 = arith.cmpi slt, %add3A_86, %lt3A_87 : i32
      %convert_element_type3A = arith.extui %lt3A_88 : i1 to i32
      %cond3A = arith.constant 0 : i32
      %cond3A_89 = arith.cmpi ne, %convert_element_type3A, %cond3A : i32
      scf.if %cond3A_89 {
        %mul3A_90 = arith.constant 80 : i32
        %mul3A_91 = arith.muli %add3A_86, %mul3A_90 : i32
        %run_scoped3A_92 = arith.constant 0 : i32
        "tpu.region"() ({
          %run_scoped3A_93 = tpu.sem_alloc : memref<!tpu.dma_semaphore, #tpu.memory_space<semaphore_mem>>
          %dma_start3A_94 = arith.constant 0 : i32
          %dma_start3A_95 = arith.constant 0 : i32
          %dma_start3A_96 = tpu.memref_slice %arg8[%run_scoped3A_92, %dma_start3A_94, %dma_start3A_95] : memref<2x128x128xf32, #tpu.memory_space<vmem>> -> memref<1x80x128xf32, #tpu.memory_space<vmem>>
          %dma_start3A_97 = tpu.memref_squeeze %dma_start3A_96 : memref<1x80x128xf32, #tpu.memory_space<vmem>> -> memref<80x128xf32, #tpu.memory_space<vmem>>
          %dma_start3A_98 = arith.constant 0 : i32
          %dma_start3A_99 = tpu.memref_slice %arg6[%mul3A_91, %dma_start3A_98] : memref<10000x128xf32, #tpu.memory_space<vmem_shared>> -> memref<80x128xf32, #tpu.memory_space<vmem_shared>>
          %dma_start3A_100 = arith.constant 0 : i32
          %dma_start3A_101 = tpu.memref_slice %arg6[%mul3A_91, %dma_start3A_100] : memref<10000x128xf32, #tpu.memory_space<vmem_shared>> -> memref<80x128xf32, #tpu.memory_space<vmem_shared>>
          %dma_start3A_102 = arith.constant 0 : i32
          %dma_start3A_103 = arith.constant 0 : i32
          %dma_start3A_104 = tpu.memref_slice %arg8[%run_scoped3A_92, %dma_start3A_102, %dma_start3A_103] : memref<2x128x128xf32, #tpu.memory_space<vmem>> -> memref<1x80x128xf32, #tpu.memory_space<vmem>>
          %dma_start3A_105 = tpu.memref_squeeze %dma_start3A_104 : memref<1x80x128xf32, #tpu.memory_space<vmem>> -> memref<80x128xf32, #tpu.memory_space<vmem>>
          tpu.enqueue_dma source(%dma_start3A_105 : memref<80x128xf32, #tpu.memory_space<vmem>>) target(%dma_start3A_101 : memref<80x128xf32, #tpu.memory_space<vmem_shared>>) target_semaphore(%run_scoped3A_93 : memref<!tpu.dma_semaphore, #tpu.memory_space<semaphore_mem>>)
          %dma_wait3A_106 = arith.constant 0 : i32
          %dma_wait3A_107 = arith.constant 0 : i32
          %dma_wait3A_108 = tpu.memref_slice %arg8[%run_scoped3A_92, %dma_wait3A_106, %dma_wait3A_107] : memref<2x128x128xf32, #tpu.memory_space<vmem>> -> memref<1x80x128xf32, #tpu.memory_space<vmem>>
          %dma_wait3A_109 = tpu.memref_squeeze %dma_wait3A_108 : memref<1x80x128xf32, #tpu.memory_space<vmem>> -> memref<80x128xf32, #tpu.memory_space<vmem>>
          %dma_wait3A_110 = arith.constant 0 : i32
          %dma_wait3A_111 = tpu.memref_slice %arg6[%mul3A_91, %dma_wait3A_110] : memref<10000x128xf32, #tpu.memory_space<vmem_shared>> -> memref<80x128xf32, #tpu.memory_space<vmem_shared>>
          %dma_wait3A_112 = arith.constant 0 : i32
          %dma_wait3A_113 = tpu.memref_slice %arg6[%mul3A_91, %dma_wait3A_112] : memref<10000x128xf32, #tpu.memory_space<vmem_shared>> -> memref<80x128xf32, #tpu.memory_space<vmem_shared>>
          %dma_wait3A_114 = arith.constant 0 : i32
          %dma_wait3A_115 = arith.constant 0 : i32
          %dma_wait3A_116 = tpu.memref_slice %arg8[%run_scoped3A_92, %dma_wait3A_114, %dma_wait3A_115] : memref<2x128x128xf32, #tpu.memory_space<vmem>> -> memref<1x80x128xf32, #tpu.memory_space<vmem>>
          %dma_wait3A_117 = tpu.memref_squeeze %dma_wait3A_116 : memref<1x80x128xf32, #tpu.memory_space<vmem>> -> memref<80x128xf32, #tpu.memory_space<vmem>>
          tpu.wait_dma2 semaphore(%run_scoped3A_93 : memref<!tpu.dma_semaphore, #tpu.memory_space<semaphore_mem>>) src(%dma_wait3A_117 : memref<80x128xf32, #tpu.memory_space<vmem>>) dst(%dma_wait3A_113 : memref<80x128xf32, #tpu.memory_space<vmem_shared>>)
          tpu.yield
        }) : () -> ()
      } else {
      }
    }
    %scan3A_22 = arith.constant 8 : i32
    %barrier3A = arith.constant 0 : index
    tpu.barrier barrier_id(%barrier3A)
    %run_scoped3A = arith.constant 0 : i32
    "tpu.region"() ({
      %run_scoped3A_79 = tpu.sem_alloc : memref<!tpu.dma_semaphore, #tpu.memory_space<semaphore_mem>>
      %dma_start3A_80 = arith.constant 0 : i32
      %dma_start3A_81 = arith.constant 0 : i32
      %dma_start3A_82 = arith.constant 0 : i32
      %dma_start3A_83 = tpu.memref_slice %arg7[%run_scoped3A, %dma_start3A_80, %dma_start3A_81, %dma_start3A_82] : memref<2x2x2x128xi32, #tpu.memory_space<vmem>> -> memref<1x2x2x128xi32, #tpu.memory_space<vmem>>
      %dma_start3A_84 = tpu.memref_squeeze %dma_start3A_83 : memref<1x2x2x128xi32, #tpu.memory_space<vmem>> -> memref<2x2x128xi32, #tpu.memory_space<vmem>>
      %dma_start3A_85 = arith.constant 0 : i32
      %dma_start3A_86 = arith.constant 0 : i32
      %dma_start3A_87 = tpu.memref_slice %arg3[%add3A_8, %dma_start3A_85, %dma_start3A_86] : memref<2500x2x128xi32, #tpu.memory_space<hbm>> -> memref<2x2x128xi32, #tpu.memory_space<hbm>>
      %dma_start3A_88 = arith.constant 0 : i32
      %dma_start3A_89 = arith.constant 0 : i32
      %dma_start3A_90 = arith.constant 0 : i32
      %dma_start3A_91 = tpu.memref_slice %arg7[%run_scoped3A, %dma_start3A_88, %dma_start3A_89, %dma_start3A_90] : memref<2x2x2x128xi32, #tpu.memory_space<vmem>> -> memref<1x2x2x128xi32, #tpu.memory_space<vmem>>
      %dma_start3A_92 = tpu.memref_squeeze %dma_start3A_91 : memref<1x2x2x128xi32, #tpu.memory_space<vmem>> -> memref<2x2x128xi32, #tpu.memory_space<vmem>>
      %dma_start3A_93 = arith.constant 0 : i32
      %dma_start3A_94 = arith.constant 0 : i32
      %dma_start3A_95 = tpu.memref_slice %arg3[%add3A_8, %dma_start3A_93, %dma_start3A_94] : memref<2500x2x128xi32, #tpu.memory_space<hbm>> -> memref<2x2x128xi32, #tpu.memory_space<hbm>>
      tpu.enqueue_dma source(%dma_start3A_95 : memref<2x2x128xi32, #tpu.memory_space<hbm>>) target(%dma_start3A_92 : memref<2x2x128xi32, #tpu.memory_space<vmem>>) target_semaphore(%run_scoped3A_79 : memref<!tpu.dma_semaphore, #tpu.memory_space<semaphore_mem>>)
      %dma_wait3A_96 = arith.constant 0 : i32
      %dma_wait3A_97 = arith.constant 0 : i32
      %dma_wait3A_98 = arith.constant 0 : i32
      %dma_wait3A_99 = tpu.memref_slice %arg7[%run_scoped3A, %dma_wait3A_96, %dma_wait3A_97, %dma_wait3A_98] : memref<2x2x2x128xi32, #tpu.memory_space<vmem>> -> memref<1x2x2x128xi32, #tpu.memory_space<vmem>>
      %dma_wait3A_100 = tpu.memref_squeeze %dma_wait3A_99 : memref<1x2x2x128xi32, #tpu.memory_space<vmem>> -> memref<2x2x128xi32, #tpu.memory_space<vmem>>
      %dma_wait3A_101 = arith.constant 0 : i32
      %dma_wait3A_102 = arith.constant 0 : i32
      %dma_wait3A_103 = tpu.memref_slice %arg3[%add3A_8, %dma_wait3A_101, %dma_wait3A_102] : memref<2500x2x128xi32, #tpu.memory_space<hbm>> -> memref<2x2x128xi32, #tpu.memory_space<hbm>>
      %dma_wait3A_104 = arith.constant 0 : i32
      %dma_wait3A_105 = arith.constant 0 : i32
      %dma_wait3A_106 = arith.constant 0 : i32
      %dma_wait3A_107 = tpu.memref_slice %arg7[%run_scoped3A, %dma_wait3A_104, %dma_wait3A_105, %dma_wait3A_106] : memref<2x2x2x128xi32, #tpu.memory_space<vmem>> -> memref<1x2x2x128xi32, #tpu.memory_space<vmem>>
      %dma_wait3A_108 = tpu.memref_squeeze %dma_wait3A_107 : memref<1x2x2x128xi32, #tpu.memory_space<vmem>> -> memref<2x2x128xi32, #tpu.memory_space<vmem>>
      %dma_wait3A_109 = arith.constant 0 : i32
      %dma_wait3A_110 = arith.constant 0 : i32
      %dma_wait3A_111 = tpu.memref_slice %arg3[%add3A_8, %dma_wait3A_109, %dma_wait3A_110] : memref<2500x2x128xi32, #tpu.memory_space<hbm>> -> memref<2x2x128xi32, #tpu.memory_space<hbm>>
      tpu.wait_dma2 semaphore(%run_scoped3A_79 : memref<!tpu.dma_semaphore, #tpu.memory_space<semaphore_mem>>) src(%dma_wait3A_111 : memref<2x2x128xi32, #tpu.memory_space<hbm>>) dst(%dma_wait3A_108 : memref<2x2x128xi32, #tpu.memory_space<vmem>>)
      tpu.yield
    }) : () -> ()
    %dma_start3A = arith.constant 0 : i32
    %dma_start3A_23 = arith.constant 0 : i32
    %dma_start3A_24 = arith.constant 0 : i32
    %dma_start3A_25 = arith.constant 0 : i32
    %dma_start3A_26 = arith.constant 0 : i32
    %dma_start3A_27 = arith.constant 0 : i32
    %dma_start3A_28 = tpu.memref_slice %arg8[%dma_start3A_25, %dma_start3A_26, %dma_start3A_27] : memref<2x128x128xf32, #tpu.memory_space<vmem>> -> memref<1x128x128xf32, #tpu.memory_space<vmem>>
    %dma_start3A_29 = tpu.memref_squeeze %dma_start3A_28 : memref<1x128x128xf32, #tpu.memory_space<vmem>> -> memref<128x128xf32, #tpu.memory_space<vmem>>
    %dma_start3A_30 = arith.constant 0 : i32
    %dma_start3A_31 = tpu.memref_slice %arg7[%dma_start3A, %dma_start3A_23, %dma_start3A_24, %dma_start3A_30] : memref<2x2x2x128xi32, #tpu.memory_space<vmem>> -> memref<1x1x1x128xi32, #tpu.memory_space<vmem>>
    %dma_start3A_32 = tpu.memref_squeeze %dma_start3A_31 : memref<1x1x1x128xi32, #tpu.memory_space<vmem>> -> memref<128xi32, #tpu.memory_space<vmem>>
    %dma_start3A_33 = arith.constant 0 : i32
    %dma_start3A_34 = arith.constant 0 : i32
    %dma_start3A_35 = tpu.memref_slice %arg2[%dma_start3A_33, %dma_start3A_34] : memref<10000x128xf32, #tpu.memory_space<hbm>> -> memref<10000x128xf32, #tpu.memory_space<hbm>>
    tpu.enqueue_indirect_dma source(%dma_start3A_35 : memref<10000x128xf32, #tpu.memory_space<hbm>>) target(%dma_start3A_29 : memref<128x128xf32, #tpu.memory_space<vmem>>) offsets(%dma_start3A_32 : memref<128xi32, #tpu.memory_space<vmem>>) semaphore(%arg10 : memref<!tpu.dma_semaphore, #tpu.memory_space<semaphore_mem>>)
    %scan3A_36 = arith.constant 0 : i32
    %scan3A_37 = arith.constant 8 : i32
    %scan3A_38 = arith.addi %scan3A_36, %scan3A_37 : i32
    %scan3A_39 = arith.constant 1 : i32
    scf.for %scan3A_79 = %scan3A_36 to %scan3A_38 step %scan3A_39  : i32 {
      %mul3A_80 = arith.constant 1 : i32
      %mul3A_81 = arith.muli %scan3A_79, %mul3A_80 : i32
      %add3A_82 = arith.constant 0 : i32
      %add3A_83 = arith.addi %add3A_82, %mul3A_81 : i32
      %mul3A_84 = arith.constant 16 : i32
      %mul3A_85 = arith.muli %add3A_83, %mul3A_84 : i32
      %get3A = arith.constant 0 : i32
      %get3A_86 = arith.constant 0 : i32
      %get3A_87 = arith.constant 1 : i32
      %get3A_88 = arith.index_cast %get3A : i32 to index
      %get3A_89 = arith.index_cast %get3A_86 : i32 to index
      %get3A_90 = arith.index_cast %get3A_87 : i32 to index
      %get3A_91 = arith.index_cast %mul3A_85 : i32 to index
      %get3A_92 = tpu.vector_load %arg7[%get3A_88, %get3A_89, %get3A_90, %get3A_91] {strides = array<i32>} : memref<2x2x2x128xi32, #tpu.memory_space<vmem>>, vector<16xi32>,
      %broadcast_in_dim3A = arith.constant 1.000000e+00 : f32
      %broadcast_in_dim3A_93 = vector.broadcast %broadcast_in_dim3A : f32 to vector<16xf32>
      tpu.vector_store_idx %arg9[%get3A_92], %broadcast_in_dim3A_93 {add = true} : memref<10000xf32, #tpu.memory_space<vmem>>[vector<16xi32>], vector<16xf32>,
    }
    %scan3A_40 = arith.constant 8 : i32
    %scan3A_41 = arith.constant 0 : i32
    %scan3A_42 = arith.constant 20 : i32
    %scan3A_43 = arith.addi %scan3A_41, %scan3A_42 : i32
    %scan3A_44 = arith.constant 1 : i32
    scf.for %scan3A_79 = %scan3A_41 to %scan3A_43 step %scan3A_44  : i32 {
      %mul3A_80 = arith.constant 1 : i32
      %mul3A_81 = arith.muli %scan3A_79, %mul3A_80 : i32
      %add3A_82 = arith.constant 0 : i32
      %add3A_83 = arith.addi %add3A_82, %mul3A_81 : i32
      %mul3A_84 = arith.constant 2 : i32
      %mul3A_85 = arith.muli %mul3A_84, %add3A_83 : i32
      %mul3A_86 = arith.constant 2 : i32
      %mul3A_87 = arith.muli %mul3A_86, %mul3A_85 : i32
      %add3A_88 = arith.constant 1 : i32
      %add3A_89 = arith.addi %mul3A_87, %add3A_88 : i32
      %lt3A_90 = arith.cmpi slt, %add3A_89, %add3A_4 : i32
      %convert_element_type3A = arith.extui %lt3A_90 : i1 to i32
      %cond3A = arith.constant 0 : i32
      %cond3A_91 = arith.cmpi ne, %convert_element_type3A, %cond3A : i32
      scf.if %cond3A_91 {
        %add3A_148 = arith.constant 1 : i32
        %add3A_149 = arith.addi %mul3A_87, %add3A_148 : i32
        %ge3A = arith.constant 2 : i32
        %ge3A_150 = arith.cmpi sge, %add3A_149, %ge3A : i32
        %convert_element_type3A_151 = arith.extui %ge3A_150 : i1 to i32
        %cond3A_152 = arith.constant 0 : i32
        %cond3A_153 = arith.cmpi ne, %convert_element_type3A_151, %cond3A_152 : i32
        scf.if %cond3A_153 {
          %dma_wait3A_173 = arith.constant 1 : i32
          %dma_wait3A_174 = arith.constant 0 : i32
          %dma_wait3A_175 = arith.constant 0 : i32
          %dma_wait3A_176 = arith.constant 1 : i32
          %dma_wait3A_177 = arith.constant 0 : i32
          %dma_wait3A_178 = arith.constant 0 : i32
          %dma_wait3A_179 = tpu.memref_slice %arg8[%dma_wait3A_173, %dma_wait3A_177, %dma_wait3A_178] : memref<2x128x128xf32, #tpu.memory_space<vmem>> -> memref<1x128x128xf32, #tpu.memory_space<vmem>>
          %dma_wait3A_180 = tpu.memref_squeeze %dma_wait3A_179 : memref<1x128x128xf32, #tpu.memory_space<vmem>> -> memref<128x128xf32, #tpu.memory_space<vmem>>
          %dma_wait3A_181 = arith.constant 0 : i32
          %dma_wait3A_182 = tpu.memref_slice %arg7[%dma_wait3A_174, %dma_wait3A_175, %dma_wait3A_176, %dma_wait3A_181] : memref<2x2x2x128xi32, #tpu.memory_space<vmem>> -> memref<1x1x1x128xi32, #tpu.memory_space<vmem>>
          %dma_wait3A_183 = tpu.memref_squeeze %dma_wait3A_182 : memref<1x1x1x128xi32, #tpu.memory_space<vmem>> -> memref<128xi32, #tpu.memory_space<vmem>>
          %dma_wait3A_184 = arith.constant 0 : i32
          %dma_wait3A_185 = arith.constant 0 : i32
          %dma_wait3A_186 = tpu.memref_slice %arg6[%dma_wait3A_184, %dma_wait3A_185] : memref<10000x128xf32, #tpu.memory_space<vmem_shared>> -> memref<10000x128xf32, #tpu.memory_space<vmem_shared>>
          tpu.wait_indirect_dma semaphore(%arg13 : memref<!tpu.dma_semaphore, #tpu.memory_space<semaphore_mem>>) src(%dma_wait3A_180 : memref<128x128xf32, #tpu.memory_space<vmem>>) dst(%dma_wait3A_186 : memref<10000x128xf32, #tpu.memory_space<vmem_shared>>)
        } else {
        }
        %dma_start3A_154 = arith.constant 0 : i32
        %dma_start3A_155 = arith.constant 1 : i32
        %dma_start3A_156 = arith.constant 0 : i32
        %dma_start3A_157 = arith.constant 1 : i32
        %dma_start3A_158 = arith.constant 0 : i32
        %dma_start3A_159 = arith.constant 0 : i32
        %dma_start3A_160 = tpu.memref_slice %arg8[%dma_start3A_157, %dma_start3A_158, %dma_start3A_159] : memref<2x128x128xf32, #tpu.memory_space<vmem>> -> memref<1x128x128xf32, #tpu.memory_space<vmem>>
        %dma_start3A_161 = tpu.memref_squeeze %dma_start3A_160 : memref<1x128x128xf32, #tpu.memory_space<vmem>> -> memref<128x128xf32, #tpu.memory_space<vmem>>
        %dma_start3A_162 = arith.constant 0 : i32
        %dma_start3A_163 = tpu.memref_slice %arg7[%dma_start3A_154, %dma_start3A_155, %dma_start3A_156, %dma_start3A_162] : memref<2x2x2x128xi32, #tpu.memory_space<vmem>> -> memref<1x1x1x128xi32, #tpu.memory_space<vmem>>
        %dma_start3A_164 = tpu.memref_squeeze %dma_start3A_163 : memref<1x1x1x128xi32, #tpu.memory_space<vmem>> -> memref<128xi32, #tpu.memory_space<vmem>>
        %dma_start3A_165 = arith.constant 0 : i32
        %dma_start3A_166 = arith.constant 0 : i32
        %dma_start3A_167 = tpu.memref_slice %arg2[%dma_start3A_165, %dma_start3A_166] : memref<10000x128xf32, #tpu.memory_space<hbm>> -> memref<10000x128xf32, #tpu.memory_space<hbm>>
        tpu.enqueue_indirect_dma source(%dma_start3A_167 : memref<10000x128xf32, #tpu.memory_space<hbm>>) target(%dma_start3A_161 : memref<128x128xf32, #tpu.memory_space<vmem>>) offsets(%dma_start3A_164 : memref<128xi32, #tpu.memory_space<vmem>>) semaphore(%arg11 : memref<!tpu.dma_semaphore, #tpu.memory_space<semaphore_mem>>)
        %scan3A_168 = arith.constant 0 : i32
        %scan3A_169 = arith.constant 8 : i32
        %scan3A_170 = arith.addi %scan3A_168, %scan3A_169 : i32
        %scan3A_171 = arith.constant 1 : i32
        scf.for %scan3A_173 = %scan3A_168 to %scan3A_170 step %scan3A_171  : i32 {
          %mul3A_174 = arith.constant 1 : i32
          %mul3A_175 = arith.muli %scan3A_173, %mul3A_174 : i32
          %add3A_176 = arith.constant 0 : i32
          %add3A_177 = arith.addi %add3A_176, %mul3A_175 : i32
          %mul3A_178 = arith.constant 16 : i32
          %mul3A_179 = arith.muli %add3A_177, %mul3A_178 : i32
          %get3A = arith.constant 0 : i32
          %get3A_180 = arith.constant 1 : i32
          %get3A_181 = arith.constant 1 : i32
          %get3A_182 = arith.index_cast %get3A : i32 to index
          %get3A_183 = arith.index_cast %get3A_180 : i32 to index
          %get3A_184 = arith.index_cast %get3A_181 : i32 to index
          %get3A_185 = arith.index_cast %mul3A_179 : i32 to index
          %get3A_186 = tpu.vector_load %arg7[%get3A_182, %get3A_183, %get3A_184, %get3A_185] {strides = array<i32>} : memref<2x2x2x128xi32, #tpu.memory_space<vmem>>, vector<16xi32>,
          %broadcast_in_dim3A = arith.constant 1.000000e+00 : f32
          %broadcast_in_dim3A_187 = vector.broadcast %broadcast_in_dim3A : f32 to vector<16xf32>
          tpu.vector_store_idx %arg9[%get3A_186], %broadcast_in_dim3A_187 {add = true} : memref<10000xf32, #tpu.memory_space<vmem>>[vector<16xi32>], vector<16xf32>,
        }
        %scan3A_172 = arith.constant 8 : i32
      } else {
      }
      %add3A_92 = arith.constant 2 : i32
      %add3A_93 = arith.addi %mul3A_87, %add3A_92 : i32
      %lt3A_94 = arith.cmpi slt, %add3A_93, %add3A_4 : i32
      %convert_element_type3A_95 = arith.extui %lt3A_94 : i1 to i32
      %cond3A_96 = arith.constant 0 : i32
      %cond3A_97 = arith.cmpi ne, %convert_element_type3A_95, %cond3A_96 : i32
      scf.if %cond3A_97 {
        %add3A_148 = arith.constant 1 : i32
        %add3A_149 = arith.addi %mul3A_85, %add3A_148 : i32
        %mul3A_150 = arith.constant 2 : i32
        %mul3A_151 = arith.muli %mul3A_150, %add3A_149 : i32
        %add3A_152 = arith.addi %add3A_8, %mul3A_151 : i32
        %dma_start3A_153 = arith.constant 1 : i32
        %dma_start3A_154 = arith.constant 0 : i32
        %dma_start3A_155 = arith.constant 0 : i32
        %dma_start3A_156 = arith.constant 0 : i32
        %dma_start3A_157 = tpu.memref_slice %arg7[%dma_start3A_153, %dma_start3A_154, %dma_start3A_155, %dma_start3A_156] : memref<2x2x2x128xi32, #tpu.memory_space<vmem>> -> memref<1x2x2x128xi32, #tpu.memory_space<vmem>>
        %dma_start3A_158 = tpu.memref_squeeze %dma_start3A_157 : memref<1x2x2x128xi32, #tpu.memory_space<vmem>> -> memref<2x2x128xi32, #tpu.memory_space<vmem>>
        %dma_start3A_159 = arith.constant 0 : i32
        %dma_start3A_160 = arith.constant 0 : i32
        %dma_start3A_161 = tpu.memref_slice %arg3[%add3A_152, %dma_start3A_159, %dma_start3A_160] : memref<2500x2x128xi32, #tpu.memory_space<hbm>> -> memref<2x2x128xi32, #tpu.memory_space<hbm>>
        %dma_start3A_162 = arith.constant 0 : i32
        %dma_start3A_163 = arith.constant 0 : i32
        %dma_start3A_164 = arith.constant 0 : i32
        %dma_start3A_165 = tpu.memref_slice %arg7[%dma_start3A_153, %dma_start3A_162, %dma_start3A_163, %dma_start3A_164] : memref<2x2x2x128xi32, #tpu.memory_space<vmem>> -> memref<1x2x2x128xi32, #tpu.memory_space<vmem>>
        %dma_start3A_166 = tpu.memref_squeeze %dma_start3A_165 : memref<1x2x2x128xi32, #tpu.memory_space<vmem>> -> memref<2x2x128xi32, #tpu.memory_space<vmem>>
        %dma_start3A_167 = arith.constant 0 : i32
        %dma_start3A_168 = arith.constant 0 : i32
        %dma_start3A_169 = tpu.memref_slice %arg3[%add3A_152, %dma_start3A_167, %dma_start3A_168] : memref<2500x2x128xi32, #tpu.memory_space<hbm>> -> memref<2x2x128xi32, #tpu.memory_space<hbm>>
        tpu.enqueue_dma source(%dma_start3A_169 : memref<2x2x128xi32, #tpu.memory_space<hbm>>) target(%dma_start3A_166 : memref<2x2x128xi32, #tpu.memory_space<vmem>>) target_semaphore(%arg14 : memref<!tpu.dma_semaphore, #tpu.memory_space<semaphore_mem>>)
      } else {
      }
      %lt3A_98 = arith.cmpi slt, %mul3A_87, %add3A_4 : i32
      %convert_element_type3A_99 = arith.extui %lt3A_98 : i1 to i32
      %cond3A_100 = arith.constant 0 : i32
      %cond3A_101 = arith.cmpi ne, %convert_element_type3A_99, %cond3A_100 : i32
      scf.if %cond3A_101 {
        %dma_wait3A_148 = arith.constant 0 : i32
        %dma_wait3A_149 = arith.constant 0 : i32
        %dma_wait3A_150 = arith.constant 0 : i32
        %dma_wait3A_151 = arith.constant 0 : i32
        %dma_wait3A_152 = arith.constant 0 : i32
        %dma_wait3A_153 = arith.constant 0 : i32
        %dma_wait3A_154 = tpu.memref_slice %arg8[%dma_wait3A_151, %dma_wait3A_152, %dma_wait3A_153] : memref<2x128x128xf32, #tpu.memory_space<vmem>> -> memref<1x128x128xf32, #tpu.memory_space<vmem>>
        %dma_wait3A_155 = tpu.memref_squeeze %dma_wait3A_154 : memref<1x128x128xf32, #tpu.memory_space<vmem>> -> memref<128x128xf32, #tpu.memory_space<vmem>>
        %dma_wait3A_156 = arith.constant 0 : i32
        %dma_wait3A_157 = tpu.memref_slice %arg7[%dma_wait3A_148, %dma_wait3A_149, %dma_wait3A_150, %dma_wait3A_156] : memref<2x2x2x128xi32, #tpu.memory_space<vmem>> -> memref<1x1x1x128xi32, #tpu.memory_space<vmem>>
        %dma_wait3A_158 = tpu.memref_squeeze %dma_wait3A_157 : memref<1x1x1x128xi32, #tpu.memory_space<vmem>> -> memref<128xi32, #tpu.memory_space<vmem>>
        %dma_wait3A_159 = arith.constant 0 : i32
        %dma_wait3A_160 = arith.constant 0 : i32
        %dma_wait3A_161 = tpu.memref_slice %arg2[%dma_wait3A_159, %dma_wait3A_160] : memref<10000x128xf32, #tpu.memory_space<hbm>> -> memref<10000x128xf32, #tpu.memory_space<hbm>>
        tpu.wait_indirect_dma semaphore(%arg10 : memref<!tpu.dma_semaphore, #tpu.memory_space<semaphore_mem>>) src(%dma_wait3A_161 : memref<10000x128xf32, #tpu.memory_space<hbm>>) dst(%dma_wait3A_155 : memref<128x128xf32, #tpu.memory_space<vmem>>)
        %dma_start3A_162 = arith.constant 0 : i32
        %dma_start3A_163 = arith.constant 0 : i32
        %dma_start3A_164 = arith.constant 0 : i32
        %dma_start3A_165 = arith.constant 1 : i32
        %dma_start3A_166 = arith.constant 0 : i32
        %dma_start3A_167 = arith.constant 0 : i32
        %dma_start3A_168 = tpu.memref_slice %arg8[%dma_start3A_162, %dma_start3A_166, %dma_start3A_167] : memref<2x128x128xf32, #tpu.memory_space<vmem>> -> memref<1x128x128xf32, #tpu.memory_space<vmem>>
        %dma_start3A_169 = tpu.memref_squeeze %dma_start3A_168 : memref<1x128x128xf32, #tpu.memory_space<vmem>> -> memref<128x128xf32, #tpu.memory_space<vmem>>
        %dma_start3A_170 = arith.constant 0 : i32
        %dma_start3A_171 = tpu.memref_slice %arg7[%dma_start3A_163, %dma_start3A_164, %dma_start3A_165, %dma_start3A_170] : memref<2x2x2x128xi32, #tpu.memory_space<vmem>> -> memref<1x1x1x128xi32, #tpu.memory_space<vmem>>
        %dma_start3A_172 = tpu.memref_squeeze %dma_start3A_171 : memref<1x1x1x128xi32, #tpu.memory_space<vmem>> -> memref<128xi32, #tpu.memory_space<vmem>>
        %dma_start3A_173 = arith.constant 0 : i32
        %dma_start3A_174 = arith.constant 0 : i32
        %dma_start3A_175 = tpu.memref_slice %arg6[%dma_start3A_173, %dma_start3A_174] : memref<10000x128xf32, #tpu.memory_space<vmem_shared>> -> memref<10000x128xf32, #tpu.memory_space<vmem_shared>>
        tpu.enqueue_indirect_dma source(%dma_start3A_169 : memref<128x128xf32, #tpu.memory_space<vmem>>) target(%dma_start3A_175 : memref<10000x128xf32, #tpu.memory_space<vmem_shared>>) offsets(%dma_start3A_172 : memref<128xi32, #tpu.memory_space<vmem>>) semaphore(%arg12 : memref<!tpu.dma_semaphore, #tpu.memory_space<semaphore_mem>>) {add = true}
      } else {
      }
      %add3A_102 = arith.constant 2 : i32
      %add3A_103 = arith.addi %mul3A_87, %add3A_102 : i32
      %lt3A_104 = arith.cmpi slt, %add3A_103, %add3A_4 : i32
      %convert_element_type3A_105 = arith.extui %lt3A_104 : i1 to i32
      %cond3A_106 = arith.constant 0 : i32
      %cond3A_107 = arith.cmpi ne, %convert_element_type3A_105, %cond3A_106 : i32
      scf.if %cond3A_107 {
        %dma_wait3A_148 = arith.constant 1 : i32
        %dma_wait3A_149 = arith.constant 0 : i32
        %dma_wait3A_150 = arith.constant 0 : i32
        %dma_wait3A_151 = arith.constant 0 : i32
        %dma_wait3A_152 = tpu.memref_slice %arg7[%dma_wait3A_148, %dma_wait3A_149, %dma_wait3A_150, %dma_wait3A_151] : memref<2x2x2x128xi32, #tpu.memory_space<vmem>> -> memref<1x2x2x128xi32, #tpu.memory_space<vmem>>
        %dma_wait3A_153 = tpu.memref_squeeze %dma_wait3A_152 : memref<1x2x2x128xi32, #tpu.memory_space<vmem>> -> memref<2x2x128xi32, #tpu.memory_space<vmem>>
        %dma_wait3A_154 = arith.constant 0 : i32
        %dma_wait3A_155 = arith.constant 0 : i32
        %dma_wait3A_156 = tpu.memref_slice %arg3[%add3A_8, %dma_wait3A_154, %dma_wait3A_155] : memref<2500x2x128xi32, #tpu.memory_space<hbm>> -> memref<2x2x128xi32, #tpu.memory_space<hbm>>
        %dma_wait3A_157 = arith.constant 0 : i32
        %dma_wait3A_158 = arith.constant 0 : i32
        %dma_wait3A_159 = arith.constant 0 : i32
        %dma_wait3A_160 = tpu.memref_slice %arg7[%dma_wait3A_148, %dma_wait3A_157, %dma_wait3A_158, %dma_wait3A_159] : memref<2x2x2x128xi32, #tpu.memory_space<vmem>> -> memref<1x2x2x128xi32, #tpu.memory_space<vmem>>
        %dma_wait3A_161 = tpu.memref_squeeze %dma_wait3A_160 : memref<1x2x2x128xi32, #tpu.memory_space<vmem>> -> memref<2x2x128xi32, #tpu.memory_space<vmem>>
        %dma_wait3A_162 = arith.constant 0 : i32
        %dma_wait3A_163 = arith.constant 0 : i32
        %dma_wait3A_164 = tpu.memref_slice %arg3[%add3A_8, %dma_wait3A_162, %dma_wait3A_163] : memref<2500x2x128xi32, #tpu.memory_space<hbm>> -> memref<2x2x128xi32, #tpu.memory_space<hbm>>
        tpu.wait_dma2 semaphore(%arg14 : memref<!tpu.dma_semaphore, #tpu.memory_space<semaphore_mem>>) src(%dma_wait3A_164 : memref<2x2x128xi32, #tpu.memory_space<hbm>>) dst(%dma_wait3A_161 : memref<2x2x128xi32, #tpu.memory_space<vmem>>)
        %add3A_165 = arith.constant 2 : i32
        %add3A_166 = arith.addi %mul3A_87, %add3A_165 : i32
        %ge3A = arith.constant 2 : i32
        %ge3A_167 = arith.cmpi sge, %add3A_166, %ge3A : i32
        %convert_element_type3A_168 = arith.extui %ge3A_167 : i1 to i32
        %cond3A_169 = arith.constant 0 : i32
        %cond3A_170 = arith.cmpi ne, %convert_element_type3A_168, %cond3A_169 : i32
        scf.if %cond3A_170 {
          %dma_wait3A_190 = arith.constant 0 : i32
          %dma_wait3A_191 = arith.constant 0 : i32
          %dma_wait3A_192 = arith.constant 0 : i32
          %dma_wait3A_193 = arith.constant 1 : i32
          %dma_wait3A_194 = arith.constant 0 : i32
          %dma_wait3A_195 = arith.constant 0 : i32
          %dma_wait3A_196 = tpu.memref_slice %arg8[%dma_wait3A_190, %dma_wait3A_194, %dma_wait3A_195] : memref<2x128x128xf32, #tpu.memory_space<vmem>> -> memref<1x128x128xf32, #tpu.memory_space<vmem>>
          %dma_wait3A_197 = tpu.memref_squeeze %dma_wait3A_196 : memref<1x128x128xf32, #tpu.memory_space<vmem>> -> memref<128x128xf32, #tpu.memory_space<vmem>>
          %dma_wait3A_198 = arith.constant 0 : i32
          %dma_wait3A_199 = tpu.memref_slice %arg7[%dma_wait3A_191, %dma_wait3A_192, %dma_wait3A_193, %dma_wait3A_198] : memref<2x2x2x128xi32, #tpu.memory_space<vmem>> -> memref<1x1x1x128xi32, #tpu.memory_space<vmem>>
          %dma_wait3A_200 = tpu.memref_squeeze %dma_wait3A_199 : memref<1x1x1x128xi32, #tpu.memory_space<vmem>> -> memref<128xi32, #tpu.memory_space<vmem>>
          %dma_wait3A_201 = arith.constant 0 : i32
          %dma_wait3A_202 = arith.constant 0 : i32
          %dma_wait3A_203 = tpu.memref_slice %arg6[%dma_wait3A_201, %dma_wait3A_202] : memref<10000x128xf32, #tpu.memory_space<vmem_shared>> -> memref<10000x128xf32, #tpu.memory_space<vmem_shared>>
          tpu.wait_indirect_dma semaphore(%arg12 : memref<!tpu.dma_semaphore, #tpu.memory_space<semaphore_mem>>) src(%dma_wait3A_197 : memref<128x128xf32, #tpu.memory_space<vmem>>) dst(%dma_wait3A_203 : memref<10000x128xf32, #tpu.memory_space<vmem_shared>>)
        } else {
        }
        %dma_start3A_171 = arith.constant 1 : i32
        %dma_start3A_172 = arith.constant 0 : i32
        %dma_start3A_173 = arith.constant 0 : i32
        %dma_start3A_174 = arith.constant 0 : i32
        %dma_start3A_175 = arith.constant 0 : i32
        %dma_start3A_176 = arith.constant 0 : i32
        %dma_start3A_177 = tpu.memref_slice %arg8[%dma_start3A_174, %dma_start3A_175, %dma_start3A_176] : memref<2x128x128xf32, #tpu.memory_space<vmem>> -> memref<1x128x128xf32, #tpu.memory_space<vmem>>
        %dma_start3A_178 = tpu.memref_squeeze %dma_start3A_177 : memref<1x128x128xf32, #tpu.memory_space<vmem>> -> memref<128x128xf32, #tpu.memory_space<vmem>>
        %dma_start3A_179 = arith.constant 0 : i32
        %dma_start3A_180 = tpu.memref_slice %arg7[%dma_start3A_171, %dma_start3A_172, %dma_start3A_173, %dma_start3A_179] : memref<2x2x2x128xi32, #tpu.memory_space<vmem>> -> memref<1x1x1x128xi32, #tpu.memory_space<vmem>>
        %dma_start3A_181 = tpu.memref_squeeze %dma_start3A_180 : memref<1x1x1x128xi32, #tpu.memory_space<vmem>> -> memref<128xi32, #tpu.memory_space<vmem>>
        %dma_start3A_182 = arith.constant 0 : i32
        %dma_start3A_183 = arith.constant 0 : i32
        %dma_start3A_184 = tpu.memref_slice %arg2[%dma_start3A_182, %dma_start3A_183] : memref<10000x128xf32, #tpu.memory_space<hbm>> -> memref<10000x128xf32, #tpu.memory_space<hbm>>
        tpu.enqueue_indirect_dma source(%dma_start3A_184 : memref<10000x128xf32, #tpu.memory_space<hbm>>) target(%dma_start3A_178 : memref<128x128xf32, #tpu.memory_space<vmem>>) offsets(%dma_start3A_181 : memref<128xi32, #tpu.memory_space<vmem>>) semaphore(%arg10 : memref<!tpu.dma_semaphore, #tpu.memory_space<semaphore_mem>>)
        %scan3A_185 = arith.constant 0 : i32
        %scan3A_186 = arith.constant 8 : i32
        %scan3A_187 = arith.addi %scan3A_185, %scan3A_186 : i32
        %scan3A_188 = arith.constant 1 : i32
        scf.for %scan3A_190 = %scan3A_185 to %scan3A_187 step %scan3A_188  : i32 {
          %mul3A_191 = arith.constant 1 : i32
          %mul3A_192 = arith.muli %scan3A_190, %mul3A_191 : i32
          %add3A_193 = arith.constant 0 : i32
          %add3A_194 = arith.addi %add3A_193, %mul3A_192 : i32
          %mul3A_195 = arith.constant 16 : i32
          %mul3A_196 = arith.muli %add3A_194, %mul3A_195 : i32
          %get3A = arith.constant 1 : i32
          %get3A_197 = arith.constant 0 : i32
          %get3A_198 = arith.constant 1 : i32
          %get3A_199 = arith.index_cast %get3A : i32 to index
          %get3A_200 = arith.index_cast %get3A_197 : i32 to index
          %get3A_201 = arith.index_cast %get3A_198 : i32 to index
          %get3A_202 = arith.index_cast %mul3A_196 : i32 to index
          %get3A_203 = tpu.vector_load %arg7[%get3A_199, %get3A_200, %get3A_201, %get3A_202] {strides = array<i32>} : memref<2x2x2x128xi32, #tpu.memory_space<vmem>>, vector<16xi32>,
          %broadcast_in_dim3A = arith.constant 1.000000e+00 : f32
          %broadcast_in_dim3A_204 = vector.broadcast %broadcast_in_dim3A : f32 to vector<16xf32>
          tpu.vector_store_idx %arg9[%get3A_203], %broadcast_in_dim3A_204 {add = true} : memref<10000xf32, #tpu.memory_space<vmem>>[vector<16xi32>], vector<16xf32>,
        }
        %scan3A_189 = arith.constant 8 : i32
      } else {
      }
      %add3A_108 = arith.constant 1 : i32
      %add3A_109 = arith.addi %mul3A_87, %add3A_108 : i32
      %lt3A_110 = arith.cmpi slt, %add3A_109, %add3A_4 : i32
      %convert_element_type3A_111 = arith.extui %lt3A_110 : i1 to i32
      %cond3A_112 = arith.constant 0 : i32
      %cond3A_113 = arith.cmpi ne, %convert_element_type3A_111, %cond3A_112 : i32
      scf.if %cond3A_113 {
        %dma_wait3A_148 = arith.constant 0 : i32
        %dma_wait3A_149 = arith.constant 0 : i32
        %dma_wait3A_150 = arith.constant 0 : i32
        %dma_wait3A_151 = arith.constant 1 : i32
        %dma_wait3A_152 = arith.constant 0 : i32
        %dma_wait3A_153 = arith.constant 0 : i32
        %dma_wait3A_154 = tpu.memref_slice %arg8[%dma_wait3A_151, %dma_wait3A_152, %dma_wait3A_153] : memref<2x128x128xf32, #tpu.memory_space<vmem>> -> memref<1x128x128xf32, #tpu.memory_space<vmem>>
        %dma_wait3A_155 = tpu.memref_squeeze %dma_wait3A_154 : memref<1x128x128xf32, #tpu.memory_space<vmem>> -> memref<128x128xf32, #tpu.memory_space<vmem>>
        %dma_wait3A_156 = arith.constant 0 : i32
        %dma_wait3A_157 = tpu.memref_slice %arg7[%dma_wait3A_148, %dma_wait3A_149, %dma_wait3A_150, %dma_wait3A_156] : memref<2x2x2x128xi32, #tpu.memory_space<vmem>> -> memref<1x1x1x128xi32, #tpu.memory_space<vmem>>
        %dma_wait3A_158 = tpu.memref_squeeze %dma_wait3A_157 : memref<1x1x1x128xi32, #tpu.memory_space<vmem>> -> memref<128xi32, #tpu.memory_space<vmem>>
        %dma_wait3A_159 = arith.constant 0 : i32
        %dma_wait3A_160 = arith.constant 0 : i32
        %dma_wait3A_161 = tpu.memref_slice %arg2[%dma_wait3A_159, %dma_wait3A_160] : memref<10000x128xf32, #tpu.memory_space<hbm>> -> memref<10000x128xf32, #tpu.memory_space<hbm>>
        tpu.wait_indirect_dma semaphore(%arg11 : memref<!tpu.dma_semaphore, #tpu.memory_space<semaphore_mem>>) src(%dma_wait3A_161 : memref<10000x128xf32, #tpu.memory_space<hbm>>) dst(%dma_wait3A_155 : memref<128x128xf32, #tpu.memory_space<vmem>>)
        %dma_start3A_162 = arith.constant 1 : i32
        %dma_start3A_163 = arith.constant 0 : i32
        %dma_start3A_164 = arith.constant 1 : i32
        %dma_start3A_165 = arith.constant 1 : i32
        %dma_start3A_166 = arith.constant 0 : i32
        %dma_start3A_167 = arith.constant 0 : i32
        %dma_start3A_168 = tpu.memref_slice %arg8[%dma_start3A_162, %dma_start3A_166, %dma_start3A_167] : memref<2x128x128xf32, #tpu.memory_space<vmem>> -> memref<1x128x128xf32, #tpu.memory_space<vmem>>
        %dma_start3A_169 = tpu.memref_squeeze %dma_start3A_168 : memref<1x128x128xf32, #tpu.memory_space<vmem>> -> memref<128x128xf32, #tpu.memory_space<vmem>>
        %dma_start3A_170 = arith.constant 0 : i32
        %dma_start3A_171 = tpu.memref_slice %arg7[%dma_start3A_163, %dma_start3A_164, %dma_start3A_165, %dma_start3A_170] : memref<2x2x2x128xi32, #tpu.memory_space<vmem>> -> memref<1x1x1x128xi32, #tpu.memory_space<vmem>>
        %dma_start3A_172 = tpu.memref_squeeze %dma_start3A_171 : memref<1x1x1x128xi32, #tpu.memory_space<vmem>> -> memref<128xi32, #tpu.memory_space<vmem>>
        %dma_start3A_173 = arith.constant 0 : i32
        %dma_start3A_174 = arith.constant 0 : i32
        %dma_start3A_175 = tpu.memref_slice %arg6[%dma_start3A_173, %dma_start3A_174] : memref<10000x128xf32, #tpu.memory_space<vmem_shared>> -> memref<10000x128xf32, #tpu.memory_space<vmem_shared>>
        tpu.enqueue_indirect_dma source(%dma_start3A_169 : memref<128x128xf32, #tpu.memory_space<vmem>>) target(%dma_start3A_175 : memref<10000x128xf32, #tpu.memory_space<vmem_shared>>) offsets(%dma_start3A_172 : memref<128xi32, #tpu.memory_space<vmem>>) semaphore(%arg13 : memref<!tpu.dma_semaphore, #tpu.memory_space<semaphore_mem>>) {add = true}
      } else {
      }
      %mul3A_114 = arith.constant 2 : i32
      %mul3A_115 = arith.muli %mul3A_114, %add3A_83 : i32
      %add3A_116 = arith.constant 1 : i32
      %add3A_117 = arith.addi %mul3A_115, %add3A_116 : i32
      %mul3A_118 = arith.constant 2 : i32
      %mul3A_119 = arith.muli %mul3A_118, %add3A_117 : i32
      %add3A_120 = arith.constant 1 : i32
      %add3A_121 = arith.addi %mul3A_119, %add3A_120 : i32
      %lt3A_122 = arith.cmpi slt, %add3A_121, %add3A_4 : i32
      %convert_element_type3A_123 = arith.extui %lt3A_122 : i1 to i32
      %cond3A_124 = arith.constant 0 : i32
      %cond3A_125 = arith.cmpi ne, %convert_element_type3A_123, %cond3A_124 : i32
      scf.if %cond3A_125 {
        %add3A_148 = arith.constant 1 : i32
        %add3A_149 = arith.addi %mul3A_119, %add3A_148 : i32
        %ge3A = arith.constant 2 : i32
        %ge3A_150 = arith.cmpi sge, %add3A_149, %ge3A : i32
        %convert_element_type3A_151 = arith.extui %ge3A_150 : i1 to i32
        %cond3A_152 = arith.constant 0 : i32
        %cond3A_153 = arith.cmpi ne, %convert_element_type3A_151, %cond3A_152 : i32
        scf.if %cond3A_153 {
          %dma_wait3A_173 = arith.constant 1 : i32
          %dma_wait3A_174 = arith.constant 0 : i32
          %dma_wait3A_175 = arith.constant 0 : i32
          %dma_wait3A_176 = arith.constant 1 : i32
          %dma_wait3A_177 = arith.constant 0 : i32
          %dma_wait3A_178 = arith.constant 0 : i32
          %dma_wait3A_179 = tpu.memref_slice %arg8[%dma_wait3A_173, %dma_wait3A_177, %dma_wait3A_178] : memref<2x128x128xf32, #tpu.memory_space<vmem>> -> memref<1x128x128xf32, #tpu.memory_space<vmem>>
          %dma_wait3A_180 = tpu.memref_squeeze %dma_wait3A_179 : memref<1x128x128xf32, #tpu.memory_space<vmem>> -> memref<128x128xf32, #tpu.memory_space<vmem>>
          %dma_wait3A_181 = arith.constant 0 : i32
          %dma_wait3A_182 = tpu.memref_slice %arg7[%dma_wait3A_174, %dma_wait3A_175, %dma_wait3A_176, %dma_wait3A_181] : memref<2x2x2x128xi32, #tpu.memory_space<vmem>> -> memref<1x1x1x128xi32, #tpu.memory_space<vmem>>
          %dma_wait3A_183 = tpu.memref_squeeze %dma_wait3A_182 : memref<1x1x1x128xi32, #tpu.memory_space<vmem>> -> memref<128xi32, #tpu.memory_space<vmem>>
          %dma_wait3A_184 = arith.constant 0 : i32
          %dma_wait3A_185 = arith.constant 0 : i32
          %dma_wait3A_186 = tpu.memref_slice %arg6[%dma_wait3A_184, %dma_wait3A_185] : memref<10000x128xf32, #tpu.memory_space<vmem_shared>> -> memref<10000x128xf32, #tpu.memory_space<vmem_shared>>
          tpu.wait_indirect_dma semaphore(%arg13 : memref<!tpu.dma_semaphore, #tpu.memory_space<semaphore_mem>>) src(%dma_wait3A_180 : memref<128x128xf32, #tpu.memory_space<vmem>>) dst(%dma_wait3A_186 : memref<10000x128xf32, #tpu.memory_space<vmem_shared>>)
        } else {
        }
        %dma_start3A_154 = arith.constant 1 : i32
        %dma_start3A_155 = arith.constant 1 : i32
        %dma_start3A_156 = arith.constant 0 : i32
        %dma_start3A_157 = arith.constant 1 : i32
        %dma_start3A_158 = arith.constant 0 : i32
        %dma_start3A_159 = arith.constant 0 : i32
        %dma_start3A_160 = tpu.memref_slice %arg8[%dma_start3A_157, %dma_start3A_158, %dma_start3A_159] : memref<2x128x128xf32, #tpu.memory_space<vmem>> -> memref<1x128x128xf32, #tpu.memory_space<vmem>>
        %dma_start3A_161 = tpu.memref_squeeze %dma_start3A_160 : memref<1x128x128xf32, #tpu.memory_space<vmem>> -> memref<128x128xf32, #tpu.memory_space<vmem>>
        %dma_start3A_162 = arith.constant 0 : i32
        %dma_start3A_163 = tpu.memref_slice %arg7[%dma_start3A_154, %dma_start3A_155, %dma_start3A_156, %dma_start3A_162] : memref<2x2x2x128xi32, #tpu.memory_space<vmem>> -> memref<1x1x1x128xi32, #tpu.memory_space<vmem>>
        %dma_start3A_164 = tpu.memref_squeeze %dma_start3A_163 : memref<1x1x1x128xi32, #tpu.memory_space<vmem>> -> memref<128xi32, #tpu.memory_space<vmem>>
        %dma_start3A_165 = arith.constant 0 : i32
        %dma_start3A_166 = arith.constant 0 : i32
        %dma_start3A_167 = tpu.memref_slice %arg2[%dma_start3A_165, %dma_start3A_166] : memref<10000x128xf32, #tpu.memory_space<hbm>> -> memref<10000x128xf32, #tpu.memory_space<hbm>>
        tpu.enqueue_indirect_dma source(%dma_start3A_167 : memref<10000x128xf32, #tpu.memory_space<hbm>>) target(%dma_start3A_161 : memref<128x128xf32, #tpu.memory_space<vmem>>) offsets(%dma_start3A_164 : memref<128xi32, #tpu.memory_space<vmem>>) semaphore(%arg11 : memref<!tpu.dma_semaphore, #tpu.memory_space<semaphore_mem>>)
        %scan3A_168 = arith.constant 0 : i32
        %scan3A_169 = arith.constant 8 : i32
        %scan3A_170 = arith.addi %scan3A_168, %scan3A_169 : i32
        %scan3A_171 = arith.constant 1 : i32
        scf.for %scan3A_173 = %scan3A_168 to %scan3A_170 step %scan3A_171  : i32 {
          %mul3A_174 = arith.constant 1 : i32
          %mul3A_175 = arith.muli %scan3A_173, %mul3A_174 : i32
          %add3A_176 = arith.constant 0 : i32
          %add3A_177 = arith.addi %add3A_176, %mul3A_175 : i32
          %mul3A_178 = arith.constant 16 : i32
          %mul3A_179 = arith.muli %add3A_177, %mul3A_178 : i32
          %get3A = arith.constant 1 : i32
          %get3A_180 = arith.constant 1 : i32
          %get3A_181 = arith.constant 1 : i32
          %get3A_182 = arith.index_cast %get3A : i32 to index
          %get3A_183 = arith.index_cast %get3A_180 : i32 to index
          %get3A_184 = arith.index_cast %get3A_181 : i32 to index
          %get3A_185 = arith.index_cast %mul3A_179 : i32 to index
          %get3A_186 = tpu.vector_load %arg7[%get3A_182, %get3A_183, %get3A_184, %get3A_185] {strides = array<i32>} : memref<2x2x2x128xi32, #tpu.memory_space<vmem>>, vector<16xi32>,
          %broadcast_in_dim3A = arith.constant 1.000000e+00 : f32
          %broadcast_in_dim3A_187 = vector.broadcast %broadcast_in_dim3A : f32 to vector<16xf32>
          tpu.vector_store_idx %arg9[%get3A_186], %broadcast_in_dim3A_187 {add = true} : memref<10000xf32, #tpu.memory_space<vmem>>[vector<16xi32>], vector<16xf32>,
        }
        %scan3A_172 = arith.constant 8 : i32
      } else {
      }
      %add3A_126 = arith.constant 2 : i32
      %add3A_127 = arith.addi %mul3A_119, %add3A_126 : i32
      %lt3A_128 = arith.cmpi slt, %add3A_127, %add3A_4 : i32
      %convert_element_type3A_129 = arith.extui %lt3A_128 : i1 to i32
      %cond3A_130 = arith.constant 0 : i32
      %cond3A_131 = arith.cmpi ne, %convert_element_type3A_129, %cond3A_130 : i32
      scf.if %cond3A_131 {
        %add3A_148 = arith.constant 1 : i32
        %add3A_149 = arith.addi %add3A_117, %add3A_148 : i32
        %mul3A_150 = arith.constant 2 : i32
        %mul3A_151 = arith.muli %mul3A_150, %add3A_149 : i32
        %add3A_152 = arith.addi %add3A_8, %mul3A_151 : i32
        %dma_start3A_153 = arith.constant 0 : i32
        %dma_start3A_154 = arith.constant 0 : i32
        %dma_start3A_155 = arith.constant 0 : i32
        %dma_start3A_156 = arith.constant 0 : i32
        %dma_start3A_157 = tpu.memref_slice %arg7[%dma_start3A_153, %dma_start3A_154, %dma_start3A_155, %dma_start3A_156] : memref<2x2x2x128xi32, #tpu.memory_space<vmem>> -> memref<1x2x2x128xi32, #tpu.memory_space<vmem>>
        %dma_start3A_158 = tpu.memref_squeeze %dma_start3A_157 : memref<1x2x2x128xi32, #tpu.memory_space<vmem>> -> memref<2x2x128xi32, #tpu.memory_space<vmem>>
        %dma_start3A_159 = arith.constant 0 : i32
        %dma_start3A_160 = arith.constant 0 : i32
        %dma_start3A_161 = tpu.memref_slice %arg3[%add3A_152, %dma_start3A_159, %dma_start3A_160] : memref<2500x2x128xi32, #tpu.memory_space<hbm>> -> memref<2x2x128xi32, #tpu.memory_space<hbm>>
        %dma_start3A_162 = arith.constant 0 : i32
        %dma_start3A_163 = arith.constant 0 : i32
        %dma_start3A_164 = arith.constant 0 : i32
        %dma_start3A_165 = tpu.memref_slice %arg7[%dma_start3A_153, %dma_start3A_162, %dma_start3A_163, %dma_start3A_164] : memref<2x2x2x128xi32, #tpu.memory_space<vmem>> -> memref<1x2x2x128xi32, #tpu.memory_space<vmem>>
        %dma_start3A_166 = tpu.memref_squeeze %dma_start3A_165 : memref<1x2x2x128xi32, #tpu.memory_space<vmem>> -> memref<2x2x128xi32, #tpu.memory_space<vmem>>
        %dma_start3A_167 = arith.constant 0 : i32
        %dma_start3A_168 = arith.constant 0 : i32
        %dma_start3A_169 = tpu.memref_slice %arg3[%add3A_152, %dma_start3A_167, %dma_start3A_168] : memref<2500x2x128xi32, #tpu.memory_space<hbm>> -> memref<2x2x128xi32, #tpu.memory_space<hbm>>
        tpu.enqueue_dma source(%dma_start3A_169 : memref<2x2x128xi32, #tpu.memory_space<hbm>>) target(%dma_start3A_166 : memref<2x2x128xi32, #tpu.memory_space<vmem>>) target_semaphore(%arg14 : memref<!tpu.dma_semaphore, #tpu.memory_space<semaphore_mem>>)
      } else {
      }
      %lt3A_132 = arith.cmpi slt, %mul3A_119, %add3A_4 : i32
      %convert_element_type3A_133 = arith.extui %lt3A_132 : i1 to i32
      %cond3A_134 = arith.constant 0 : i32
      %cond3A_135 = arith.cmpi ne, %convert_element_type3A_133, %cond3A_134 : i32
      scf.if %cond3A_135 {
        %dma_wait3A_148 = arith.constant 0 : i32
        %dma_wait3A_149 = arith.constant 0 : i32
        %dma_wait3A_150 = arith.constant 0 : i32
        %dma_wait3A_151 = arith.constant 0 : i32
        %dma_wait3A_152 = arith.constant 0 : i32
        %dma_wait3A_153 = arith.constant 0 : i32
        %dma_wait3A_154 = tpu.memref_slice %arg8[%dma_wait3A_151, %dma_wait3A_152, %dma_wait3A_153] : memref<2x128x128xf32, #tpu.memory_space<vmem>> -> memref<1x128x128xf32, #tpu.memory_space<vmem>>
        %dma_wait3A_155 = tpu.memref_squeeze %dma_wait3A_154 : memref<1x128x128xf32, #tpu.memory_space<vmem>> -> memref<128x128xf32, #tpu.memory_space<vmem>>
        %dma_wait3A_156 = arith.constant 0 : i32
        %dma_wait3A_157 = tpu.memref_slice %arg7[%dma_wait3A_148, %dma_wait3A_149, %dma_wait3A_150, %dma_wait3A_156] : memref<2x2x2x128xi32, #tpu.memory_space<vmem>> -> memref<1x1x1x128xi32, #tpu.memory_space<vmem>>
        %dma_wait3A_158 = tpu.memref_squeeze %dma_wait3A_157 : memref<1x1x1x128xi32, #tpu.memory_space<vmem>> -> memref<128xi32, #tpu.memory_space<vmem>>
        %dma_wait3A_159 = arith.constant 0 : i32
        %dma_wait3A_160 = arith.constant 0 : i32
        %dma_wait3A_161 = tpu.memref_slice %arg2[%dma_wait3A_159, %dma_wait3A_160] : memref<10000x128xf32, #tpu.memory_space<hbm>> -> memref<10000x128xf32, #tpu.memory_space<hbm>>
        tpu.wait_indirect_dma semaphore(%arg10 : memref<!tpu.dma_semaphore, #tpu.memory_space<semaphore_mem>>) src(%dma_wait3A_161 : memref<10000x128xf32, #tpu.memory_space<hbm>>) dst(%dma_wait3A_155 : memref<128x128xf32, #tpu.memory_space<vmem>>)
        %dma_start3A_162 = arith.constant 0 : i32
        %dma_start3A_163 = arith.constant 1 : i32
        %dma_start3A_164 = arith.constant 0 : i32
        %dma_start3A_165 = arith.constant 1 : i32
        %dma_start3A_166 = arith.constant 0 : i32
        %dma_start3A_167 = arith.constant 0 : i32
        %dma_start3A_168 = tpu.memref_slice %arg8[%dma_start3A_162, %dma_start3A_166, %dma_start3A_167] : memref<2x128x128xf32, #tpu.memory_space<vmem>> -> memref<1x128x128xf32, #tpu.memory_space<vmem>>
        %dma_start3A_169 = tpu.memref_squeeze %dma_start3A_168 : memref<1x128x128xf32, #tpu.memory_space<vmem>> -> memref<128x128xf32, #tpu.memory_space<vmem>>
        %dma_start3A_170 = arith.constant 0 : i32
        %dma_start3A_171 = tpu.memref_slice %arg7[%dma_start3A_163, %dma_start3A_164, %dma_start3A_165, %dma_start3A_170] : memref<2x2x2x128xi32, #tpu.memory_space<vmem>> -> memref<1x1x1x128xi32, #tpu.memory_space<vmem>>
        %dma_start3A_172 = tpu.memref_squeeze %dma_start3A_171 : memref<1x1x1x128xi32, #tpu.memory_space<vmem>> -> memref<128xi32, #tpu.memory_space<vmem>>
        %dma_start3A_173 = arith.constant 0 : i32
        %dma_start3A_174 = arith.constant 0 : i32
        %dma_start3A_175 = tpu.memref_slice %arg6[%dma_start3A_173, %dma_start3A_174] : memref<10000x128xf32, #tpu.memory_space<vmem_shared>> -> memref<10000x128xf32, #tpu.memory_space<vmem_shared>>
        tpu.enqueue_indirect_dma source(%dma_start3A_169 : memref<128x128xf32, #tpu.memory_space<vmem>>) target(%dma_start3A_175 : memref<10000x128xf32, #tpu.memory_space<vmem_shared>>) offsets(%dma_start3A_172 : memref<128xi32, #tpu.memory_space<vmem>>) semaphore(%arg12 : memref<!tpu.dma_semaphore, #tpu.memory_space<semaphore_mem>>) {add = true}
      } else {
      }
      %add3A_136 = arith.constant 2 : i32
      %add3A_137 = arith.addi %mul3A_119, %add3A_136 : i32
      %lt3A_138 = arith.cmpi slt, %add3A_137, %add3A_4 : i32
      %convert_element_type3A_139 = arith.extui %lt3A_138 : i1 to i32
      %cond3A_140 = arith.constant 0 : i32
      %cond3A_141 = arith.cmpi ne, %convert_element_type3A_139, %cond3A_140 : i32
      scf.if %cond3A_141 {
        %dma_wait3A_148 = arith.constant 0 : i32
        %dma_wait3A_149 = arith.constant 0 : i32
        %dma_wait3A_150 = arith.constant 0 : i32
        %dma_wait3A_151 = arith.constant 0 : i32
        %dma_wait3A_152 = tpu.memref_slice %arg7[%dma_wait3A_148, %dma_wait3A_149, %dma_wait3A_150, %dma_wait3A_151] : memref<2x2x2x128xi32, #tpu.memory_space<vmem>> -> memref<1x2x2x128xi32, #tpu.memory_space<vmem>>
        %dma_wait3A_153 = tpu.memref_squeeze %dma_wait3A_152 : memref<1x2x2x128xi32, #tpu.memory_space<vmem>> -> memref<2x2x128xi32, #tpu.memory_space<vmem>>
        %dma_wait3A_154 = arith.constant 0 : i32
        %dma_wait3A_155 = arith.constant 0 : i32
        %dma_wait3A_156 = tpu.memref_slice %arg3[%add3A_8, %dma_wait3A_154, %dma_wait3A_155] : memref<2500x2x128xi32, #tpu.memory_space<hbm>> -> memref<2x2x128xi32, #tpu.memory_space<hbm>>
        %dma_wait3A_157 = arith.constant 0 : i32
        %dma_wait3A_158 = arith.constant 0 : i32
        %dma_wait3A_159 = arith.constant 0 : i32
        %dma_wait3A_160 = tpu.memref_slice %arg7[%dma_wait3A_148, %dma_wait3A_157, %dma_wait3A_158, %dma_wait3A_159] : memref<2x2x2x128xi32, #tpu.memory_space<vmem>> -> memref<1x2x2x128xi32, #tpu.memory_space<vmem>>
        %dma_wait3A_161 = tpu.memref_squeeze %dma_wait3A_160 : memref<1x2x2x128xi32, #tpu.memory_space<vmem>> -> memref<2x2x128xi32, #tpu.memory_space<vmem>>
        %dma_wait3A_162 = arith.constant 0 : i32
        %dma_wait3A_163 = arith.constant 0 : i32
        %dma_wait3A_164 = tpu.memref_slice %arg3[%add3A_8, %dma_wait3A_162, %dma_wait3A_163] : memref<2500x2x128xi32, #tpu.memory_space<hbm>> -> memref<2x2x128xi32, #tpu.memory_space<hbm>>
        tpu.wait_dma2 semaphore(%arg14 : memref<!tpu.dma_semaphore, #tpu.memory_space<semaphore_mem>>) src(%dma_wait3A_164 : memref<2x2x128xi32, #tpu.memory_space<hbm>>) dst(%dma_wait3A_161 : memref<2x2x128xi32, #tpu.memory_space<vmem>>)
        %add3A_165 = arith.constant 2 : i32
        %add3A_166 = arith.addi %mul3A_119, %add3A_165 : i32
        %ge3A = arith.constant 2 : i32
        %ge3A_167 = arith.cmpi sge, %add3A_166, %ge3A : i32
        %convert_element_type3A_168 = arith.extui %ge3A_167 : i1 to i32
        %cond3A_169 = arith.constant 0 : i32
        %cond3A_170 = arith.cmpi ne, %convert_element_type3A_168, %cond3A_169 : i32
        scf.if %cond3A_170 {
          %dma_wait3A_190 = arith.constant 0 : i32
          %dma_wait3A_191 = arith.constant 0 : i32
          %dma_wait3A_192 = arith.constant 0 : i32
          %dma_wait3A_193 = arith.constant 1 : i32
          %dma_wait3A_194 = arith.constant 0 : i32
          %dma_wait3A_195 = arith.constant 0 : i32
          %dma_wait3A_196 = tpu.memref_slice %arg8[%dma_wait3A_190, %dma_wait3A_194, %dma_wait3A_195] : memref<2x128x128xf32, #tpu.memory_space<vmem>> -> memref<1x128x128xf32, #tpu.memory_space<vmem>>
          %dma_wait3A_197 = tpu.memref_squeeze %dma_wait3A_196 : memref<1x128x128xf32, #tpu.memory_space<vmem>> -> memref<128x128xf32, #tpu.memory_space<vmem>>
          %dma_wait3A_198 = arith.constant 0 : i32
          %dma_wait3A_199 = tpu.memref_slice %arg7[%dma_wait3A_191, %dma_wait3A_192, %dma_wait3A_193, %dma_wait3A_198] : memref<2x2x2x128xi32, #tpu.memory_space<vmem>> -> memref<1x1x1x128xi32, #tpu.memory_space<vmem>>
          %dma_wait3A_200 = tpu.memref_squeeze %dma_wait3A_199 : memref<1x1x1x128xi32, #tpu.memory_space<vmem>> -> memref<128xi32, #tpu.memory_space<vmem>>
          %dma_wait3A_201 = arith.constant 0 : i32
          %dma_wait3A_202 = arith.constant 0 : i32
          %dma_wait3A_203 = tpu.memref_slice %arg6[%dma_wait3A_201, %dma_wait3A_202] : memref<10000x128xf32, #tpu.memory_space<vmem_shared>> -> memref<10000x128xf32, #tpu.memory_space<vmem_shared>>
          tpu.wait_indirect_dma semaphore(%arg12 : memref<!tpu.dma_semaphore, #tpu.memory_space<semaphore_mem>>) src(%dma_wait3A_197 : memref<128x128xf32, #tpu.memory_space<vmem>>) dst(%dma_wait3A_203 : memref<10000x128xf32, #tpu.memory_space<vmem_shared>>)
        } else {
        }
        %dma_start3A_171 = arith.constant 0 : i32
        %dma_start3A_172 = arith.constant 0 : i32
        %dma_start3A_173 = arith.constant 0 : i32
        %dma_start3A_174 = arith.constant 0 : i32
        %dma_start3A_175 = arith.constant 0 : i32
        %dma_start3A_176 = arith.constant 0 : i32
        %dma_start3A_177 = tpu.memref_slice %arg8[%dma_start3A_174, %dma_start3A_175, %dma_start3A_176] : memref<2x128x128xf32, #tpu.memory_space<vmem>> -> memref<1x128x128xf32, #tpu.memory_space<vmem>>
        %dma_start3A_178 = tpu.memref_squeeze %dma_start3A_177 : memref<1x128x128xf32, #tpu.memory_space<vmem>> -> memref<128x128xf32, #tpu.memory_space<vmem>>
        %dma_start3A_179 = arith.constant 0 : i32
        %dma_start3A_180 = tpu.memref_slice %arg7[%dma_start3A_171, %dma_start3A_172, %dma_start3A_173, %dma_start3A_179] : memref<2x2x2x128xi32, #tpu.memory_space<vmem>> -> memref<1x1x1x128xi32, #tpu.memory_space<vmem>>
        %dma_start3A_181 = tpu.memref_squeeze %dma_start3A_180 : memref<1x1x1x128xi32, #tpu.memory_space<vmem>> -> memref<128xi32, #tpu.memory_space<vmem>>
        %dma_start3A_182 = arith.constant 0 : i32
        %dma_start3A_183 = arith.constant 0 : i32
        %dma_start3A_184 = tpu.memref_slice %arg2[%dma_start3A_182, %dma_start3A_183] : memref<10000x128xf32, #tpu.memory_space<hbm>> -> memref<10000x128xf32, #tpu.memory_space<hbm>>
        tpu.enqueue_indirect_dma source(%dma_start3A_184 : memref<10000x128xf32, #tpu.memory_space<hbm>>) target(%dma_start3A_178 : memref<128x128xf32, #tpu.memory_space<vmem>>) offsets(%dma_start3A_181 : memref<128xi32, #tpu.memory_space<vmem>>) semaphore(%arg10 : memref<!tpu.dma_semaphore, #tpu.memory_space<semaphore_mem>>)
        %scan3A_185 = arith.constant 0 : i32
        %scan3A_186 = arith.constant 8 : i32
        %scan3A_187 = arith.addi %scan3A_185, %scan3A_186 : i32
        %scan3A_188 = arith.constant 1 : i32
        scf.for %scan3A_190 = %scan3A_185 to %scan3A_187 step %scan3A_188  : i32 {
          %mul3A_191 = arith.constant 1 : i32
          %mul3A_192 = arith.muli %scan3A_190, %mul3A_191 : i32
          %add3A_193 = arith.constant 0 : i32
          %add3A_194 = arith.addi %add3A_193, %mul3A_192 : i32
          %mul3A_195 = arith.constant 16 : i32
          %mul3A_196 = arith.muli %add3A_194, %mul3A_195 : i32
          %get3A = arith.constant 0 : i32
          %get3A_197 = arith.constant 0 : i32
          %get3A_198 = arith.constant 1 : i32
          %get3A_199 = arith.index_cast %get3A : i32 to index
          %get3A_200 = arith.index_cast %get3A_197 : i32 to index
          %get3A_201 = arith.index_cast %get3A_198 : i32 to index
          %get3A_202 = arith.index_cast %mul3A_196 : i32 to index
          %get3A_203 = tpu.vector_load %arg7[%get3A_199, %get3A_200, %get3A_201, %get3A_202] {strides = array<i32>} : memref<2x2x2x128xi32, #tpu.memory_space<vmem>>, vector<16xi32>,
          %broadcast_in_dim3A = arith.constant 1.000000e+00 : f32
          %broadcast_in_dim3A_204 = vector.broadcast %broadcast_in_dim3A : f32 to vector<16xf32>
          tpu.vector_store_idx %arg9[%get3A_203], %broadcast_in_dim3A_204 {add = true} : memref<10000xf32, #tpu.memory_space<vmem>>[vector<16xi32>], vector<16xf32>,
        }
        %scan3A_189 = arith.constant 8 : i32
      } else {
      }
      %add3A_142 = arith.constant 1 : i32
      %add3A_143 = arith.addi %mul3A_119, %add3A_142 : i32
      %lt3A_144 = arith.cmpi slt, %add3A_143, %add3A_4 : i32
      %convert_element_type3A_145 = arith.extui %lt3A_144 : i1 to i32
      %cond3A_146 = arith.constant 0 : i32
      %cond3A_147 = arith.cmpi ne, %convert_element_type3A_145, %cond3A_146 : i32
      scf.if %cond3A_147 {
        %dma_wait3A_148 = arith.constant 0 : i32
        %dma_wait3A_149 = arith.constant 0 : i32
        %dma_wait3A_150 = arith.constant 0 : i32
        %dma_wait3A_151 = arith.constant 1 : i32
        %dma_wait3A_152 = arith.constant 0 : i32
        %dma_wait3A_153 = arith.constant 0 : i32
        %dma_wait3A_154 = tpu.memref_slice %arg8[%dma_wait3A_151, %dma_wait3A_152, %dma_wait3A_153] : memref<2x128x128xf32, #tpu.memory_space<vmem>> -> memref<1x128x128xf32, #tpu.memory_space<vmem>>
        %dma_wait3A_155 = tpu.memref_squeeze %dma_wait3A_154 : memref<1x128x128xf32, #tpu.memory_space<vmem>> -> memref<128x128xf32, #tpu.memory_space<vmem>>
        %dma_wait3A_156 = arith.constant 0 : i32
        %dma_wait3A_157 = tpu.memref_slice %arg7[%dma_wait3A_148, %dma_wait3A_149, %dma_wait3A_150, %dma_wait3A_156] : memref<2x2x2x128xi32, #tpu.memory_space<vmem>> -> memref<1x1x1x128xi32, #tpu.memory_space<vmem>>
        %dma_wait3A_158 = tpu.memref_squeeze %dma_wait3A_157 : memref<1x1x1x128xi32, #tpu.memory_space<vmem>> -> memref<128xi32, #tpu.memory_space<vmem>>
        %dma_wait3A_159 = arith.constant 0 : i32
        %dma_wait3A_160 = arith.constant 0 : i32
        %dma_wait3A_161 = tpu.memref_slice %arg2[%dma_wait3A_159, %dma_wait3A_160] : memref<10000x128xf32, #tpu.memory_space<hbm>> -> memref<10000x128xf32, #tpu.memory_space<hbm>>
        tpu.wait_indirect_dma semaphore(%arg11 : memref<!tpu.dma_semaphore, #tpu.memory_space<semaphore_mem>>) src(%dma_wait3A_161 : memref<10000x128xf32, #tpu.memory_space<hbm>>) dst(%dma_wait3A_155 : memref<128x128xf32, #tpu.memory_space<vmem>>)
        %dma_start3A_162 = arith.constant 1 : i32
        %dma_start3A_163 = arith.constant 1 : i32
        %dma_start3A_164 = arith.constant 1 : i32
        %dma_start3A_165 = arith.constant 1 : i32
        %dma_start3A_166 = arith.constant 0 : i32
        %dma_start3A_167 = arith.constant 0 : i32
        %dma_start3A_168 = tpu.memref_slice %arg8[%dma_start3A_162, %dma_start3A_166, %dma_start3A_167] : memref<2x128x128xf32, #tpu.memory_space<vmem>> -> memref<1x128x128xf32, #tpu.memory_space<vmem>>
        %dma_start3A_169 = tpu.memref_squeeze %dma_start3A_168 : memref<1x128x128xf32, #tpu.memory_space<vmem>> -> memref<128x128xf32, #tpu.memory_space<vmem>>
        %dma_start3A_170 = arith.constant 0 : i32
        %dma_start3A_171 = tpu.memref_slice %arg7[%dma_start3A_163, %dma_start3A_164, %dma_start3A_165, %dma_start3A_170] : memref<2x2x2x128xi32, #tpu.memory_space<vmem>> -> memref<1x1x1x128xi32, #tpu.memory_space<vmem>>
        %dma_start3A_172 = tpu.memref_squeeze %dma_start3A_171 : memref<1x1x1x128xi32, #tpu.memory_space<vmem>> -> memref<128xi32, #tpu.memory_space<vmem>>
        %dma_start3A_173 = arith.constant 0 : i32
        %dma_start3A_174 = arith.constant 0 : i32
        %dma_start3A_175 = tpu.memref_slice %arg6[%dma_start3A_173, %dma_start3A_174] : memref<10000x128xf32, #tpu.memory_space<vmem_shared>> -> memref<10000x128xf32, #tpu.memory_space<vmem_shared>>
        tpu.enqueue_indirect_dma source(%dma_start3A_169 : memref<128x128xf32, #tpu.memory_space<vmem>>) target(%dma_start3A_175 : memref<10000x128xf32, #tpu.memory_space<vmem_shared>>) offsets(%dma_start3A_172 : memref<128xi32, #tpu.memory_space<vmem>>) semaphore(%arg13 : memref<!tpu.dma_semaphore, #tpu.memory_space<semaphore_mem>>) {add = true}
      } else {
      }
    }
    %scan3A_45 = arith.constant 20 : i32
    %dma_wait3A = arith.constant 0 : i32
    %dma_wait3A_46 = arith.constant 0 : i32
    %dma_wait3A_47 = arith.constant 0 : i32
    %dma_wait3A_48 = arith.constant 1 : i32
    %dma_wait3A_49 = arith.constant 0 : i32
    %dma_wait3A_50 = arith.constant 0 : i32
    %dma_wait3A_51 = tpu.memref_slice %arg8[%dma_wait3A, %dma_wait3A_49, %dma_wait3A_50] : memref<2x128x128xf32, #tpu.memory_space<vmem>> -> memref<1x128x128xf32, #tpu.memory_space<vmem>>
    %dma_wait3A_52 = tpu.memref_squeeze %dma_wait3A_51 : memref<1x128x128xf32, #tpu.memory_space<vmem>> -> memref<128x128xf32, #tpu.memory_space<vmem>>
    %dma_wait3A_53 = arith.constant 0 : i32
    %dma_wait3A_54 = tpu.memref_slice %arg7[%dma_wait3A_46, %dma_wait3A_47, %dma_wait3A_48, %dma_wait3A_53] : memref<2x2x2x128xi32, #tpu.memory_space<vmem>> -> memref<1x1x1x128xi32, #tpu.memory_space<vmem>>
    %dma_wait3A_55 = tpu.memref_squeeze %dma_wait3A_54 : memref<1x1x1x128xi32, #tpu.memory_space<vmem>> -> memref<128xi32, #tpu.memory_space<vmem>>
    %dma_wait3A_56 = arith.constant 0 : i32
    %dma_wait3A_57 = arith.constant 0 : i32
    %dma_wait3A_58 = tpu.memref_slice %arg6[%dma_wait3A_56, %dma_wait3A_57] : memref<10000x128xf32, #tpu.memory_space<vmem_shared>> -> memref<10000x128xf32, #tpu.memory_space<vmem_shared>>
    tpu.wait_indirect_dma semaphore(%arg12 : memref<!tpu.dma_semaphore, #tpu.memory_space<semaphore_mem>>) src(%dma_wait3A_52 : memref<128x128xf32, #tpu.memory_space<vmem>>) dst(%dma_wait3A_58 : memref<10000x128xf32, #tpu.memory_space<vmem_shared>>)
    %dma_wait3A_59 = arith.constant 1 : i32
    %dma_wait3A_60 = arith.constant 0 : i32
    %dma_wait3A_61 = arith.constant 0 : i32
    %dma_wait3A_62 = arith.constant 1 : i32
    %dma_wait3A_63 = arith.constant 0 : i32
    %dma_wait3A_64 = arith.constant 0 : i32
    %dma_wait3A_65 = tpu.memref_slice %arg8[%dma_wait3A_59, %dma_wait3A_63, %dma_wait3A_64] : memref<2x128x128xf32, #tpu.memory_space<vmem>> -> memref<1x128x128xf32, #tpu.memory_space<vmem>>
    %dma_wait3A_66 = tpu.memref_squeeze %dma_wait3A_65 : memref<1x128x128xf32, #tpu.memory_space<vmem>> -> memref<128x128xf32, #tpu.memory_space<vmem>>
    %dma_wait3A_67 = arith.constant 0 : i32
    %dma_wait3A_68 = tpu.memref_slice %arg7[%dma_wait3A_60, %dma_wait3A_61, %dma_wait3A_62, %dma_wait3A_67] : memref<2x2x2x128xi32, #tpu.memory_space<vmem>> -> memref<1x1x1x128xi32, #tpu.memory_space<vmem>>
    %dma_wait3A_69 = tpu.memref_squeeze %dma_wait3A_68 : memref<1x1x1x128xi32, #tpu.memory_space<vmem>> -> memref<128xi32, #tpu.memory_space<vmem>>
    %dma_wait3A_70 = arith.constant 0 : i32
    %dma_wait3A_71 = arith.constant 0 : i32
    %dma_wait3A_72 = tpu.memref_slice %arg6[%dma_wait3A_70, %dma_wait3A_71] : memref<10000x128xf32, #tpu.memory_space<vmem_shared>> -> memref<10000x128xf32, #tpu.memory_space<vmem_shared>>
    tpu.wait_indirect_dma semaphore(%arg13 : memref<!tpu.dma_semaphore, #tpu.memory_space<semaphore_mem>>) src(%dma_wait3A_66 : memref<128x128xf32, #tpu.memory_space<vmem>>) dst(%dma_wait3A_72 : memref<10000x128xf32, #tpu.memory_space<vmem_shared>>)
    "tpu.region"() ({
      %run_scoped3A_79 = tpu.sem_alloc : memref<!tpu.dma_semaphore, #tpu.memory_space<semaphore_mem>>
      %dma_start3A_80 = arith.constant 0 : i32
      %dma_start3A_81 = tpu.memref_slice %arg5[%add3A, %dma_start3A_80] : memref<32x10000xf32, #tpu.memory_space<hbm>> -> memref<1x10000xf32, #tpu.memory_space<hbm>>
      %dma_start3A_82 = tpu.memref_squeeze %dma_start3A_81 : memref<1x10000xf32, #tpu.memory_space<hbm>> -> memref<10000xf32, #tpu.memory_space<hbm>>
      %dma_start3A_83 = arith.constant 0 : i32
      %dma_start3A_84 = tpu.memref_slice %arg5[%add3A, %dma_start3A_83] : memref<32x10000xf32, #tpu.memory_space<hbm>> -> memref<1x10000xf32, #tpu.memory_space<hbm>>
      %dma_start3A_85 = tpu.memref_squeeze %dma_start3A_84 : memref<1x10000xf32, #tpu.memory_space<hbm>> -> memref<10000xf32, #tpu.memory_space<hbm>>
      tpu.enqueue_dma source(%arg9 : memref<10000xf32, #tpu.memory_space<vmem>>) target(%dma_start3A_85 : memref<10000xf32, #tpu.memory_space<hbm>>) target_semaphore(%run_scoped3A_79 : memref<!tpu.dma_semaphore, #tpu.memory_space<semaphore_mem>>)
      %dma_wait3A_86 = arith.constant 0 : i32
      %dma_wait3A_87 = tpu.memref_slice %arg5[%add3A, %dma_wait3A_86] : memref<32x10000xf32, #tpu.memory_space<hbm>> -> memref<1x10000xf32, #tpu.memory_space<hbm>>
      %dma_wait3A_88 = tpu.memref_squeeze %dma_wait3A_87 : memref<1x10000xf32, #tpu.memory_space<hbm>> -> memref<10000xf32, #tpu.memory_space<hbm>>
      %dma_wait3A_89 = arith.constant 0 : i32
      %dma_wait3A_90 = tpu.memref_slice %arg5[%add3A, %dma_wait3A_89] : memref<32x10000xf32, #tpu.memory_space<hbm>> -> memref<1x10000xf32, #tpu.memory_space<hbm>>
      %dma_wait3A_91 = tpu.memref_squeeze %dma_wait3A_90 : memref<1x10000xf32, #tpu.memory_space<hbm>> -> memref<10000xf32, #tpu.memory_space<hbm>>
      tpu.wait_dma2 semaphore(%run_scoped3A_79 : memref<!tpu.dma_semaphore, #tpu.memory_space<semaphore_mem>>) src(%arg9 : memref<10000xf32, #tpu.memory_space<vmem>>) dst(%dma_wait3A_91 : memref<10000xf32, #tpu.memory_space<hbm>>)
      tpu.yield
    }) : () -> ()
    %barrier3A_73 = arith.constant 0 : index
    tpu.barrier barrier_id(%barrier3A_73)
    %scan3A_74 = arith.constant 0 : i32
    %scan3A_75 = arith.constant 8 : i32
    %scan3A_76 = arith.addi %scan3A_74, %scan3A_75 : i32
    %scan3A_77 = arith.constant 1 : i32
    scf.for %scan3A_79 = %scan3A_74 to %scan3A_76 step %scan3A_77  : i32 {
      %mul3A_80 = arith.constant 1 : i32
      %mul3A_81 = arith.muli %scan3A_79, %mul3A_80 : i32
      %add3A_82 = arith.constant 0 : i32
      %add3A_83 = arith.addi %add3A_82, %mul3A_81 : i32
      %mul3A_84 = arith.constant 16 : i32
      %mul3A_85 = arith.muli %add3A_83, %mul3A_84 : i32
      %add3A_86 = arith.addi %arg1, %mul3A_85 : i32
      %lt3A_87 = arith.constant 125 : i32
      %lt3A_88 = arith.cmpi slt, %add3A_86, %lt3A_87 : i32
      %convert_element_type3A = arith.extui %lt3A_88 : i1 to i32
      %cond3A = arith.constant 0 : i32
      %cond3A_89 = arith.cmpi ne, %convert_element_type3A, %cond3A : i32
      scf.if %cond3A_89 {
        %mul3A_90 = arith.constant 80 : i32
        %mul3A_91 = arith.muli %add3A_86, %mul3A_90 : i32
        "tpu.region"() ({
          %run_scoped3A_92 = tpu.sem_alloc : memref<!tpu.dma_semaphore, #tpu.memory_space<semaphore_mem>>
          %dma_start3A_93 = arith.constant 0 : i32
          %dma_start3A_94 = tpu.memref_slice %arg4[%arg0, %mul3A_91, %dma_start3A_93] : memref<2x10000x128xf32, #tpu.memory_space<hbm>> -> memref<1x80x128xf32, #tpu.memory_space<hbm>>
          %dma_start3A_95 = tpu.memref_squeeze %dma_start3A_94 : memref<1x80x128xf32, #tpu.memory_space<hbm>> -> memref<80x128xf32, #tpu.memory_space<hbm>>
          %dma_start3A_96 = arith.constant 0 : i32
          %dma_start3A_97 = tpu.memref_slice %arg6[%mul3A_91, %dma_start3A_96] : memref<10000x128xf32, #tpu.memory_space<vmem_shared>> -> memref<80x128xf32, #tpu.memory_space<vmem_shared>>
          tpu.enqueue_dma source(%dma_start3A_97 : memref<80x128xf32, #tpu.memory_space<vmem_shared>>) target(%dma_start3A_95 : memref<80x128xf32, #tpu.memory_space<hbm>>) target_semaphore(%run_scoped3A_92 : memref<!tpu.dma_semaphore, #tpu.memory_space<semaphore_mem>>)
          %dma_wait3A_98 = arith.constant 0 : i32
          %dma_wait3A_99 = tpu.memref_slice %arg4[%arg0, %mul3A_91, %dma_wait3A_98] : memref<2x10000x128xf32, #tpu.memory_space<hbm>> -> memref<1x80x128xf32, #tpu.memory_space<hbm>>
          %dma_wait3A_100 = tpu.memref_squeeze %dma_wait3A_99 : memref<1x80x128xf32, #tpu.memory_space<hbm>> -> memref<80x128xf32, #tpu.memory_space<hbm>>
          %dma_wait3A_101 = arith.constant 0 : i32
          %dma_wait3A_102 = tpu.memref_slice %arg6[%mul3A_91, %dma_wait3A_101] : memref<10000x128xf32, #tpu.memory_space<vmem_shared>> -> memref<80x128xf32, #tpu.memory_space<vmem_shared>>
          tpu.wait_dma2 semaphore(%run_scoped3A_92 : memref<!tpu.dma_semaphore, #tpu.memory_space<semaphore_mem>>) src(%dma_wait3A_102 : memref<80x128xf32, #tpu.memory_space<vmem_shared>>) dst(%dma_wait3A_100 : memref<80x128xf32, #tpu.memory_space<hbm>>)
          tpu.yield
        }) : () -> ()
      } else {
      }
    }
    %scan3A_78 = arith.constant 8 : i32
    return
  }
}

#map = affine_map<(d0, d1) -> (0, 0)>
#map1 = affine_map<(d0, d1) -> (0, 0, 0)>
module attributes {stable_mosaic.version = 14 : i64} {
  func.func @_sc_segsum(%arg0: i32, %arg1: i32, %arg2: memref<10000x128xf32, #tpu.memory_space<hbm>>, %arg3: memref<2500x2x128xi32, #tpu.memory_space<hbm>>, %arg4: memref<2x10000x128xf32, #tpu.memory_space<hbm>>, %arg5: memref<32x10000xf32, #tpu.memory_space<hbm>>, %arg6: memref<10000x128xf32, #tpu.memory_space<vmem_shared>>, %arg7: memref<2x2x2x128xi32, #tpu.memory_space<vmem>>, %arg8: memref<2x128x128xf32, #tpu.memory_space<vmem>>, %arg9: memref<10000xf32, #tpu.memory_space<vmem>>, %arg10: memref<!tpu.dma_semaphore, #tpu.memory_space<semaphore_mem>>, %arg11: memref<!tpu.dma_semaphore, #tpu.memory_space<semaphore_mem>>, %arg12: memref<!tpu.dma_semaphore, #tpu.memory_space<semaphore_mem>>, %arg13: memref<!tpu.dma_semaphore, #tpu.memory_space<semaphore_mem>>, %arg14: memref<!tpu.dma_semaphore, #tpu.memory_space<semaphore_mem>>) attributes {dimension_semantics = [#tpu.dimension_semantics<core_parallel>, #tpu.dimension_semantics<subcore_parallel>], iteration_bounds = array<i64: 2, 16>, scalar_prefetch = 0 : i64, scratch_operands = 9 : i64, tpu.core_type = #tpu.core_type<sc_vector_subcore>, window_params = [{transform_indices = #map}, {transform_indices = #map1}, {transform_indices = #map1}, {transform_indices = #map}]} {
    %mul3A = arith.constant 2 : i32
    %mul3A_0 = arith.muli %arg1, %mul3A : i32
    %add3A = arith.addi %mul3A_0, %arg0 : i32
    %lt3A = arith.constant 4 : i32
    %lt3A_1 = arith.cmpi slt, %add3A, %lt3A : i32
    %jit3A = arith.constant 1 : i32
    %jit3A_2 = arith.constant 0 : i32
    %select_n3A = arith.select %lt3A_1, %jit3A, %jit3A_2 : i32
    %add3A_3 = arith.constant 78 : i32
    %add3A_4 = arith.addi %add3A_3, %select_n3A : i32
    %mul3A_5 = arith.constant 78 : i32
    %mul3A_6 = arith.muli %add3A, %mul3A_5 : i32
    %min3A = arith.constant 4 : i32
    %min3A_7 = arith.minsi %add3A, %min3A : i32
    %add3A_8 = arith.addi %mul3A_6, %min3A_7 : i32
    %scan3A = arith.constant 0 : i32
    %scan3A_9 = arith.constant 80 : i32
    %scan3A_10 = arith.addi %scan3A, %scan3A_9 : i32
    %scan3A_11 = arith.constant 1 : i32
    scf.for %scan3A_79 = %scan3A to %scan3A_10 step %scan3A_11  : i32 {
      %mul3A_80 = arith.constant 1 : i32
      %mul3A_81 = arith.muli %scan3A_79, %mul3A_80 : i32
      %add3A_82 = arith.constant 0 : i32
      %add3A_83 = arith.addi %add3A_82, %mul3A_81 : i32
      %scan3A_84 = arith.constant 0 : i32
      %scan3A_85 = arith.constant 8 : i32
      %scan3A_86 = arith.addi %scan3A_84, %scan3A_85 : i32
      %scan3A_87 = arith.constant 1 : i32
      scf.for %scan3A_89 = %scan3A_84 to %scan3A_86 step %scan3A_87  : i32 {
        %mul3A_90 = arith.constant 1 : i32
        %mul3A_91 = arith.muli %scan3A_89, %mul3A_90 : i32
        %add3A_92 = arith.constant 0 : i32
        %add3A_93 = arith.addi %add3A_92, %mul3A_91 : i32
        %broadcast_in_dim3A = arith.constant 0.000000e+00 : f32
        %broadcast_in_dim3A_94 = vector.broadcast %broadcast_in_dim3A : f32 to vector<16xf32>
        %mul3A_95 = arith.constant 16 : i32
        %mul3A_96 = arith.muli %add3A_93, %mul3A_95 : i32
        %swap3A = arith.constant 0 : i32
        %swap3A_97 = arith.index_cast %swap3A : i32 to index
        %swap3A_98 = arith.index_cast %add3A_83 : i32 to index
        %swap3A_99 = arith.index_cast %mul3A_96 : i32 to index
        %swap3A_100 = tpu.vector_load %arg8[%swap3A_97, %swap3A_98, %swap3A_99] {strides = array<i32>} : memref<2x128x128xf32, #tpu.memory_space<vmem>>, vector<16xf32>,
        tpu.vector_store %arg8[%swap3A_97, %swap3A_98, %swap3A_99], %broadcast_in_dim3A_94 {strides = array<i32>} : memref<2x128x128xf32, #tpu.memory_space<vmem>>, vector<16xf32>,
      }
      %scan3A_88 = arith.constant 8 : i32
    }
    %scan3A_12 = arith.constant 80 : i32
    %scan3A_13 = arith.constant 0 : i32
    %scan3A_14 = arith.constant 625 : i32
    %scan3A_15 = arith.addi %scan3A_13, %scan3A_14 : i32
    %scan3A_16 = arith.constant 1 : i32
    scf.for %scan3A_79 = %scan3A_13 to %scan3A_15 step %scan3A_16  : i32 {
      %mul3A_80 = arith.constant 1 : i32
      %mul3A_81 = arith.muli %scan3A_79, %mul3A_80 : i32
      %add3A_82 = arith.constant 0 : i32
      %add3A_83 = arith.addi %add3A_82, %mul3A_81 : i32
      %broadcast_in_dim3A = arith.constant 0.000000e+00 : f32
      %broadcast_in_dim3A_84 = vector.broadcast %broadcast_in_dim3A : f32 to vector<16xf32>
      %mul3A_85 = arith.constant 16 : i32
      %mul3A_86 = arith.muli %add3A_83, %mul3A_85 : i32
      %swap3A = arith.index_cast %mul3A_86 : i32 to index
      %swap3A_87 = tpu.vector_load %arg9[%swap3A] {strides = array<i32>} : memref<10000xf32, #tpu.memory_space<vmem>>, vector<16xf32>,
      tpu.vector_store %arg9[%swap3A], %broadcast_in_dim3A_84 {strides = array<i32>} : memref<10000xf32, #tpu.memory_space<vmem>>, vector<16xf32>,
    }
    %scan3A_17 = arith.constant 625 : i32
    %scan3A_18 = arith.constant 0 : i32
    %scan3A_19 = arith.constant 8 : i32
    %scan3A_20 = arith.addi %scan3A_18, %scan3A_19 : i32
    %scan3A_21 = arith.constant 1 : i32
    scf.for %scan3A_79 = %scan3A_18 to %scan3A_20 step %scan3A_21  : i32 {
      %mul3A_80 = arith.constant 1 : i32
      %mul3A_81 = arith.muli %scan3A_79, %mul3A_80 : i32
      %add3A_82 = arith.constant 0 : i32
      %add3A_83 = arith.addi %add3A_82, %mul3A_81 : i32
      %mul3A_84 = arith.constant 16 : i32
      %mul3A_85 = arith.muli %add3A_83, %mul3A_84 : i32
      %add3A_86 = arith.addi %arg1, %mul3A_85 : i32
      %lt3A_87 = arith.constant 125 : i32
      %lt3A_88 = arith.cmpi slt, %add3A_86, %lt3A_87 : i32
      %convert_element_type3A = arith.extui %lt3A_88 : i1 to i32
      %cond3A = arith.constant 0 : i32
      %cond3A_89 = arith.cmpi ne, %convert_element_type3A, %cond3A : i32
      scf.if %cond3A_89 {
        %mul3A_90 = arith.constant 80 : i32
        %mul3A_91 = arith.muli %add3A_86, %mul3A_90 : i32
        %run_scoped3A_92 = arith.constant 0 : i32
        "tpu.region"() ({
          %run_scoped3A_93 = tpu.sem_alloc : memref<!tpu.dma_semaphore, #tpu.memory_space<semaphore_mem>>
          %dma_start3A_94 = arith.constant 0 : i32
          %dma_start3A_95 = arith.constant 0 : i32
          %dma_start3A_96 = tpu.memref_slice %arg8[%run_scoped3A_92, %dma_start3A_94, %dma_start3A_95] : memref<2x128x128xf32, #tpu.memory_space<vmem>> -> memref<1x80x128xf32, #tpu.memory_space<vmem>>
          %dma_start3A_97 = tpu.memref_squeeze %dma_start3A_96 : memref<1x80x128xf32, #tpu.memory_space<vmem>> -> memref<80x128xf32, #tpu.memory_space<vmem>>
          %dma_start3A_98 = arith.constant 0 : i32
          %dma_start3A_99 = tpu.memref_slice %arg6[%mul3A_91, %dma_start3A_98] : memref<10000x128xf32, #tpu.memory_space<vmem_shared>> -> memref<80x128xf32, #tpu.memory_space<vmem_shared>>
          %dma_start3A_100 = arith.constant 0 : i32
          %dma_start3A_101 = tpu.memref_slice %arg6[%mul3A_91, %dma_start3A_100] : memref<10000x128xf32, #tpu.memory_space<vmem_shared>> -> memref<80x128xf32, #tpu.memory_space<vmem_shared>>
          %dma_start3A_102 = arith.constant 0 : i32
          %dma_start3A_103 = arith.constant 0 : i32
          %dma_start3A_104 = tpu.memref_slice %arg8[%run_scoped3A_92, %dma_start3A_102, %dma_start3A_103] : memref<2x128x128xf32, #tpu.memory_space<vmem>> -> memref<1x80x128xf32, #tpu.memory_space<vmem>>
          %dma_start3A_105 = tpu.memref_squeeze %dma_start3A_104 : memref<1x80x128xf32, #tpu.memory_space<vmem>> -> memref<80x128xf32, #tpu.memory_space<vmem>>
          tpu.enqueue_dma source(%dma_start3A_105 : memref<80x128xf32, #tpu.memory_space<vmem>>) target(%dma_start3A_101 : memref<80x128xf32, #tpu.memory_space<vmem_shared>>) target_semaphore(%run_scoped3A_93 : memref<!tpu.dma_semaphore, #tpu.memory_space<semaphore_mem>>)
          %dma_wait3A_106 = arith.constant 0 : i32
          %dma_wait3A_107 = arith.constant 0 : i32
          %dma_wait3A_108 = tpu.memref_slice %arg8[%run_scoped3A_92, %dma_wait3A_106, %dma_wait3A_107] : memref<2x128x128xf32, #tpu.memory_space<vmem>> -> memref<1x80x128xf32, #tpu.memory_space<vmem>>
          %dma_wait3A_109 = tpu.memref_squeeze %dma_wait3A_108 : memref<1x80x128xf32, #tpu.memory_space<vmem>> -> memref<80x128xf32, #tpu.memory_space<vmem>>
          %dma_wait3A_110 = arith.constant 0 : i32
          %dma_wait3A_111 = tpu.memref_slice %arg6[%mul3A_91, %dma_wait3A_110] : memref<10000x128xf32, #tpu.memory_space<vmem_shared>> -> memref<80x128xf32, #tpu.memory_space<vmem_shared>>
          %dma_wait3A_112 = arith.constant 0 : i32
          %dma_wait3A_113 = tpu.memref_slice %arg6[%mul3A_91, %dma_wait3A_112] : memref<10000x128xf32, #tpu.memory_space<vmem_shared>> -> memref<80x128xf32, #tpu.memory_space<vmem_shared>>
          %dma_wait3A_114 = arith.constant 0 : i32
          %dma_wait3A_115 = arith.constant 0 : i32
          %dma_wait3A_116 = tpu.memref_slice %arg8[%run_scoped3A_92, %dma_wait3A_114, %dma_wait3A_115] : memref<2x128x128xf32, #tpu.memory_space<vmem>> -> memref<1x80x128xf32, #tpu.memory_space<vmem>>
          %dma_wait3A_117 = tpu.memref_squeeze %dma_wait3A_116 : memref<1x80x128xf32, #tpu.memory_space<vmem>> -> memref<80x128xf32, #tpu.memory_space<vmem>>
          tpu.wait_dma2 semaphore(%run_scoped3A_93 : memref<!tpu.dma_semaphore, #tpu.memory_space<semaphore_mem>>) src(%dma_wait3A_117 : memref<80x128xf32, #tpu.memory_space<vmem>>) dst(%dma_wait3A_113 : memref<80x128xf32, #tpu.memory_space<vmem_shared>>)
          tpu.yield
        }) : () -> ()
      } else {
      }
    }
    %scan3A_22 = arith.constant 8 : i32
    %barrier3A = arith.constant 0 : index
    tpu.barrier barrier_id(%barrier3A)
    %run_scoped3A = arith.constant 0 : i32
    "tpu.region"() ({
      %run_scoped3A_79 = tpu.sem_alloc : memref<!tpu.dma_semaphore, #tpu.memory_space<semaphore_mem>>
      %dma_start3A_80 = arith.constant 0 : i32
      %dma_start3A_81 = arith.constant 0 : i32
      %dma_start3A_82 = arith.constant 0 : i32
      %dma_start3A_83 = tpu.memref_slice %arg7[%run_scoped3A, %dma_start3A_80, %dma_start3A_81, %dma_start3A_82] : memref<2x2x2x128xi32, #tpu.memory_space<vmem>> -> memref<1x2x2x128xi32, #tpu.memory_space<vmem>>
      %dma_start3A_84 = tpu.memref_squeeze %dma_start3A_83 : memref<1x2x2x128xi32, #tpu.memory_space<vmem>> -> memref<2x2x128xi32, #tpu.memory_space<vmem>>
      %dma_start3A_85 = arith.constant 0 : i32
      %dma_start3A_86 = arith.constant 0 : i32
      %dma_start3A_87 = tpu.memref_slice %arg3[%add3A_8, %dma_start3A_85, %dma_start3A_86] : memref<2500x2x128xi32, #tpu.memory_space<hbm>> -> memref<2x2x128xi32, #tpu.memory_space<hbm>>
      %dma_start3A_88 = arith.constant 0 : i32
      %dma_start3A_89 = arith.constant 0 : i32
      %dma_start3A_90 = arith.constant 0 : i32
      %dma_start3A_91 = tpu.memref_slice %arg7[%run_scoped3A, %dma_start3A_88, %dma_start3A_89, %dma_start3A_90] : memref<2x2x2x128xi32, #tpu.memory_space<vmem>> -> memref<1x2x2x128xi32, #tpu.memory_space<vmem>>
      %dma_start3A_92 = tpu.memref_squeeze %dma_start3A_91 : memref<1x2x2x128xi32, #tpu.memory_space<vmem>> -> memref<2x2x128xi32, #tpu.memory_space<vmem>>
      %dma_start3A_93 = arith.constant 0 : i32
      %dma_start3A_94 = arith.constant 0 : i32
      %dma_start3A_95 = tpu.memref_slice %arg3[%add3A_8, %dma_start3A_93, %dma_start3A_94] : memref<2500x2x128xi32, #tpu.memory_space<hbm>> -> memref<2x2x128xi32, #tpu.memory_space<hbm>>
      tpu.enqueue_dma source(%dma_start3A_95 : memref<2x2x128xi32, #tpu.memory_space<hbm>>) target(%dma_start3A_92 : memref<2x2x128xi32, #tpu.memory_space<vmem>>) target_semaphore(%run_scoped3A_79 : memref<!tpu.dma_semaphore, #tpu.memory_space<semaphore_mem>>)
      %dma_wait3A_96 = arith.constant 0 : i32
      %dma_wait3A_97 = arith.constant 0 : i32
      %dma_wait3A_98 = arith.constant 0 : i32
      %dma_wait3A_99 = tpu.memref_slice %arg7[%run_scoped3A, %dma_wait3A_96, %dma_wait3A_97, %dma_wait3A_98] : memref<2x2x2x128xi32, #tpu.memory_space<vmem>> -> memref<1x2x2x128xi32, #tpu.memory_space<vmem>>
      %dma_wait3A_100 = tpu.memref_squeeze %dma_wait3A_99 : memref<1x2x2x128xi32, #tpu.memory_space<vmem>> -> memref<2x2x128xi32, #tpu.memory_space<vmem>>
      %dma_wait3A_101 = arith.constant 0 : i32
      %dma_wait3A_102 = arith.constant 0 : i32
      %dma_wait3A_103 = tpu.memref_slice %arg3[%add3A_8, %dma_wait3A_101, %dma_wait3A_102] : memref<2500x2x128xi32, #tpu.memory_space<hbm>> -> memref<2x2x128xi32, #tpu.memory_space<hbm>>
      %dma_wait3A_104 = arith.constant 0 : i32
      %dma_wait3A_105 = arith.constant 0 : i32
      %dma_wait3A_106 = arith.constant 0 : i32
      %dma_wait3A_107 = tpu.memref_slice %arg7[%run_scoped3A, %dma_wait3A_104, %dma_wait3A_105, %dma_wait3A_106] : memref<2x2x2x128xi32, #tpu.memory_space<vmem>> -> memref<1x2x2x128xi32, #tpu.memory_space<vmem>>
      %dma_wait3A_108 = tpu.memref_squeeze %dma_wait3A_107 : memref<1x2x2x128xi32, #tpu.memory_space<vmem>> -> memref<2x2x128xi32, #tpu.memory_space<vmem>>
      %dma_wait3A_109 = arith.constant 0 : i32
      %dma_wait3A_110 = arith.constant 0 : i32
      %dma_wait3A_111 = tpu.memref_slice %arg3[%add3A_8, %dma_wait3A_109, %dma_wait3A_110] : memref<2500x2x128xi32, #tpu.memory_space<hbm>> -> memref<2x2x128xi32, #tpu.memory_space<hbm>>
      tpu.wait_dma2 semaphore(%run_scoped3A_79 : memref<!tpu.dma_semaphore, #tpu.memory_space<semaphore_mem>>) src(%dma_wait3A_111 : memref<2x2x128xi32, #tpu.memory_space<hbm>>) dst(%dma_wait3A_108 : memref<2x2x128xi32, #tpu.memory_space<vmem>>)
      tpu.yield
    }) : () -> ()
    %dma_start3A = arith.constant 0 : i32
    %dma_start3A_23 = arith.constant 0 : i32
    %dma_start3A_24 = arith.constant 0 : i32
    %dma_start3A_25 = arith.constant 0 : i32
    %dma_start3A_26 = arith.constant 0 : i32
    %dma_start3A_27 = arith.constant 0 : i32
    %dma_start3A_28 = tpu.memref_slice %arg8[%dma_start3A_25, %dma_start3A_26, %dma_start3A_27] : memref<2x128x128xf32, #tpu.memory_space<vmem>> -> memref<1x128x128xf32, #tpu.memory_space<vmem>>
    %dma_start3A_29 = tpu.memref_squeeze %dma_start3A_28 : memref<1x128x128xf32, #tpu.memory_space<vmem>> -> memref<128x128xf32, #tpu.memory_space<vmem>>
    %dma_start3A_30 = arith.constant 0 : i32
    %dma_start3A_31 = tpu.memref_slice %arg7[%dma_start3A, %dma_start3A_23, %dma_start3A_24, %dma_start3A_30] : memref<2x2x2x128xi32, #tpu.memory_space<vmem>> -> memref<1x1x1x128xi32, #tpu.memory_space<vmem>>
    %dma_start3A_32 = tpu.memref_squeeze %dma_start3A_31 : memref<1x1x1x128xi32, #tpu.memory_space<vmem>> -> memref<128xi32, #tpu.memory_space<vmem>>
    %dma_start3A_33 = arith.constant 0 : i32
    %dma_start3A_34 = arith.constant 0 : i32
    %dma_start3A_35 = tpu.memref_slice %arg2[%dma_start3A_33, %dma_start3A_34] : memref<10000x128xf32, #tpu.memory_space<hbm>> -> memref<10000x128xf32, #tpu.memory_space<hbm>>
    tpu.enqueue_indirect_dma source(%dma_start3A_35 : memref<10000x128xf32, #tpu.memory_space<hbm>>) target(%dma_start3A_29 : memref<128x128xf32, #tpu.memory_space<vmem>>) offsets(%dma_start3A_32 : memref<128xi32, #tpu.memory_space<vmem>>) semaphore(%arg10 : memref<!tpu.dma_semaphore, #tpu.memory_space<semaphore_mem>>)
    %scan3A_36 = arith.constant 0 : i32
    %scan3A_37 = arith.constant 8 : i32
    %scan3A_38 = arith.addi %scan3A_36, %scan3A_37 : i32
    %scan3A_39 = arith.constant 1 : i32
    scf.for %scan3A_79 = %scan3A_36 to %scan3A_38 step %scan3A_39  : i32 {
      %mul3A_80 = arith.constant 1 : i32
      %mul3A_81 = arith.muli %scan3A_79, %mul3A_80 : i32
      %add3A_82 = arith.constant 0 : i32
      %add3A_83 = arith.addi %add3A_82, %mul3A_81 : i32
      %mul3A_84 = arith.constant 16 : i32
      %mul3A_85 = arith.muli %add3A_83, %mul3A_84 : i32
      %get3A = arith.constant 0 : i32
      %get3A_86 = arith.constant 0 : i32
      %get3A_87 = arith.constant 1 : i32
      %get3A_88 = arith.index_cast %get3A : i32 to index
      %get3A_89 = arith.index_cast %get3A_86 : i32 to index
      %get3A_90 = arith.index_cast %get3A_87 : i32 to index
      %get3A_91 = arith.index_cast %mul3A_85 : i32 to index
      %get3A_92 = tpu.vector_load %arg7[%get3A_88, %get3A_89, %get3A_90, %get3A_91] {strides = array<i32>} : memref<2x2x2x128xi32, #tpu.memory_space<vmem>>, vector<16xi32>,
      %broadcast_in_dim3A = arith.constant 1.000000e+00 : f32
      %broadcast_in_dim3A_93 = vector.broadcast %broadcast_in_dim3A : f32 to vector<16xf32>
      tpu.vector_store_idx %arg9[%get3A_92], %broadcast_in_dim3A_93 {add = true} : memref<10000xf32, #tpu.memory_space<vmem>>[vector<16xi32>], vector<16xf32>,
    }
    %scan3A_40 = arith.constant 8 : i32
    %scan3A_41 = arith.constant 0 : i32
    %scan3A_42 = arith.constant 20 : i32
    %scan3A_43 = arith.addi %scan3A_41, %scan3A_42 : i32
    %scan3A_44 = arith.constant 1 : i32
    scf.for %scan3A_79 = %scan3A_41 to %scan3A_43 step %scan3A_44  : i32 {
      %mul3A_80 = arith.constant 1 : i32
      %mul3A_81 = arith.muli %scan3A_79, %mul3A_80 : i32
      %add3A_82 = arith.constant 0 : i32
      %add3A_83 = arith.addi %add3A_82, %mul3A_81 : i32
      %mul3A_84 = arith.constant 2 : i32
      %mul3A_85 = arith.muli %mul3A_84, %add3A_83 : i32
      %mul3A_86 = arith.constant 2 : i32
      %mul3A_87 = arith.muli %mul3A_86, %mul3A_85 : i32
      %add3A_88 = arith.constant 1 : i32
      %add3A_89 = arith.addi %mul3A_87, %add3A_88 : i32
      %lt3A_90 = arith.cmpi slt, %add3A_89, %add3A_4 : i32
      %convert_element_type3A = arith.extui %lt3A_90 : i1 to i32
      %cond3A = arith.constant 0 : i32
      %cond3A_91 = arith.cmpi ne, %convert_element_type3A, %cond3A : i32
      scf.if %cond3A_91 {
        %add3A_148 = arith.constant 1 : i32
        %add3A_149 = arith.addi %mul3A_87, %add3A_148 : i32
        %ge3A = arith.constant 2 : i32
        %ge3A_150 = arith.cmpi sge, %add3A_149, %ge3A : i32
        %convert_element_type3A_151 = arith.extui %ge3A_150 : i1 to i32
        %cond3A_152 = arith.constant 0 : i32
        %cond3A_153 = arith.cmpi ne, %convert_element_type3A_151, %cond3A_152 : i32
        scf.if %cond3A_153 {
          %dma_wait3A_173 = arith.constant 1 : i32
          %dma_wait3A_174 = arith.constant 0 : i32
          %dma_wait3A_175 = arith.constant 0 : i32
          %dma_wait3A_176 = arith.constant 1 : i32
          %dma_wait3A_177 = arith.constant 0 : i32
          %dma_wait3A_178 = arith.constant 0 : i32
          %dma_wait3A_179 = tpu.memref_slice %arg8[%dma_wait3A_173, %dma_wait3A_177, %dma_wait3A_178] : memref<2x128x128xf32, #tpu.memory_space<vmem>> -> memref<1x128x128xf32, #tpu.memory_space<vmem>>
          %dma_wait3A_180 = tpu.memref_squeeze %dma_wait3A_179 : memref<1x128x128xf32, #tpu.memory_space<vmem>> -> memref<128x128xf32, #tpu.memory_space<vmem>>
          %dma_wait3A_181 = arith.constant 0 : i32
          %dma_wait3A_182 = tpu.memref_slice %arg7[%dma_wait3A_174, %dma_wait3A_175, %dma_wait3A_176, %dma_wait3A_181] : memref<2x2x2x128xi32, #tpu.memory_space<vmem>> -> memref<1x1x1x128xi32, #tpu.memory_space<vmem>>
          %dma_wait3A_183 = tpu.memref_squeeze %dma_wait3A_182 : memref<1x1x1x128xi32, #tpu.memory_space<vmem>> -> memref<128xi32, #tpu.memory_space<vmem>>
          %dma_wait3A_184 = arith.constant 0 : i32
          %dma_wait3A_185 = arith.constant 0 : i32
          %dma_wait3A_186 = tpu.memref_slice %arg6[%dma_wait3A_184, %dma_wait3A_185] : memref<10000x128xf32, #tpu.memory_space<vmem_shared>> -> memref<10000x128xf32, #tpu.memory_space<vmem_shared>>
          tpu.wait_indirect_dma semaphore(%arg13 : memref<!tpu.dma_semaphore, #tpu.memory_space<semaphore_mem>>) src(%dma_wait3A_180 : memref<128x128xf32, #tpu.memory_space<vmem>>) dst(%dma_wait3A_186 : memref<10000x128xf32, #tpu.memory_space<vmem_shared>>)
        } else {
        }
        %dma_start3A_154 = arith.constant 0 : i32
        %dma_start3A_155 = arith.constant 1 : i32
        %dma_start3A_156 = arith.constant 0 : i32
        %dma_start3A_157 = arith.constant 1 : i32
        %dma_start3A_158 = arith.constant 0 : i32
        %dma_start3A_159 = arith.constant 0 : i32
        %dma_start3A_160 = tpu.memref_slice %arg8[%dma_start3A_157, %dma_start3A_158, %dma_start3A_159] : memref<2x128x128xf32, #tpu.memory_space<vmem>> -> memref<1x128x128xf32, #tpu.memory_space<vmem>>
        %dma_start3A_161 = tpu.memref_squeeze %dma_start3A_160 : memref<1x128x128xf32, #tpu.memory_space<vmem>> -> memref<128x128xf32, #tpu.memory_space<vmem>>
        %dma_start3A_162 = arith.constant 0 : i32
        %dma_start3A_163 = tpu.memref_slice %arg7[%dma_start3A_154, %dma_start3A_155, %dma_start3A_156, %dma_start3A_162] : memref<2x2x2x128xi32, #tpu.memory_space<vmem>> -> memref<1x1x1x128xi32, #tpu.memory_space<vmem>>
        %dma_start3A_164 = tpu.memref_squeeze %dma_start3A_163 : memref<1x1x1x128xi32, #tpu.memory_space<vmem>> -> memref<128xi32, #tpu.memory_space<vmem>>
        %dma_start3A_165 = arith.constant 0 : i32
        %dma_start3A_166 = arith.constant 0 : i32
        %dma_start3A_167 = tpu.memref_slice %arg2[%dma_start3A_165, %dma_start3A_166] : memref<10000x128xf32, #tpu.memory_space<hbm>> -> memref<10000x128xf32, #tpu.memory_space<hbm>>
        tpu.enqueue_indirect_dma source(%dma_start3A_167 : memref<10000x128xf32, #tpu.memory_space<hbm>>) target(%dma_start3A_161 : memref<128x128xf32, #tpu.memory_space<vmem>>) offsets(%dma_start3A_164 : memref<128xi32, #tpu.memory_space<vmem>>) semaphore(%arg11 : memref<!tpu.dma_semaphore, #tpu.memory_space<semaphore_mem>>)
        %scan3A_168 = arith.constant 0 : i32
        %scan3A_169 = arith.constant 8 : i32
        %scan3A_170 = arith.addi %scan3A_168, %scan3A_169 : i32
        %scan3A_171 = arith.constant 1 : i32
        scf.for %scan3A_173 = %scan3A_168 to %scan3A_170 step %scan3A_171  : i32 {
          %mul3A_174 = arith.constant 1 : i32
          %mul3A_175 = arith.muli %scan3A_173, %mul3A_174 : i32
          %add3A_176 = arith.constant 0 : i32
          %add3A_177 = arith.addi %add3A_176, %mul3A_175 : i32
          %mul3A_178 = arith.constant 16 : i32
          %mul3A_179 = arith.muli %add3A_177, %mul3A_178 : i32
          %get3A = arith.constant 0 : i32
          %get3A_180 = arith.constant 1 : i32
          %get3A_181 = arith.constant 1 : i32
          %get3A_182 = arith.index_cast %get3A : i32 to index
          %get3A_183 = arith.index_cast %get3A_180 : i32 to index
          %get3A_184 = arith.index_cast %get3A_181 : i32 to index
          %get3A_185 = arith.index_cast %mul3A_179 : i32 to index
          %get3A_186 = tpu.vector_load %arg7[%get3A_182, %get3A_183, %get3A_184, %get3A_185] {strides = array<i32>} : memref<2x2x2x128xi32, #tpu.memory_space<vmem>>, vector<16xi32>,
          %broadcast_in_dim3A = arith.constant 1.000000e+00 : f32
          %broadcast_in_dim3A_187 = vector.broadcast %broadcast_in_dim3A : f32 to vector<16xf32>
          tpu.vector_store_idx %arg9[%get3A_186], %broadcast_in_dim3A_187 {add = true} : memref<10000xf32, #tpu.memory_space<vmem>>[vector<16xi32>], vector<16xf32>,
        }
        %scan3A_172 = arith.constant 8 : i32
      } else {
      }
      %add3A_92 = arith.constant 2 : i32
      %add3A_93 = arith.addi %mul3A_87, %add3A_92 : i32
      %lt3A_94 = arith.cmpi slt, %add3A_93, %add3A_4 : i32
      %convert_element_type3A_95 = arith.extui %lt3A_94 : i1 to i32
      %cond3A_96 = arith.constant 0 : i32
      %cond3A_97 = arith.cmpi ne, %convert_element_type3A_95, %cond3A_96 : i32
      scf.if %cond3A_97 {
        %add3A_148 = arith.constant 1 : i32
        %add3A_149 = arith.addi %mul3A_85, %add3A_148 : i32
        %mul3A_150 = arith.constant 2 : i32
        %mul3A_151 = arith.muli %mul3A_150, %add3A_149 : i32
        %add3A_152 = arith.addi %add3A_8, %mul3A_151 : i32
        %dma_start3A_153 = arith.constant 1 : i32
        %dma_start3A_154 = arith.constant 0 : i32
        %dma_start3A_155 = arith.constant 0 : i32
        %dma_start3A_156 = arith.constant 0 : i32
        %dma_start3A_157 = tpu.memref_slice %arg7[%dma_start3A_153, %dma_start3A_154, %dma_start3A_155, %dma_start3A_156] : memref<2x2x2x128xi32, #tpu.memory_space<vmem>> -> memref<1x2x2x128xi32, #tpu.memory_space<vmem>>
        %dma_start3A_158 = tpu.memref_squeeze %dma_start3A_157 : memref<1x2x2x128xi32, #tpu.memory_space<vmem>> -> memref<2x2x128xi32, #tpu.memory_space<vmem>>
        %dma_start3A_159 = arith.constant 0 : i32
        %dma_start3A_160 = arith.constant 0 : i32
        %dma_start3A_161 = tpu.memref_slice %arg3[%add3A_152, %dma_start3A_159, %dma_start3A_160] : memref<2500x2x128xi32, #tpu.memory_space<hbm>> -> memref<2x2x128xi32, #tpu.memory_space<hbm>>
        %dma_start3A_162 = arith.constant 0 : i32
        %dma_start3A_163 = arith.constant 0 : i32
        %dma_start3A_164 = arith.constant 0 : i32
        %dma_start3A_165 = tpu.memref_slice %arg7[%dma_start3A_153, %dma_start3A_162, %dma_start3A_163, %dma_start3A_164] : memref<2x2x2x128xi32, #tpu.memory_space<vmem>> -> memref<1x2x2x128xi32, #tpu.memory_space<vmem>>
        %dma_start3A_166 = tpu.memref_squeeze %dma_start3A_165 : memref<1x2x2x128xi32, #tpu.memory_space<vmem>> -> memref<2x2x128xi32, #tpu.memory_space<vmem>>
        %dma_start3A_167 = arith.constant 0 : i32
        %dma_start3A_168 = arith.constant 0 : i32
        %dma_start3A_169 = tpu.memref_slice %arg3[%add3A_152, %dma_start3A_167, %dma_start3A_168] : memref<2500x2x128xi32, #tpu.memory_space<hbm>> -> memref<2x2x128xi32, #tpu.memory_space<hbm>>
        tpu.enqueue_dma source(%dma_start3A_169 : memref<2x2x128xi32, #tpu.memory_space<hbm>>) target(%dma_start3A_166 : memref<2x2x128xi32, #tpu.memory_space<vmem>>) target_semaphore(%arg14 : memref<!tpu.dma_semaphore, #tpu.memory_space<semaphore_mem>>)
      } else {
      }
      %lt3A_98 = arith.cmpi slt, %mul3A_87, %add3A_4 : i32
      %convert_element_type3A_99 = arith.extui %lt3A_98 : i1 to i32
      %cond3A_100 = arith.constant 0 : i32
      %cond3A_101 = arith.cmpi ne, %convert_element_type3A_99, %cond3A_100 : i32
      scf.if %cond3A_101 {
        %dma_wait3A_148 = arith.constant 0 : i32
        %dma_wait3A_149 = arith.constant 0 : i32
        %dma_wait3A_150 = arith.constant 0 : i32
        %dma_wait3A_151 = arith.constant 0 : i32
        %dma_wait3A_152 = arith.constant 0 : i32
        %dma_wait3A_153 = arith.constant 0 : i32
        %dma_wait3A_154 = tpu.memref_slice %arg8[%dma_wait3A_151, %dma_wait3A_152, %dma_wait3A_153] : memref<2x128x128xf32, #tpu.memory_space<vmem>> -> memref<1x128x128xf32, #tpu.memory_space<vmem>>
        %dma_wait3A_155 = tpu.memref_squeeze %dma_wait3A_154 : memref<1x128x128xf32, #tpu.memory_space<vmem>> -> memref<128x128xf32, #tpu.memory_space<vmem>>
        %dma_wait3A_156 = arith.constant 0 : i32
        %dma_wait3A_157 = tpu.memref_slice %arg7[%dma_wait3A_148, %dma_wait3A_149, %dma_wait3A_150, %dma_wait3A_156] : memref<2x2x2x128xi32, #tpu.memory_space<vmem>> -> memref<1x1x1x128xi32, #tpu.memory_space<vmem>>
        %dma_wait3A_158 = tpu.memref_squeeze %dma_wait3A_157 : memref<1x1x1x128xi32, #tpu.memory_space<vmem>> -> memref<128xi32, #tpu.memory_space<vmem>>
        %dma_wait3A_159 = arith.constant 0 : i32
        %dma_wait3A_160 = arith.constant 0 : i32
        %dma_wait3A_161 = tpu.memref_slice %arg2[%dma_wait3A_159, %dma_wait3A_160] : memref<10000x128xf32, #tpu.memory_space<hbm>> -> memref<10000x128xf32, #tpu.memory_space<hbm>>
        tpu.wait_indirect_dma semaphore(%arg10 : memref<!tpu.dma_semaphore, #tpu.memory_space<semaphore_mem>>) src(%dma_wait3A_161 : memref<10000x128xf32, #tpu.memory_space<hbm>>) dst(%dma_wait3A_155 : memref<128x128xf32, #tpu.memory_space<vmem>>)
        %dma_start3A_162 = arith.constant 0 : i32
        %dma_start3A_163 = arith.constant 0 : i32
        %dma_start3A_164 = arith.constant 0 : i32
        %dma_start3A_165 = arith.constant 1 : i32
        %dma_start3A_166 = arith.constant 0 : i32
        %dma_start3A_167 = arith.constant 0 : i32
        %dma_start3A_168 = tpu.memref_slice %arg8[%dma_start3A_162, %dma_start3A_166, %dma_start3A_167] : memref<2x128x128xf32, #tpu.memory_space<vmem>> -> memref<1x128x128xf32, #tpu.memory_space<vmem>>
        %dma_start3A_169 = tpu.memref_squeeze %dma_start3A_168 : memref<1x128x128xf32, #tpu.memory_space<vmem>> -> memref<128x128xf32, #tpu.memory_space<vmem>>
        %dma_start3A_170 = arith.constant 0 : i32
        %dma_start3A_171 = tpu.memref_slice %arg7[%dma_start3A_163, %dma_start3A_164, %dma_start3A_165, %dma_start3A_170] : memref<2x2x2x128xi32, #tpu.memory_space<vmem>> -> memref<1x1x1x128xi32, #tpu.memory_space<vmem>>
        %dma_start3A_172 = tpu.memref_squeeze %dma_start3A_171 : memref<1x1x1x128xi32, #tpu.memory_space<vmem>> -> memref<128xi32, #tpu.memory_space<vmem>>
        %dma_start3A_173 = arith.constant 0 : i32
        %dma_start3A_174 = arith.constant 0 : i32
        %dma_start3A_175 = tpu.memref_slice %arg6[%dma_start3A_173, %dma_start3A_174] : memref<10000x128xf32, #tpu.memory_space<vmem_shared>> -> memref<10000x128xf32, #tpu.memory_space<vmem_shared>>
        tpu.enqueue_indirect_dma source(%dma_start3A_169 : memref<128x128xf32, #tpu.memory_space<vmem>>) target(%dma_start3A_175 : memref<10000x128xf32, #tpu.memory_space<vmem_shared>>) offsets(%dma_start3A_172 : memref<128xi32, #tpu.memory_space<vmem>>) semaphore(%arg12 : memref<!tpu.dma_semaphore, #tpu.memory_space<semaphore_mem>>) {add = true}
      } else {
      }
      %add3A_102 = arith.constant 2 : i32
      %add3A_103 = arith.addi %mul3A_87, %add3A_102 : i32
      %lt3A_104 = arith.cmpi slt, %add3A_103, %add3A_4 : i32
      %convert_element_type3A_105 = arith.extui %lt3A_104 : i1 to i32
      %cond3A_106 = arith.constant 0 : i32
      %cond3A_107 = arith.cmpi ne, %convert_element_type3A_105, %cond3A_106 : i32
      scf.if %cond3A_107 {
        %dma_wait3A_148 = arith.constant 1 : i32
        %dma_wait3A_149 = arith.constant 0 : i32
        %dma_wait3A_150 = arith.constant 0 : i32
        %dma_wait3A_151 = arith.constant 0 : i32
        %dma_wait3A_152 = tpu.memref_slice %arg7[%dma_wait3A_148, %dma_wait3A_149, %dma_wait3A_150, %dma_wait3A_151] : memref<2x2x2x128xi32, #tpu.memory_space<vmem>> -> memref<1x2x2x128xi32, #tpu.memory_space<vmem>>
        %dma_wait3A_153 = tpu.memref_squeeze %dma_wait3A_152 : memref<1x2x2x128xi32, #tpu.memory_space<vmem>> -> memref<2x2x128xi32, #tpu.memory_space<vmem>>
        %dma_wait3A_154 = arith.constant 0 : i32
        %dma_wait3A_155 = arith.constant 0 : i32
        %dma_wait3A_156 = tpu.memref_slice %arg3[%add3A_8, %dma_wait3A_154, %dma_wait3A_155] : memref<2500x2x128xi32, #tpu.memory_space<hbm>> -> memref<2x2x128xi32, #tpu.memory_space<hbm>>
        %dma_wait3A_157 = arith.constant 0 : i32
        %dma_wait3A_158 = arith.constant 0 : i32
        %dma_wait3A_159 = arith.constant 0 : i32
        %dma_wait3A_160 = tpu.memref_slice %arg7[%dma_wait3A_148, %dma_wait3A_157, %dma_wait3A_158, %dma_wait3A_159] : memref<2x2x2x128xi32, #tpu.memory_space<vmem>> -> memref<1x2x2x128xi32, #tpu.memory_space<vmem>>
        %dma_wait3A_161 = tpu.memref_squeeze %dma_wait3A_160 : memref<1x2x2x128xi32, #tpu.memory_space<vmem>> -> memref<2x2x128xi32, #tpu.memory_space<vmem>>
        %dma_wait3A_162 = arith.constant 0 : i32
        %dma_wait3A_163 = arith.constant 0 : i32
        %dma_wait3A_164 = tpu.memref_slice %arg3[%add3A_8, %dma_wait3A_162, %dma_wait3A_163] : memref<2500x2x128xi32, #tpu.memory_space<hbm>> -> memref<2x2x128xi32, #tpu.memory_space<hbm>>
        tpu.wait_dma2 semaphore(%arg14 : memref<!tpu.dma_semaphore, #tpu.memory_space<semaphore_mem>>) src(%dma_wait3A_164 : memref<2x2x128xi32, #tpu.memory_space<hbm>>) dst(%dma_wait3A_161 : memref<2x2x128xi32, #tpu.memory_space<vmem>>)
        %add3A_165 = arith.constant 2 : i32
        %add3A_166 = arith.addi %mul3A_87, %add3A_165 : i32
        %ge3A = arith.constant 2 : i32
        %ge3A_167 = arith.cmpi sge, %add3A_166, %ge3A : i32
        %convert_element_type3A_168 = arith.extui %ge3A_167 : i1 to i32
        %cond3A_169 = arith.constant 0 : i32
        %cond3A_170 = arith.cmpi ne, %convert_element_type3A_168, %cond3A_169 : i32
        scf.if %cond3A_170 {
          %dma_wait3A_190 = arith.constant 0 : i32
          %dma_wait3A_191 = arith.constant 0 : i32
          %dma_wait3A_192 = arith.constant 0 : i32
          %dma_wait3A_193 = arith.constant 1 : i32
          %dma_wait3A_194 = arith.constant 0 : i32
          %dma_wait3A_195 = arith.constant 0 : i32
          %dma_wait3A_196 = tpu.memref_slice %arg8[%dma_wait3A_190, %dma_wait3A_194, %dma_wait3A_195] : memref<2x128x128xf32, #tpu.memory_space<vmem>> -> memref<1x128x128xf32, #tpu.memory_space<vmem>>
          %dma_wait3A_197 = tpu.memref_squeeze %dma_wait3A_196 : memref<1x128x128xf32, #tpu.memory_space<vmem>> -> memref<128x128xf32, #tpu.memory_space<vmem>>
          %dma_wait3A_198 = arith.constant 0 : i32
          %dma_wait3A_199 = tpu.memref_slice %arg7[%dma_wait3A_191, %dma_wait3A_192, %dma_wait3A_193, %dma_wait3A_198] : memref<2x2x2x128xi32, #tpu.memory_space<vmem>> -> memref<1x1x1x128xi32, #tpu.memory_space<vmem>>
          %dma_wait3A_200 = tpu.memref_squeeze %dma_wait3A_199 : memref<1x1x1x128xi32, #tpu.memory_space<vmem>> -> memref<128xi32, #tpu.memory_space<vmem>>
          %dma_wait3A_201 = arith.constant 0 : i32
          %dma_wait3A_202 = arith.constant 0 : i32
          %dma_wait3A_203 = tpu.memref_slice %arg6[%dma_wait3A_201, %dma_wait3A_202] : memref<10000x128xf32, #tpu.memory_space<vmem_shared>> -> memref<10000x128xf32, #tpu.memory_space<vmem_shared>>
          tpu.wait_indirect_dma semaphore(%arg12 : memref<!tpu.dma_semaphore, #tpu.memory_space<semaphore_mem>>) src(%dma_wait3A_197 : memref<128x128xf32, #tpu.memory_space<vmem>>) dst(%dma_wait3A_203 : memref<10000x128xf32, #tpu.memory_space<vmem_shared>>)
        } else {
        }
        %dma_start3A_171 = arith.constant 1 : i32
        %dma_start3A_172 = arith.constant 0 : i32
        %dma_start3A_173 = arith.constant 0 : i32
        %dma_start3A_174 = arith.constant 0 : i32
        %dma_start3A_175 = arith.constant 0 : i32
        %dma_start3A_176 = arith.constant 0 : i32
        %dma_start3A_177 = tpu.memref_slice %arg8[%dma_start3A_174, %dma_start3A_175, %dma_start3A_176] : memref<2x128x128xf32, #tpu.memory_space<vmem>> -> memref<1x128x128xf32, #tpu.memory_space<vmem>>
        %dma_start3A_178 = tpu.memref_squeeze %dma_start3A_177 : memref<1x128x128xf32, #tpu.memory_space<vmem>> -> memref<128x128xf32, #tpu.memory_space<vmem>>
        %dma_start3A_179 = arith.constant 0 : i32
        %dma_start3A_180 = tpu.memref_slice %arg7[%dma_start3A_171, %dma_start3A_172, %dma_start3A_173, %dma_start3A_179] : memref<2x2x2x128xi32, #tpu.memory_space<vmem>> -> memref<1x1x1x128xi32, #tpu.memory_space<vmem>>
        %dma_start3A_181 = tpu.memref_squeeze %dma_start3A_180 : memref<1x1x1x128xi32, #tpu.memory_space<vmem>> -> memref<128xi32, #tpu.memory_space<vmem>>
        %dma_start3A_182 = arith.constant 0 : i32
        %dma_start3A_183 = arith.constant 0 : i32
        %dma_start3A_184 = tpu.memref_slice %arg2[%dma_start3A_182, %dma_start3A_183] : memref<10000x128xf32, #tpu.memory_space<hbm>> -> memref<10000x128xf32, #tpu.memory_space<hbm>>
        tpu.enqueue_indirect_dma source(%dma_start3A_184 : memref<10000x128xf32, #tpu.memory_space<hbm>>) target(%dma_start3A_178 : memref<128x128xf32, #tpu.memory_space<vmem>>) offsets(%dma_start3A_181 : memref<128xi32, #tpu.memory_space<vmem>>) semaphore(%arg10 : memref<!tpu.dma_semaphore, #tpu.memory_space<semaphore_mem>>)
        %scan3A_185 = arith.constant 0 : i32
        %scan3A_186 = arith.constant 8 : i32
        %scan3A_187 = arith.addi %scan3A_185, %scan3A_186 : i32
        %scan3A_188 = arith.constant 1 : i32
        scf.for %scan3A_190 = %scan3A_185 to %scan3A_187 step %scan3A_188  : i32 {
          %mul3A_191 = arith.constant 1 : i32
          %mul3A_192 = arith.muli %scan3A_190, %mul3A_191 : i32
          %add3A_193 = arith.constant 0 : i32
          %add3A_194 = arith.addi %add3A_193, %mul3A_192 : i32
          %mul3A_195 = arith.constant 16 : i32
          %mul3A_196 = arith.muli %add3A_194, %mul3A_195 : i32
          %get3A = arith.constant 1 : i32
          %get3A_197 = arith.constant 0 : i32
          %get3A_198 = arith.constant 1 : i32
          %get3A_199 = arith.index_cast %get3A : i32 to index
          %get3A_200 = arith.index_cast %get3A_197 : i32 to index
          %get3A_201 = arith.index_cast %get3A_198 : i32 to index
          %get3A_202 = arith.index_cast %mul3A_196 : i32 to index
          %get3A_203 = tpu.vector_load %arg7[%get3A_199, %get3A_200, %get3A_201, %get3A_202] {strides = array<i32>} : memref<2x2x2x128xi32, #tpu.memory_space<vmem>>, vector<16xi32>,
          %broadcast_in_dim3A = arith.constant 1.000000e+00 : f32
          %broadcast_in_dim3A_204 = vector.broadcast %broadcast_in_dim3A : f32 to vector<16xf32>
          tpu.vector_store_idx %arg9[%get3A_203], %broadcast_in_dim3A_204 {add = true} : memref<10000xf32, #tpu.memory_space<vmem>>[vector<16xi32>], vector<16xf32>,
        }
        %scan3A_189 = arith.constant 8 : i32
      } else {
      }
      %add3A_108 = arith.constant 1 : i32
      %add3A_109 = arith.addi %mul3A_87, %add3A_108 : i32
      %lt3A_110 = arith.cmpi slt, %add3A_109, %add3A_4 : i32
      %convert_element_type3A_111 = arith.extui %lt3A_110 : i1 to i32
      %cond3A_112 = arith.constant 0 : i32
      %cond3A_113 = arith.cmpi ne, %convert_element_type3A_111, %cond3A_112 : i32
      scf.if %cond3A_113 {
        %dma_wait3A_148 = arith.constant 0 : i32
        %dma_wait3A_149 = arith.constant 0 : i32
        %dma_wait3A_150 = arith.constant 0 : i32
        %dma_wait3A_151 = arith.constant 1 : i32
        %dma_wait3A_152 = arith.constant 0 : i32
        %dma_wait3A_153 = arith.constant 0 : i32
        %dma_wait3A_154 = tpu.memref_slice %arg8[%dma_wait3A_151, %dma_wait3A_152, %dma_wait3A_153] : memref<2x128x128xf32, #tpu.memory_space<vmem>> -> memref<1x128x128xf32, #tpu.memory_space<vmem>>
        %dma_wait3A_155 = tpu.memref_squeeze %dma_wait3A_154 : memref<1x128x128xf32, #tpu.memory_space<vmem>> -> memref<128x128xf32, #tpu.memory_space<vmem>>
        %dma_wait3A_156 = arith.constant 0 : i32
        %dma_wait3A_157 = tpu.memref_slice %arg7[%dma_wait3A_148, %dma_wait3A_149, %dma_wait3A_150, %dma_wait3A_156] : memref<2x2x2x128xi32, #tpu.memory_space<vmem>> -> memref<1x1x1x128xi32, #tpu.memory_space<vmem>>
        %dma_wait3A_158 = tpu.memref_squeeze %dma_wait3A_157 : memref<1x1x1x128xi32, #tpu.memory_space<vmem>> -> memref<128xi32, #tpu.memory_space<vmem>>
        %dma_wait3A_159 = arith.constant 0 : i32
        %dma_wait3A_160 = arith.constant 0 : i32
        %dma_wait3A_161 = tpu.memref_slice %arg2[%dma_wait3A_159, %dma_wait3A_160] : memref<10000x128xf32, #tpu.memory_space<hbm>> -> memref<10000x128xf32, #tpu.memory_space<hbm>>
        tpu.wait_indirect_dma semaphore(%arg11 : memref<!tpu.dma_semaphore, #tpu.memory_space<semaphore_mem>>) src(%dma_wait3A_161 : memref<10000x128xf32, #tpu.memory_space<hbm>>) dst(%dma_wait3A_155 : memref<128x128xf32, #tpu.memory_space<vmem>>)
        %dma_start3A_162 = arith.constant 1 : i32
        %dma_start3A_163 = arith.constant 0 : i32
        %dma_start3A_164 = arith.constant 1 : i32
        %dma_start3A_165 = arith.constant 1 : i32
        %dma_start3A_166 = arith.constant 0 : i32
        %dma_start3A_167 = arith.constant 0 : i32
        %dma_start3A_168 = tpu.memref_slice %arg8[%dma_start3A_162, %dma_start3A_166, %dma_start3A_167] : memref<2x128x128xf32, #tpu.memory_space<vmem>> -> memref<1x128x128xf32, #tpu.memory_space<vmem>>
        %dma_start3A_169 = tpu.memref_squeeze %dma_start3A_168 : memref<1x128x128xf32, #tpu.memory_space<vmem>> -> memref<128x128xf32, #tpu.memory_space<vmem>>
        %dma_start3A_170 = arith.constant 0 : i32
        %dma_start3A_171 = tpu.memref_slice %arg7[%dma_start3A_163, %dma_start3A_164, %dma_start3A_165, %dma_start3A_170] : memref<2x2x2x128xi32, #tpu.memory_space<vmem>> -> memref<1x1x1x128xi32, #tpu.memory_space<vmem>>
        %dma_start3A_172 = tpu.memref_squeeze %dma_start3A_171 : memref<1x1x1x128xi32, #tpu.memory_space<vmem>> -> memref<128xi32, #tpu.memory_space<vmem>>
        %dma_start3A_173 = arith.constant 0 : i32
        %dma_start3A_174 = arith.constant 0 : i32
        %dma_start3A_175 = tpu.memref_slice %arg6[%dma_start3A_173, %dma_start3A_174] : memref<10000x128xf32, #tpu.memory_space<vmem_shared>> -> memref<10000x128xf32, #tpu.memory_space<vmem_shared>>
        tpu.enqueue_indirect_dma source(%dma_start3A_169 : memref<128x128xf32, #tpu.memory_space<vmem>>) target(%dma_start3A_175 : memref<10000x128xf32, #tpu.memory_space<vmem_shared>>) offsets(%dma_start3A_172 : memref<128xi32, #tpu.memory_space<vmem>>) semaphore(%arg13 : memref<!tpu.dma_semaphore, #tpu.memory_space<semaphore_mem>>) {add = true}
      } else {
      }
      %mul3A_114 = arith.constant 2 : i32
      %mul3A_115 = arith.muli %mul3A_114, %add3A_83 : i32
      %add3A_116 = arith.constant 1 : i32
      %add3A_117 = arith.addi %mul3A_115, %add3A_116 : i32
      %mul3A_118 = arith.constant 2 : i32
      %mul3A_119 = arith.muli %mul3A_118, %add3A_117 : i32
      %add3A_120 = arith.constant 1 : i32
      %add3A_121 = arith.addi %mul3A_119, %add3A_120 : i32
      %lt3A_122 = arith.cmpi slt, %add3A_121, %add3A_4 : i32
      %convert_element_type3A_123 = arith.extui %lt3A_122 : i1 to i32
      %cond3A_124 = arith.constant 0 : i32
      %cond3A_125 = arith.cmpi ne, %convert_element_type3A_123, %cond3A_124 : i32
      scf.if %cond3A_125 {
        %add3A_148 = arith.constant 1 : i32
        %add3A_149 = arith.addi %mul3A_119, %add3A_148 : i32
        %ge3A = arith.constant 2 : i32
        %ge3A_150 = arith.cmpi sge, %add3A_149, %ge3A : i32
        %convert_element_type3A_151 = arith.extui %ge3A_150 : i1 to i32
        %cond3A_152 = arith.constant 0 : i32
        %cond3A_153 = arith.cmpi ne, %convert_element_type3A_151, %cond3A_152 : i32
        scf.if %cond3A_153 {
          %dma_wait3A_173 = arith.constant 1 : i32
          %dma_wait3A_174 = arith.constant 0 : i32
          %dma_wait3A_175 = arith.constant 0 : i32
          %dma_wait3A_176 = arith.constant 1 : i32
          %dma_wait3A_177 = arith.constant 0 : i32
          %dma_wait3A_178 = arith.constant 0 : i32
          %dma_wait3A_179 = tpu.memref_slice %arg8[%dma_wait3A_173, %dma_wait3A_177, %dma_wait3A_178] : memref<2x128x128xf32, #tpu.memory_space<vmem>> -> memref<1x128x128xf32, #tpu.memory_space<vmem>>
          %dma_wait3A_180 = tpu.memref_squeeze %dma_wait3A_179 : memref<1x128x128xf32, #tpu.memory_space<vmem>> -> memref<128x128xf32, #tpu.memory_space<vmem>>
          %dma_wait3A_181 = arith.constant 0 : i32
          %dma_wait3A_182 = tpu.memref_slice %arg7[%dma_wait3A_174, %dma_wait3A_175, %dma_wait3A_176, %dma_wait3A_181] : memref<2x2x2x128xi32, #tpu.memory_space<vmem>> -> memref<1x1x1x128xi32, #tpu.memory_space<vmem>>
          %dma_wait3A_183 = tpu.memref_squeeze %dma_wait3A_182 : memref<1x1x1x128xi32, #tpu.memory_space<vmem>> -> memref<128xi32, #tpu.memory_space<vmem>>
          %dma_wait3A_184 = arith.constant 0 : i32
          %dma_wait3A_185 = arith.constant 0 : i32
          %dma_wait3A_186 = tpu.memref_slice %arg6[%dma_wait3A_184, %dma_wait3A_185] : memref<10000x128xf32, #tpu.memory_space<vmem_shared>> -> memref<10000x128xf32, #tpu.memory_space<vmem_shared>>
          tpu.wait_indirect_dma semaphore(%arg13 : memref<!tpu.dma_semaphore, #tpu.memory_space<semaphore_mem>>) src(%dma_wait3A_180 : memref<128x128xf32, #tpu.memory_space<vmem>>) dst(%dma_wait3A_186 : memref<10000x128xf32, #tpu.memory_space<vmem_shared>>)
        } else {
        }
        %dma_start3A_154 = arith.constant 1 : i32
        %dma_start3A_155 = arith.constant 1 : i32
        %dma_start3A_156 = arith.constant 0 : i32
        %dma_start3A_157 = arith.constant 1 : i32
        %dma_start3A_158 = arith.constant 0 : i32
        %dma_start3A_159 = arith.constant 0 : i32
        %dma_start3A_160 = tpu.memref_slice %arg8[%dma_start3A_157, %dma_start3A_158, %dma_start3A_159] : memref<2x128x128xf32, #tpu.memory_space<vmem>> -> memref<1x128x128xf32, #tpu.memory_space<vmem>>
        %dma_start3A_161 = tpu.memref_squeeze %dma_start3A_160 : memref<1x128x128xf32, #tpu.memory_space<vmem>> -> memref<128x128xf32, #tpu.memory_space<vmem>>
        %dma_start3A_162 = arith.constant 0 : i32
        %dma_start3A_163 = tpu.memref_slice %arg7[%dma_start3A_154, %dma_start3A_155, %dma_start3A_156, %dma_start3A_162] : memref<2x2x2x128xi32, #tpu.memory_space<vmem>> -> memref<1x1x1x128xi32, #tpu.memory_space<vmem>>
        %dma_start3A_164 = tpu.memref_squeeze %dma_start3A_163 : memref<1x1x1x128xi32, #tpu.memory_space<vmem>> -> memref<128xi32, #tpu.memory_space<vmem>>
        %dma_start3A_165 = arith.constant 0 : i32
        %dma_start3A_166 = arith.constant 0 : i32
        %dma_start3A_167 = tpu.memref_slice %arg2[%dma_start3A_165, %dma_start3A_166] : memref<10000x128xf32, #tpu.memory_space<hbm>> -> memref<10000x128xf32, #tpu.memory_space<hbm>>
        tpu.enqueue_indirect_dma source(%dma_start3A_167 : memref<10000x128xf32, #tpu.memory_space<hbm>>) target(%dma_start3A_161 : memref<128x128xf32, #tpu.memory_space<vmem>>) offsets(%dma_start3A_164 : memref<128xi32, #tpu.memory_space<vmem>>) semaphore(%arg11 : memref<!tpu.dma_semaphore, #tpu.memory_space<semaphore_mem>>)
        %scan3A_168 = arith.constant 0 : i32
        %scan3A_169 = arith.constant 8 : i32
        %scan3A_170 = arith.addi %scan3A_168, %scan3A_169 : i32
        %scan3A_171 = arith.constant 1 : i32
        scf.for %scan3A_173 = %scan3A_168 to %scan3A_170 step %scan3A_171  : i32 {
          %mul3A_174 = arith.constant 1 : i32
          %mul3A_175 = arith.muli %scan3A_173, %mul3A_174 : i32
          %add3A_176 = arith.constant 0 : i32
          %add3A_177 = arith.addi %add3A_176, %mul3A_175 : i32
          %mul3A_178 = arith.constant 16 : i32
          %mul3A_179 = arith.muli %add3A_177, %mul3A_178 : i32
          %get3A = arith.constant 1 : i32
          %get3A_180 = arith.constant 1 : i32
          %get3A_181 = arith.constant 1 : i32
          %get3A_182 = arith.index_cast %get3A : i32 to index
          %get3A_183 = arith.index_cast %get3A_180 : i32 to index
          %get3A_184 = arith.index_cast %get3A_181 : i32 to index
          %get3A_185 = arith.index_cast %mul3A_179 : i32 to index
          %get3A_186 = tpu.vector_load %arg7[%get3A_182, %get3A_183, %get3A_184, %get3A_185] {strides = array<i32>} : memref<2x2x2x128xi32, #tpu.memory_space<vmem>>, vector<16xi32>,
          %broadcast_in_dim3A = arith.constant 1.000000e+00 : f32
          %broadcast_in_dim3A_187 = vector.broadcast %broadcast_in_dim3A : f32 to vector<16xf32>
          tpu.vector_store_idx %arg9[%get3A_186], %broadcast_in_dim3A_187 {add = true} : memref<10000xf32, #tpu.memory_space<vmem>>[vector<16xi32>], vector<16xf32>,
        }
        %scan3A_172 = arith.constant 8 : i32
      } else {
      }
      %add3A_126 = arith.constant 2 : i32
      %add3A_127 = arith.addi %mul3A_119, %add3A_126 : i32
      %lt3A_128 = arith.cmpi slt, %add3A_127, %add3A_4 : i32
      %convert_element_type3A_129 = arith.extui %lt3A_128 : i1 to i32
      %cond3A_130 = arith.constant 0 : i32
      %cond3A_131 = arith.cmpi ne, %convert_element_type3A_129, %cond3A_130 : i32
      scf.if %cond3A_131 {
        %add3A_148 = arith.constant 1 : i32
        %add3A_149 = arith.addi %add3A_117, %add3A_148 : i32
        %mul3A_150 = arith.constant 2 : i32
        %mul3A_151 = arith.muli %mul3A_150, %add3A_149 : i32
        %add3A_152 = arith.addi %add3A_8, %mul3A_151 : i32
        %dma_start3A_153 = arith.constant 0 : i32
        %dma_start3A_154 = arith.constant 0 : i32
        %dma_start3A_155 = arith.constant 0 : i32
        %dma_start3A_156 = arith.constant 0 : i32
        %dma_start3A_157 = tpu.memref_slice %arg7[%dma_start3A_153, %dma_start3A_154, %dma_start3A_155, %dma_start3A_156] : memref<2x2x2x128xi32, #tpu.memory_space<vmem>> -> memref<1x2x2x128xi32, #tpu.memory_space<vmem>>
        %dma_start3A_158 = tpu.memref_squeeze %dma_start3A_157 : memref<1x2x2x128xi32, #tpu.memory_space<vmem>> -> memref<2x2x128xi32, #tpu.memory_space<vmem>>
        %dma_start3A_159 = arith.constant 0 : i32
        %dma_start3A_160 = arith.constant 0 : i32
        %dma_start3A_161 = tpu.memref_slice %arg3[%add3A_152, %dma_start3A_159, %dma_start3A_160] : memref<2500x2x128xi32, #tpu.memory_space<hbm>> -> memref<2x2x128xi32, #tpu.memory_space<hbm>>
        %dma_start3A_162 = arith.constant 0 : i32
        %dma_start3A_163 = arith.constant 0 : i32
        %dma_start3A_164 = arith.constant 0 : i32
        %dma_start3A_165 = tpu.memref_slice %arg7[%dma_start3A_153, %dma_start3A_162, %dma_start3A_163, %dma_start3A_164] : memref<2x2x2x128xi32, #tpu.memory_space<vmem>> -> memref<1x2x2x128xi32, #tpu.memory_space<vmem>>
        %dma_start3A_166 = tpu.memref_squeeze %dma_start3A_165 : memref<1x2x2x128xi32, #tpu.memory_space<vmem>> -> memref<2x2x128xi32, #tpu.memory_space<vmem>>
        %dma_start3A_167 = arith.constant 0 : i32
        %dma_start3A_168 = arith.constant 0 : i32
        %dma_start3A_169 = tpu.memref_slice %arg3[%add3A_152, %dma_start3A_167, %dma_start3A_168] : memref<2500x2x128xi32, #tpu.memory_space<hbm>> -> memref<2x2x128xi32, #tpu.memory_space<hbm>>
        tpu.enqueue_dma source(%dma_start3A_169 : memref<2x2x128xi32, #tpu.memory_space<hbm>>) target(%dma_start3A_166 : memref<2x2x128xi32, #tpu.memory_space<vmem>>) target_semaphore(%arg14 : memref<!tpu.dma_semaphore, #tpu.memory_space<semaphore_mem>>)
      } else {
      }
      %lt3A_132 = arith.cmpi slt, %mul3A_119, %add3A_4 : i32
      %convert_element_type3A_133 = arith.extui %lt3A_132 : i1 to i32
      %cond3A_134 = arith.constant 0 : i32
      %cond3A_135 = arith.cmpi ne, %convert_element_type3A_133, %cond3A_134 : i32
      scf.if %cond3A_135 {
        %dma_wait3A_148 = arith.constant 0 : i32
        %dma_wait3A_149 = arith.constant 0 : i32
        %dma_wait3A_150 = arith.constant 0 : i32
        %dma_wait3A_151 = arith.constant 0 : i32
        %dma_wait3A_152 = arith.constant 0 : i32
        %dma_wait3A_153 = arith.constant 0 : i32
        %dma_wait3A_154 = tpu.memref_slice %arg8[%dma_wait3A_151, %dma_wait3A_152, %dma_wait3A_153] : memref<2x128x128xf32, #tpu.memory_space<vmem>> -> memref<1x128x128xf32, #tpu.memory_space<vmem>>
        %dma_wait3A_155 = tpu.memref_squeeze %dma_wait3A_154 : memref<1x128x128xf32, #tpu.memory_space<vmem>> -> memref<128x128xf32, #tpu.memory_space<vmem>>
        %dma_wait3A_156 = arith.constant 0 : i32
        %dma_wait3A_157 = tpu.memref_slice %arg7[%dma_wait3A_148, %dma_wait3A_149, %dma_wait3A_150, %dma_wait3A_156] : memref<2x2x2x128xi32, #tpu.memory_space<vmem>> -> memref<1x1x1x128xi32, #tpu.memory_space<vmem>>
        %dma_wait3A_158 = tpu.memref_squeeze %dma_wait3A_157 : memref<1x1x1x128xi32, #tpu.memory_space<vmem>> -> memref<128xi32, #tpu.memory_space<vmem>>
        %dma_wait3A_159 = arith.constant 0 : i32
        %dma_wait3A_160 = arith.constant 0 : i32
        %dma_wait3A_161 = tpu.memref_slice %arg2[%dma_wait3A_159, %dma_wait3A_160] : memref<10000x128xf32, #tpu.memory_space<hbm>> -> memref<10000x128xf32, #tpu.memory_space<hbm>>
        tpu.wait_indirect_dma semaphore(%arg10 : memref<!tpu.dma_semaphore, #tpu.memory_space<semaphore_mem>>) src(%dma_wait3A_161 : memref<10000x128xf32, #tpu.memory_space<hbm>>) dst(%dma_wait3A_155 : memref<128x128xf32, #tpu.memory_space<vmem>>)
        %dma_start3A_162 = arith.constant 0 : i32
        %dma_start3A_163 = arith.constant 1 : i32
        %dma_start3A_164 = arith.constant 0 : i32
        %dma_start3A_165 = arith.constant 1 : i32
        %dma_start3A_166 = arith.constant 0 : i32
        %dma_start3A_167 = arith.constant 0 : i32
        %dma_start3A_168 = tpu.memref_slice %arg8[%dma_start3A_162, %dma_start3A_166, %dma_start3A_167] : memref<2x128x128xf32, #tpu.memory_space<vmem>> -> memref<1x128x128xf32, #tpu.memory_space<vmem>>
        %dma_start3A_169 = tpu.memref_squeeze %dma_start3A_168 : memref<1x128x128xf32, #tpu.memory_space<vmem>> -> memref<128x128xf32, #tpu.memory_space<vmem>>
        %dma_start3A_170 = arith.constant 0 : i32
        %dma_start3A_171 = tpu.memref_slice %arg7[%dma_start3A_163, %dma_start3A_164, %dma_start3A_165, %dma_start3A_170] : memref<2x2x2x128xi32, #tpu.memory_space<vmem>> -> memref<1x1x1x128xi32, #tpu.memory_space<vmem>>
        %dma_start3A_172 = tpu.memref_squeeze %dma_start3A_171 : memref<1x1x1x128xi32, #tpu.memory_space<vmem>> -> memref<128xi32, #tpu.memory_space<vmem>>
        %dma_start3A_173 = arith.constant 0 : i32
        %dma_start3A_174 = arith.constant 0 : i32
        %dma_start3A_175 = tpu.memref_slice %arg6[%dma_start3A_173, %dma_start3A_174] : memref<10000x128xf32, #tpu.memory_space<vmem_shared>> -> memref<10000x128xf32, #tpu.memory_space<vmem_shared>>
        tpu.enqueue_indirect_dma source(%dma_start3A_169 : memref<128x128xf32, #tpu.memory_space<vmem>>) target(%dma_start3A_175 : memref<10000x128xf32, #tpu.memory_space<vmem_shared>>) offsets(%dma_start3A_172 : memref<128xi32, #tpu.memory_space<vmem>>) semaphore(%arg12 : memref<!tpu.dma_semaphore, #tpu.memory_space<semaphore_mem>>) {add = true}
      } else {
      }
      %add3A_136 = arith.constant 2 : i32
      %add3A_137 = arith.addi %mul3A_119, %add3A_136 : i32
      %lt3A_138 = arith.cmpi slt, %add3A_137, %add3A_4 : i32
      %convert_element_type3A_139 = arith.extui %lt3A_138 : i1 to i32
      %cond3A_140 = arith.constant 0 : i32
      %cond3A_141 = arith.cmpi ne, %convert_element_type3A_139, %cond3A_140 : i32
      scf.if %cond3A_141 {
        %dma_wait3A_148 = arith.constant 0 : i32
        %dma_wait3A_149 = arith.constant 0 : i32
        %dma_wait3A_150 = arith.constant 0 : i32
        %dma_wait3A_151 = arith.constant 0 : i32
        %dma_wait3A_152 = tpu.memref_slice %arg7[%dma_wait3A_148, %dma_wait3A_149, %dma_wait3A_150, %dma_wait3A_151] : memref<2x2x2x128xi32, #tpu.memory_space<vmem>> -> memref<1x2x2x128xi32, #tpu.memory_space<vmem>>
        %dma_wait3A_153 = tpu.memref_squeeze %dma_wait3A_152 : memref<1x2x2x128xi32, #tpu.memory_space<vmem>> -> memref<2x2x128xi32, #tpu.memory_space<vmem>>
        %dma_wait3A_154 = arith.constant 0 : i32
        %dma_wait3A_155 = arith.constant 0 : i32
        %dma_wait3A_156 = tpu.memref_slice %arg3[%add3A_8, %dma_wait3A_154, %dma_wait3A_155] : memref<2500x2x128xi32, #tpu.memory_space<hbm>> -> memref<2x2x128xi32, #tpu.memory_space<hbm>>
        %dma_wait3A_157 = arith.constant 0 : i32
        %dma_wait3A_158 = arith.constant 0 : i32
        %dma_wait3A_159 = arith.constant 0 : i32
        %dma_wait3A_160 = tpu.memref_slice %arg7[%dma_wait3A_148, %dma_wait3A_157, %dma_wait3A_158, %dma_wait3A_159] : memref<2x2x2x128xi32, #tpu.memory_space<vmem>> -> memref<1x2x2x128xi32, #tpu.memory_space<vmem>>
        %dma_wait3A_161 = tpu.memref_squeeze %dma_wait3A_160 : memref<1x2x2x128xi32, #tpu.memory_space<vmem>> -> memref<2x2x128xi32, #tpu.memory_space<vmem>>
        %dma_wait3A_162 = arith.constant 0 : i32
        %dma_wait3A_163 = arith.constant 0 : i32
        %dma_wait3A_164 = tpu.memref_slice %arg3[%add3A_8, %dma_wait3A_162, %dma_wait3A_163] : memref<2500x2x128xi32, #tpu.memory_space<hbm>> -> memref<2x2x128xi32, #tpu.memory_space<hbm>>
        tpu.wait_dma2 semaphore(%arg14 : memref<!tpu.dma_semaphore, #tpu.memory_space<semaphore_mem>>) src(%dma_wait3A_164 : memref<2x2x128xi32, #tpu.memory_space<hbm>>) dst(%dma_wait3A_161 : memref<2x2x128xi32, #tpu.memory_space<vmem>>)
        %add3A_165 = arith.constant 2 : i32
        %add3A_166 = arith.addi %mul3A_119, %add3A_165 : i32
        %ge3A = arith.constant 2 : i32
        %ge3A_167 = arith.cmpi sge, %add3A_166, %ge3A : i32
        %convert_element_type3A_168 = arith.extui %ge3A_167 : i1 to i32
        %cond3A_169 = arith.constant 0 : i32
        %cond3A_170 = arith.cmpi ne, %convert_element_type3A_168, %cond3A_169 : i32
        scf.if %cond3A_170 {
          %dma_wait3A_190 = arith.constant 0 : i32
          %dma_wait3A_191 = arith.constant 0 : i32
          %dma_wait3A_192 = arith.constant 0 : i32
          %dma_wait3A_193 = arith.constant 1 : i32
          %dma_wait3A_194 = arith.constant 0 : i32
          %dma_wait3A_195 = arith.constant 0 : i32
          %dma_wait3A_196 = tpu.memref_slice %arg8[%dma_wait3A_190, %dma_wait3A_194, %dma_wait3A_195] : memref<2x128x128xf32, #tpu.memory_space<vmem>> -> memref<1x128x128xf32, #tpu.memory_space<vmem>>
          %dma_wait3A_197 = tpu.memref_squeeze %dma_wait3A_196 : memref<1x128x128xf32, #tpu.memory_space<vmem>> -> memref<128x128xf32, #tpu.memory_space<vmem>>
          %dma_wait3A_198 = arith.constant 0 : i32
          %dma_wait3A_199 = tpu.memref_slice %arg7[%dma_wait3A_191, %dma_wait3A_192, %dma_wait3A_193, %dma_wait3A_198] : memref<2x2x2x128xi32, #tpu.memory_space<vmem>> -> memref<1x1x1x128xi32, #tpu.memory_space<vmem>>
          %dma_wait3A_200 = tpu.memref_squeeze %dma_wait3A_199 : memref<1x1x1x128xi32, #tpu.memory_space<vmem>> -> memref<128xi32, #tpu.memory_space<vmem>>
          %dma_wait3A_201 = arith.constant 0 : i32
          %dma_wait3A_202 = arith.constant 0 : i32
          %dma_wait3A_203 = tpu.memref_slice %arg6[%dma_wait3A_201, %dma_wait3A_202] : memref<10000x128xf32, #tpu.memory_space<vmem_shared>> -> memref<10000x128xf32, #tpu.memory_space<vmem_shared>>
          tpu.wait_indirect_dma semaphore(%arg12 : memref<!tpu.dma_semaphore, #tpu.memory_space<semaphore_mem>>) src(%dma_wait3A_197 : memref<128x128xf32, #tpu.memory_space<vmem>>) dst(%dma_wait3A_203 : memref<10000x128xf32, #tpu.memory_space<vmem_shared>>)
        } else {
        }
        %dma_start3A_171 = arith.constant 0 : i32
        %dma_start3A_172 = arith.constant 0 : i32
        %dma_start3A_173 = arith.constant 0 : i32
        %dma_start3A_174 = arith.constant 0 : i32
        %dma_start3A_175 = arith.constant 0 : i32
        %dma_start3A_176 = arith.constant 0 : i32
        %dma_start3A_177 = tpu.memref_slice %arg8[%dma_start3A_174, %dma_start3A_175, %dma_start3A_176] : memref<2x128x128xf32, #tpu.memory_space<vmem>> -> memref<1x128x128xf32, #tpu.memory_space<vmem>>
        %dma_start3A_178 = tpu.memref_squeeze %dma_start3A_177 : memref<1x128x128xf32, #tpu.memory_space<vmem>> -> memref<128x128xf32, #tpu.memory_space<vmem>>
        %dma_start3A_179 = arith.constant 0 : i32
        %dma_start3A_180 = tpu.memref_slice %arg7[%dma_start3A_171, %dma_start3A_172, %dma_start3A_173, %dma_start3A_179] : memref<2x2x2x128xi32, #tpu.memory_space<vmem>> -> memref<1x1x1x128xi32, #tpu.memory_space<vmem>>
        %dma_start3A_181 = tpu.memref_squeeze %dma_start3A_180 : memref<1x1x1x128xi32, #tpu.memory_space<vmem>> -> memref<128xi32, #tpu.memory_space<vmem>>
        %dma_start3A_182 = arith.constant 0 : i32
        %dma_start3A_183 = arith.constant 0 : i32
        %dma_start3A_184 = tpu.memref_slice %arg2[%dma_start3A_182, %dma_start3A_183] : memref<10000x128xf32, #tpu.memory_space<hbm>> -> memref<10000x128xf32, #tpu.memory_space<hbm>>
        tpu.enqueue_indirect_dma source(%dma_start3A_184 : memref<10000x128xf32, #tpu.memory_space<hbm>>) target(%dma_start3A_178 : memref<128x128xf32, #tpu.memory_space<vmem>>) offsets(%dma_start3A_181 : memref<128xi32, #tpu.memory_space<vmem>>) semaphore(%arg10 : memref<!tpu.dma_semaphore, #tpu.memory_space<semaphore_mem>>)
        %scan3A_185 = arith.constant 0 : i32
        %scan3A_186 = arith.constant 8 : i32
        %scan3A_187 = arith.addi %scan3A_185, %scan3A_186 : i32
        %scan3A_188 = arith.constant 1 : i32
        scf.for %scan3A_190 = %scan3A_185 to %scan3A_187 step %scan3A_188  : i32 {
          %mul3A_191 = arith.constant 1 : i32
          %mul3A_192 = arith.muli %scan3A_190, %mul3A_191 : i32
          %add3A_193 = arith.constant 0 : i32
          %add3A_194 = arith.addi %add3A_193, %mul3A_192 : i32
          %mul3A_195 = arith.constant 16 : i32
          %mul3A_196 = arith.muli %add3A_194, %mul3A_195 : i32
          %get3A = arith.constant 0 : i32
          %get3A_197 = arith.constant 0 : i32
          %get3A_198 = arith.constant 1 : i32
          %get3A_199 = arith.index_cast %get3A : i32 to index
          %get3A_200 = arith.index_cast %get3A_197 : i32 to index
          %get3A_201 = arith.index_cast %get3A_198 : i32 to index
          %get3A_202 = arith.index_cast %mul3A_196 : i32 to index
          %get3A_203 = tpu.vector_load %arg7[%get3A_199, %get3A_200, %get3A_201, %get3A_202] {strides = array<i32>} : memref<2x2x2x128xi32, #tpu.memory_space<vmem>>, vector<16xi32>,
          %broadcast_in_dim3A = arith.constant 1.000000e+00 : f32
          %broadcast_in_dim3A_204 = vector.broadcast %broadcast_in_dim3A : f32 to vector<16xf32>
          tpu.vector_store_idx %arg9[%get3A_203], %broadcast_in_dim3A_204 {add = true} : memref<10000xf32, #tpu.memory_space<vmem>>[vector<16xi32>], vector<16xf32>,
        }
        %scan3A_189 = arith.constant 8 : i32
      } else {
      }
      %add3A_142 = arith.constant 1 : i32
      %add3A_143 = arith.addi %mul3A_119, %add3A_142 : i32
      %lt3A_144 = arith.cmpi slt, %add3A_143, %add3A_4 : i32
      %convert_element_type3A_145 = arith.extui %lt3A_144 : i1 to i32
      %cond3A_146 = arith.constant 0 : i32
      %cond3A_147 = arith.cmpi ne, %convert_element_type3A_145, %cond3A_146 : i32
      scf.if %cond3A_147 {
        %dma_wait3A_148 = arith.constant 0 : i32
        %dma_wait3A_149 = arith.constant 0 : i32
        %dma_wait3A_150 = arith.constant 0 : i32
        %dma_wait3A_151 = arith.constant 1 : i32
        %dma_wait3A_152 = arith.constant 0 : i32
        %dma_wait3A_153 = arith.constant 0 : i32
        %dma_wait3A_154 = tpu.memref_slice %arg8[%dma_wait3A_151, %dma_wait3A_152, %dma_wait3A_153] : memref<2x128x128xf32, #tpu.memory_space<vmem>> -> memref<1x128x128xf32, #tpu.memory_space<vmem>>
        %dma_wait3A_155 = tpu.memref_squeeze %dma_wait3A_154 : memref<1x128x128xf32, #tpu.memory_space<vmem>> -> memref<128x128xf32, #tpu.memory_space<vmem>>
        %dma_wait3A_156 = arith.constant 0 : i32
        %dma_wait3A_157 = tpu.memref_slice %arg7[%dma_wait3A_148, %dma_wait3A_149, %dma_wait3A_150, %dma_wait3A_156] : memref<2x2x2x128xi32, #tpu.memory_space<vmem>> -> memref<1x1x1x128xi32, #tpu.memory_space<vmem>>
        %dma_wait3A_158 = tpu.memref_squeeze %dma_wait3A_157 : memref<1x1x1x128xi32, #tpu.memory_space<vmem>> -> memref<128xi32, #tpu.memory_space<vmem>>
        %dma_wait3A_159 = arith.constant 0 : i32
        %dma_wait3A_160 = arith.constant 0 : i32
        %dma_wait3A_161 = tpu.memref_slice %arg2[%dma_wait3A_159, %dma_wait3A_160] : memref<10000x128xf32, #tpu.memory_space<hbm>> -> memref<10000x128xf32, #tpu.memory_space<hbm>>
        tpu.wait_indirect_dma semaphore(%arg11 : memref<!tpu.dma_semaphore, #tpu.memory_space<semaphore_mem>>) src(%dma_wait3A_161 : memref<10000x128xf32, #tpu.memory_space<hbm>>) dst(%dma_wait3A_155 : memref<128x128xf32, #tpu.memory_space<vmem>>)
        %dma_start3A_162 = arith.constant 1 : i32
        %dma_start3A_163 = arith.constant 1 : i32
        %dma_start3A_164 = arith.constant 1 : i32
        %dma_start3A_165 = arith.constant 1 : i32
        %dma_start3A_166 = arith.constant 0 : i32
        %dma_start3A_167 = arith.constant 0 : i32
        %dma_start3A_168 = tpu.memref_slice %arg8[%dma_start3A_162, %dma_start3A_166, %dma_start3A_167] : memref<2x128x128xf32, #tpu.memory_space<vmem>> -> memref<1x128x128xf32, #tpu.memory_space<vmem>>
        %dma_start3A_169 = tpu.memref_squeeze %dma_start3A_168 : memref<1x128x128xf32, #tpu.memory_space<vmem>> -> memref<128x128xf32, #tpu.memory_space<vmem>>
        %dma_start3A_170 = arith.constant 0 : i32
        %dma_start3A_171 = tpu.memref_slice %arg7[%dma_start3A_163, %dma_start3A_164, %dma_start3A_165, %dma_start3A_170] : memref<2x2x2x128xi32, #tpu.memory_space<vmem>> -> memref<1x1x1x128xi32, #tpu.memory_space<vmem>>
        %dma_start3A_172 = tpu.memref_squeeze %dma_start3A_171 : memref<1x1x1x128xi32, #tpu.memory_space<vmem>> -> memref<128xi32, #tpu.memory_space<vmem>>
        %dma_start3A_173 = arith.constant 0 : i32
        %dma_start3A_174 = arith.constant 0 : i32
        %dma_start3A_175 = tpu.memref_slice %arg6[%dma_start3A_173, %dma_start3A_174] : memref<10000x128xf32, #tpu.memory_space<vmem_shared>> -> memref<10000x128xf32, #tpu.memory_space<vmem_shared>>
        tpu.enqueue_indirect_dma source(%dma_start3A_169 : memref<128x128xf32, #tpu.memory_space<vmem>>) target(%dma_start3A_175 : memref<10000x128xf32, #tpu.memory_space<vmem_shared>>) offsets(%dma_start3A_172 : memref<128xi32, #tpu.memory_space<vmem>>) semaphore(%arg13 : memref<!tpu.dma_semaphore, #tpu.memory_space<semaphore_mem>>) {add = true}
      } else {
      }
    }
    %scan3A_45 = arith.constant 20 : i32
    %dma_wait3A = arith.constant 0 : i32
    %dma_wait3A_46 = arith.constant 0 : i32
    %dma_wait3A_47 = arith.constant 0 : i32
    %dma_wait3A_48 = arith.constant 1 : i32
    %dma_wait3A_49 = arith.constant 0 : i32
    %dma_wait3A_50 = arith.constant 0 : i32
    %dma_wait3A_51 = tpu.memref_slice %arg8[%dma_wait3A, %dma_wait3A_49, %dma_wait3A_50] : memref<2x128x128xf32, #tpu.memory_space<vmem>> -> memref<1x128x128xf32, #tpu.memory_space<vmem>>
    %dma_wait3A_52 = tpu.memref_squeeze %dma_wait3A_51 : memref<1x128x128xf32, #tpu.memory_space<vmem>> -> memref<128x128xf32, #tpu.memory_space<vmem>>
    %dma_wait3A_53 = arith.constant 0 : i32
    %dma_wait3A_54 = tpu.memref_slice %arg7[%dma_wait3A_46, %dma_wait3A_47, %dma_wait3A_48, %dma_wait3A_53] : memref<2x2x2x128xi32, #tpu.memory_space<vmem>> -> memref<1x1x1x128xi32, #tpu.memory_space<vmem>>
    %dma_wait3A_55 = tpu.memref_squeeze %dma_wait3A_54 : memref<1x1x1x128xi32, #tpu.memory_space<vmem>> -> memref<128xi32, #tpu.memory_space<vmem>>
    %dma_wait3A_56 = arith.constant 0 : i32
    %dma_wait3A_57 = arith.constant 0 : i32
    %dma_wait3A_58 = tpu.memref_slice %arg6[%dma_wait3A_56, %dma_wait3A_57] : memref<10000x128xf32, #tpu.memory_space<vmem_shared>> -> memref<10000x128xf32, #tpu.memory_space<vmem_shared>>
    tpu.wait_indirect_dma semaphore(%arg12 : memref<!tpu.dma_semaphore, #tpu.memory_space<semaphore_mem>>) src(%dma_wait3A_52 : memref<128x128xf32, #tpu.memory_space<vmem>>) dst(%dma_wait3A_58 : memref<10000x128xf32, #tpu.memory_space<vmem_shared>>)
    %dma_wait3A_59 = arith.constant 1 : i32
    %dma_wait3A_60 = arith.constant 0 : i32
    %dma_wait3A_61 = arith.constant 0 : i32
    %dma_wait3A_62 = arith.constant 1 : i32
    %dma_wait3A_63 = arith.constant 0 : i32
    %dma_wait3A_64 = arith.constant 0 : i32
    %dma_wait3A_65 = tpu.memref_slice %arg8[%dma_wait3A_59, %dma_wait3A_63, %dma_wait3A_64] : memref<2x128x128xf32, #tpu.memory_space<vmem>> -> memref<1x128x128xf32, #tpu.memory_space<vmem>>
    %dma_wait3A_66 = tpu.memref_squeeze %dma_wait3A_65 : memref<1x128x128xf32, #tpu.memory_space<vmem>> -> memref<128x128xf32, #tpu.memory_space<vmem>>
    %dma_wait3A_67 = arith.constant 0 : i32
    %dma_wait3A_68 = tpu.memref_slice %arg7[%dma_wait3A_60, %dma_wait3A_61, %dma_wait3A_62, %dma_wait3A_67] : memref<2x2x2x128xi32, #tpu.memory_space<vmem>> -> memref<1x1x1x128xi32, #tpu.memory_space<vmem>>
    %dma_wait3A_69 = tpu.memref_squeeze %dma_wait3A_68 : memref<1x1x1x128xi32, #tpu.memory_space<vmem>> -> memref<128xi32, #tpu.memory_space<vmem>>
    %dma_wait3A_70 = arith.constant 0 : i32
    %dma_wait3A_71 = arith.constant 0 : i32
    %dma_wait3A_72 = tpu.memref_slice %arg6[%dma_wait3A_70, %dma_wait3A_71] : memref<10000x128xf32, #tpu.memory_space<vmem_shared>> -> memref<10000x128xf32, #tpu.memory_space<vmem_shared>>
    tpu.wait_indirect_dma semaphore(%arg13 : memref<!tpu.dma_semaphore, #tpu.memory_space<semaphore_mem>>) src(%dma_wait3A_66 : memref<128x128xf32, #tpu.memory_space<vmem>>) dst(%dma_wait3A_72 : memref<10000x128xf32, #tpu.memory_space<vmem_shared>>)
    "tpu.region"() ({
      %run_scoped3A_79 = tpu.sem_alloc : memref<!tpu.dma_semaphore, #tpu.memory_space<semaphore_mem>>
      %dma_start3A_80 = arith.constant 0 : i32
      %dma_start3A_81 = tpu.memref_slice %arg5[%add3A, %dma_start3A_80] : memref<32x10000xf32, #tpu.memory_space<hbm>> -> memref<1x10000xf32, #tpu.memory_space<hbm>>
      %dma_start3A_82 = tpu.memref_squeeze %dma_start3A_81 : memref<1x10000xf32, #tpu.memory_space<hbm>> -> memref<10000xf32, #tpu.memory_space<hbm>>
      %dma_start3A_83 = arith.constant 0 : i32
      %dma_start3A_84 = tpu.memref_slice %arg5[%add3A, %dma_start3A_83] : memref<32x10000xf32, #tpu.memory_space<hbm>> -> memref<1x10000xf32, #tpu.memory_space<hbm>>
      %dma_start3A_85 = tpu.memref_squeeze %dma_start3A_84 : memref<1x10000xf32, #tpu.memory_space<hbm>> -> memref<10000xf32, #tpu.memory_space<hbm>>
      tpu.enqueue_dma source(%arg9 : memref<10000xf32, #tpu.memory_space<vmem>>) target(%dma_start3A_85 : memref<10000xf32, #tpu.memory_space<hbm>>) target_semaphore(%run_scoped3A_79 : memref<!tpu.dma_semaphore, #tpu.memory_space<semaphore_mem>>)
      %dma_wait3A_86 = arith.constant 0 : i32
      %dma_wait3A_87 = tpu.memref_slice %arg5[%add3A, %dma_wait3A_86] : memref<32x10000xf32, #tpu.memory_space<hbm>> -> memref<1x10000xf32, #tpu.memory_space<hbm>>
      %dma_wait3A_88 = tpu.memref_squeeze %dma_wait3A_87 : memref<1x10000xf32, #tpu.memory_space<hbm>> -> memref<10000xf32, #tpu.memory_space<hbm>>
      %dma_wait3A_89 = arith.constant 0 : i32
      %dma_wait3A_90 = tpu.memref_slice %arg5[%add3A, %dma_wait3A_89] : memref<32x10000xf32, #tpu.memory_space<hbm>> -> memref<1x10000xf32, #tpu.memory_space<hbm>>
      %dma_wait3A_91 = tpu.memref_squeeze %dma_wait3A_90 : memref<1x10000xf32, #tpu.memory_space<hbm>> -> memref<10000xf32, #tpu.memory_space<hbm>>
      tpu.wait_dma2 semaphore(%run_scoped3A_79 : memref<!tpu.dma_semaphore, #tpu.memory_space<semaphore_mem>>) src(%arg9 : memref<10000xf32, #tpu.memory_space<vmem>>) dst(%dma_wait3A_91 : memref<10000xf32, #tpu.memory_space<hbm>>)
      tpu.yield
    }) : () -> ()
    %barrier3A_73 = arith.constant 0 : index
    tpu.barrier barrier_id(%barrier3A_73)
    %scan3A_74 = arith.constant 0 : i32
    %scan3A_75 = arith.constant 8 : i32
    %scan3A_76 = arith.addi %scan3A_74, %scan3A_75 : i32
    %scan3A_77 = arith.constant 1 : i32
    scf.for %scan3A_79 = %scan3A_74 to %scan3A_76 step %scan3A_77  : i32 {
      %mul3A_80 = arith.constant 1 : i32
      %mul3A_81 = arith.muli %scan3A_79, %mul3A_80 : i32
      %add3A_82 = arith.constant 0 : i32
      %add3A_83 = arith.addi %add3A_82, %mul3A_81 : i32
      %mul3A_84 = arith.constant 16 : i32
      %mul3A_85 = arith.muli %add3A_83, %mul3A_84 : i32
      %add3A_86 = arith.addi %arg1, %mul3A_85 : i32
      %lt3A_87 = arith.constant 125 : i32
      %lt3A_88 = arith.cmpi slt, %add3A_86, %lt3A_87 : i32
      %convert_element_type3A = arith.extui %lt3A_88 : i1 to i32
      %cond3A = arith.constant 0 : i32
      %cond3A_89 = arith.cmpi ne, %convert_element_type3A, %cond3A : i32
      scf.if %cond3A_89 {
        %mul3A_90 = arith.constant 80 : i32
        %mul3A_91 = arith.muli %add3A_86, %mul3A_90 : i32
        "tpu.region"() ({
          %run_scoped3A_92 = tpu.sem_alloc : memref<!tpu.dma_semaphore, #tpu.memory_space<semaphore_mem>>
          %dma_start3A_93 = arith.constant 0 : i32
          %dma_start3A_94 = tpu.memref_slice %arg4[%arg0, %mul3A_91, %dma_start3A_93] : memref<2x10000x128xf32, #tpu.memory_space<hbm>> -> memref<1x80x128xf32, #tpu.memory_space<hbm>>
          %dma_start3A_95 = tpu.memref_squeeze %dma_start3A_94 : memref<1x80x128xf32, #tpu.memory_space<hbm>> -> memref<80x128xf32, #tpu.memory_space<hbm>>
          %dma_start3A_96 = arith.constant 0 : i32
          %dma_start3A_97 = tpu.memref_slice %arg6[%mul3A_91, %dma_start3A_96] : memref<10000x128xf32, #tpu.memory_space<vmem_shared>> -> memref<80x128xf32, #tpu.memory_space<vmem_shared>>
          tpu.enqueue_dma source(%dma_start3A_97 : memref<80x128xf32, #tpu.memory_space<vmem_shared>>) target(%dma_start3A_95 : memref<80x128xf32, #tpu.memory_space<hbm>>) target_semaphore(%run_scoped3A_92 : memref<!tpu.dma_semaphore, #tpu.memory_space<semaphore_mem>>)
          %dma_wait3A_98 = arith.constant 0 : i32
          %dma_wait3A_99 = tpu.memref_slice %arg4[%arg0, %mul3A_91, %dma_wait3A_98] : memref<2x10000x128xf32, #tpu.memory_space<hbm>> -> memref<1x80x128xf32, #tpu.memory_space<hbm>>
          %dma_wait3A_100 = tpu.memref_squeeze %dma_wait3A_99 : memref<1x80x128xf32, #tpu.memory_space<hbm>> -> memref<80x128xf32, #tpu.memory_space<hbm>>
          %dma_wait3A_101 = arith.constant 0 : i32
          %dma_wait3A_102 = tpu.memref_slice %arg6[%mul3A_91, %dma_wait3A_101] : memref<10000x128xf32, #tpu.memory_space<vmem_shared>> -> memref<80x128xf32, #tpu.memory_space<vmem_shared>>
          tpu.wait_dma2 semaphore(%run_scoped3A_92 : memref<!tpu.dma_semaphore, #tpu.memory_space<semaphore_mem>>) src(%dma_wait3A_102 : memref<80x128xf32, #tpu.memory_space<vmem_shared>>) dst(%dma_wait3A_100 : memref<80x128xf32, #tpu.memory_space<hbm>>)
          tpu.yield
        }) : () -> ()
      } else {
      }
    }
    %scan3A_78 = arith.constant 8 : i32
    return
  }
}

module attributes {stable_mosaic.version = 14 : i64} {
  func.func @_tc1_body(%arg0: i32, %arg1: memref<2x1000x128xf32, #tpu.memory_space<vmem>>, %arg2: memref<1000x1xf32, #tpu.memory_space<vmem>>, %arg3: memref<1000x128xf32, #tpu.memory_space<vmem>>, %arg4: memref<128x128xf32, #tpu.memory_space<vmem>>, %arg5: memref<1000x128xf32, #tpu.memory_space<vmem>>) attributes {dimension_semantics = [#tpu.dimension_semantics<arbitrary>], iteration_bounds = array<i64: 10>, scalar_prefetch = 0 : i64, scratch_operands = 0 : i64, tpu.core_type = #tpu.core_type<tc>, window_params = [{transform_indices = @transform_0, window_bounds = array<i64: 2, 1000, 128>}, {transform_indices = @transform_1, window_bounds = array<i64: 1000, 1>}, {transform_indices = @transform_2, window_bounds = array<i64: 1000, 128>}, {pipeline_mode = #tpu.pipeline_mode<synchronous>, transform_indices = @transform_3, window_bounds = array<i64: 128, 128>}, {transform_indices = @transform_4, window_bounds = array<i64: 1000, 128>}]} {
    %get3A = arith.constant 0 : index
    %get3A_0 = arith.constant 0 : index
    %get3A_1 = vector.load %arg2[%get3A, %get3A_0] : memref<1000x1xf32, #tpu.memory_space<vmem>>, vector<1000x1xf32>
    %max3A = arith.constant 1.000000e+00 : f32
    %max3A_2 = vector.broadcast %max3A : f32 to vector<1000x1xf32>
    %max3A_3 = arith.maximumf %get3A_1, %max3A_2 : vector<1000x1xf32>
    %get3A_4 = arith.constant 0 : index
    %get3A_5 = arith.constant 0 : index
    %get3A_6 = arith.constant 0 : index
    %get3A_7 = vector.load %arg1[%get3A_4, %get3A_5, %get3A_6] : memref<2x1000x128xf32, #tpu.memory_space<vmem>>, vector<1x1000x128xf32>
    %get3A_8 = vector.shape_cast %get3A_7 : vector<1x1000x128xf32> to vector<1000x128xf32>
    %get3A_9 = arith.constant 1 : index
    %get3A_10 = arith.constant 0 : index
    %get3A_11 = arith.constant 0 : index
    %get3A_12 = vector.load %arg1[%get3A_9, %get3A_10, %get3A_11] : memref<2x1000x128xf32, #tpu.memory_space<vmem>>, vector<1x1000x128xf32>
    %get3A_13 = vector.shape_cast %get3A_12 : vector<1x1000x128xf32> to vector<1000x128xf32>
    %add3A = arith.addf %get3A_8, %get3A_13 : vector<1000x128xf32>
    %div3A = vector.broadcast %max3A_3 : vector<1000x1xf32> to vector<1000x128xf32>
    %div3A_14 = arith.divf %add3A, %div3A : vector<1000x128xf32>
    %get3A_15 = arith.constant 0 : index
    %get3A_16 = arith.constant 0 : index
    %get3A_17 = vector.load %arg4[%get3A_15, %get3A_16] : memref<128x128xf32, #tpu.memory_space<vmem>>, vector<128x128xf32>
    %dot_general3A = arith.constant dense<0.000000e+00> : vector<1000x128xf32>
    %dot_general3A_18 = tpu.matmul %div3A_14, %get3A_17, %dot_general3A {dimension_numbers = #tpu.dot_dimension_numbers<[1], [0], [0], [1], [0, 0, 1, 1], [], []>, precision = #tpu.contract_precision<fp32>, transpose_lhs_hint = false} : vector<1000x128xf32>, vector<128x128xf32>, vector<1000x128xf32> -> vector<1000x128xf32>
    %get3A_19 = arith.constant 0 : index
    %get3A_20 = arith.constant 0 : index
    %get3A_21 = vector.load %arg3[%get3A_19, %get3A_20] : memref<1000x128xf32, #tpu.memory_space<vmem>>, vector<1000x128xf32>
    %add3A_22 = arith.addf %dot_general3A_18, %get3A_21 : vector<1000x128xf32>
    %max3A_23 = arith.constant 0.000000e+00 : f32
    %max3A_24 = vector.broadcast %max3A_23 : f32 to vector<1000x128xf32>
    %max3A_25 = arith.maximumf %add3A_22, %max3A_24 : vector<1000x128xf32>
    %swap3A = arith.constant 0 : index
    %swap3A_26 = arith.constant 0 : index
    %swap3A_27 = vector.load %arg5[%swap3A, %swap3A_26] : memref<1000x128xf32, #tpu.memory_space<vmem>>, vector<1000x128xf32>
    tpu.vector_store %arg5[%swap3A, %swap3A_26], %max3A_25 {strides = array<i32>} : memref<1000x128xf32, #tpu.memory_space<vmem>>, vector<1000x128xf32>,
    return
  }
  func.func @transform_0(%arg0: i32) -> (i32, i32, i32) {
    %c0_i32 = arith.constant 0 : i32
    %c0_i32_0 = arith.constant 0 : i32
    %c0_i32_1 = arith.constant 0 : i32
    return %c0_i32, %arg0, %c0_i32_0 : i32, i32, i32
  }
  func.func @transform_1(%arg0: i32) -> (i32, i32) {
    %c0_i32 = arith.constant 0 : i32
    %c0_i32_0 = arith.constant 0 : i32
    return %arg0, %c0_i32 : i32, i32
  }
  func.func @transform_2(%arg0: i32) -> (i32, i32) {
    %c0_i32 = arith.constant 0 : i32
    %c0_i32_0 = arith.constant 0 : i32
    return %arg0, %c0_i32 : i32, i32
  }
  func.func @transform_3(%arg0: i32) -> (i32, i32) {
    %c0_i32 = arith.constant 0 : i32
    %c0_i32_0 = arith.constant 0 : i32
    %c0_i32_1 = arith.constant 0 : i32
    return %c0_i32, %c0_i32_0 : i32, i32
  }
  func.func @transform_4(%arg0: i32) -> (i32, i32) {
    %c0_i32 = arith.constant 0 : i32
    %c0_i32_0 = arith.constant 0 : i32
    return %arg0, %c0_i32 : i32, i32
  }
}

module attributes {stable_mosaic.version = 14 : i64} {
  func.func @_lin_body(%arg0: i32, %arg1: memref<1000x128xf32, #tpu.memory_space<vmem>>, %arg2: memref<128x128xf32, #tpu.memory_space<vmem>>, %arg3: memref<1x128xf32, #tpu.memory_space<vmem>>, %arg4: memref<1000x128xf32, #tpu.memory_space<vmem>>) attributes {dimension_semantics = [#tpu.dimension_semantics<arbitrary>], iteration_bounds = array<i64: 10>, scalar_prefetch = 0 : i64, scratch_operands = 0 : i64, tpu.core_type = #tpu.core_type<tc>, window_params = [{transform_indices = @transform_0, window_bounds = array<i64: 1000, 128>}, {pipeline_mode = #tpu.pipeline_mode<synchronous>, transform_indices = @transform_1, window_bounds = array<i64: 128, 128>}, {pipeline_mode = #tpu.pipeline_mode<synchronous>, transform_indices = @transform_2, window_bounds = array<i64: 1, 128>}, {transform_indices = @transform_3, window_bounds = array<i64: 1000, 128>}]} {
    %get3A = arith.constant 0 : index
    %get3A_0 = arith.constant 0 : index
    %get3A_1 = vector.load %arg1[%get3A, %get3A_0] : memref<1000x128xf32, #tpu.memory_space<vmem>>, vector<1000x128xf32>
    %get3A_2 = arith.constant 0 : index
    %get3A_3 = arith.constant 0 : index
    %get3A_4 = vector.load %arg2[%get3A_2, %get3A_3] : memref<128x128xf32, #tpu.memory_space<vmem>>, vector<128x128xf32>
    %dot_general3A = arith.constant dense<0.000000e+00> : vector<1000x128xf32>
    %dot_general3A_5 = tpu.matmul %get3A_1, %get3A_4, %dot_general3A {dimension_numbers = #tpu.dot_dimension_numbers<[1], [0], [0], [1], [0, 0, 1, 1], [], []>, precision = #tpu.contract_precision<fp32>, transpose_lhs_hint = false} : vector<1000x128xf32>, vector<128x128xf32>, vector<1000x128xf32> -> vector<1000x128xf32>
    %get3A_6 = arith.constant 0 : index
    %get3A_7 = arith.constant 0 : index
    %get3A_8 = vector.load %arg3[%get3A_6, %get3A_7] : memref<1x128xf32, #tpu.memory_space<vmem>>, vector<1x128xf32>
    %add3A = vector.broadcast %get3A_8 : vector<1x128xf32> to vector<1000x128xf32>
    %add3A_9 = arith.addf %dot_general3A_5, %add3A : vector<1000x128xf32>
    %swap3A = arith.constant 0 : index
    %swap3A_10 = arith.constant 0 : index
    %swap3A_11 = vector.load %arg4[%swap3A, %swap3A_10] : memref<1000x128xf32, #tpu.memory_space<vmem>>, vector<1000x128xf32>
    tpu.vector_store %arg4[%swap3A, %swap3A_10], %add3A_9 {strides = array<i32>} : memref<1000x128xf32, #tpu.memory_space<vmem>>, vector<1000x128xf32>,
    return
  }
  func.func @transform_0(%arg0: i32) -> (i32, i32) {
    %c0_i32 = arith.constant 0 : i32
    %c0_i32_0 = arith.constant 0 : i32
    return %arg0, %c0_i32 : i32, i32
  }
  func.func @transform_1(%arg0: i32) -> (i32, i32) {
    %c0_i32 = arith.constant 0 : i32
    %c0_i32_0 = arith.constant 0 : i32
    %c0_i32_1 = arith.constant 0 : i32
    return %c0_i32, %c0_i32_0 : i32, i32
  }
  func.func @transform_2(%arg0: i32) -> (i32, i32) {
    %c0_i32 = arith.constant 0 : i32
    %c0_i32_0 = arith.constant 0 : i32
    %c0_i32_1 = arith.constant 0 : i32
    return %c0_i32, %c0_i32_0 : i32, i32
  }
  func.func @transform_3(%arg0: i32) -> (i32, i32) {
    %c0_i32 = arith.constant 0 : i32
    %c0_i32_0 = arith.constant 0 : i32
    return %arg0, %c0_i32 : i32, i32
  }
}

module attributes {stable_mosaic.version = 14 : i64} {
  func.func @_lin_body(%arg0: i32, %arg1: memref<1000x128xf32, #tpu.memory_space<vmem>>, %arg2: memref<128x64xf32, #tpu.memory_space<vmem>>, %arg3: memref<1x64xf32, #tpu.memory_space<vmem>>, %arg4: memref<1000x64xf32, #tpu.memory_space<vmem>>) attributes {dimension_semantics = [#tpu.dimension_semantics<arbitrary>], iteration_bounds = array<i64: 10>, scalar_prefetch = 0 : i64, scratch_operands = 0 : i64, tpu.core_type = #tpu.core_type<tc>, window_params = [{transform_indices = @transform_0, window_bounds = array<i64: 1000, 128>}, {pipeline_mode = #tpu.pipeline_mode<synchronous>, transform_indices = @transform_1, window_bounds = array<i64: 128, 64>}, {pipeline_mode = #tpu.pipeline_mode<synchronous>, transform_indices = @transform_2, window_bounds = array<i64: 1, 64>}, {transform_indices = @transform_3, window_bounds = array<i64: 1000, 64>}]} {
    %get3A = arith.constant 0 : index
    %get3A_0 = arith.constant 0 : index
    %get3A_1 = vector.load %arg1[%get3A, %get3A_0] : memref<1000x128xf32, #tpu.memory_space<vmem>>, vector<1000x128xf32>
    %get3A_2 = arith.constant 0 : index
    %get3A_3 = arith.constant 0 : index
    %get3A_4 = vector.load %arg2[%get3A_2, %get3A_3] : memref<128x64xf32, #tpu.memory_space<vmem>>, vector<128x64xf32>
    %dot_general3A = arith.constant dense<0.000000e+00> : vector<1000x64xf32>
    %dot_general3A_5 = tpu.matmul %get3A_1, %get3A_4, %dot_general3A {dimension_numbers = #tpu.dot_dimension_numbers<[1], [0], [0], [1], [0, 0, 1, 1], [], []>, precision = #tpu.contract_precision<fp32>, transpose_lhs_hint = false} : vector<1000x128xf32>, vector<128x64xf32>, vector<1000x64xf32> -> vector<1000x64xf32>
    %get3A_6 = arith.constant 0 : index
    %get3A_7 = arith.constant 0 : index
    %get3A_8 = vector.load %arg3[%get3A_6, %get3A_7] : memref<1x64xf32, #tpu.memory_space<vmem>>, vector<1x64xf32>
    %add3A = vector.broadcast %get3A_8 : vector<1x64xf32> to vector<1000x64xf32>
    %add3A_9 = arith.addf %dot_general3A_5, %add3A : vector<1000x64xf32>
    %swap3A = arith.constant 0 : index
    %swap3A_10 = arith.constant 0 : index
    %swap3A_11 = vector.load %arg4[%swap3A, %swap3A_10] : memref<1000x64xf32, #tpu.memory_space<vmem>>, vector<1000x64xf32>
    tpu.vector_store %arg4[%swap3A, %swap3A_10], %add3A_9 {strides = array<i32>} : memref<1000x64xf32, #tpu.memory_space<vmem>>, vector<1000x64xf32>,
    return
  }
  func.func @transform_0(%arg0: i32) -> (i32, i32) {
    %c0_i32 = arith.constant 0 : i32
    %c0_i32_0 = arith.constant 0 : i32
    return %arg0, %c0_i32 : i32, i32
  }
  func.func @transform_1(%arg0: i32) -> (i32, i32) {
    %c0_i32 = arith.constant 0 : i32
    %c0_i32_0 = arith.constant 0 : i32
    %c0_i32_1 = arith.constant 0 : i32
    return %c0_i32, %c0_i32_0 : i32, i32
  }
  func.func @transform_2(%arg0: i32) -> (i32, i32) {
    %c0_i32 = arith.constant 0 : i32
    %c0_i32_0 = arith.constant 0 : i32
    %c0_i32_1 = arith.constant 0 : i32
    return %c0_i32, %c0_i32_0 : i32, i32
  }
  func.func @transform_3(%arg0: i32) -> (i32, i32) {
    %c0_i32 = arith.constant 0 : i32
    %c0_i32_0 = arith.constant 0 : i32
    return %arg0, %c0_i32 : i32, i32
  }
}

module attributes {stable_mosaic.version = 14 : i64} {
  func.func @_tc2_body(%arg0: i32, %arg1: memref<2x1000x128xf32, #tpu.memory_space<vmem>>, %arg2: memref<1000x1xf32, #tpu.memory_space<vmem>>, %arg3: memref<1000x64xf32, #tpu.memory_space<vmem>>, %arg4: memref<128x64xf32, #tpu.memory_space<vmem>>, %arg5: memref<1000x64xf32, #tpu.memory_space<vmem>>, %arg6: memref<1000x64xf32, #tpu.memory_space<vmem>>) attributes {dimension_semantics = [#tpu.dimension_semantics<arbitrary>], iteration_bounds = array<i64: 10>, scalar_prefetch = 0 : i64, scratch_operands = 0 : i64, tpu.core_type = #tpu.core_type<tc>, window_params = [{transform_indices = @transform_0, window_bounds = array<i64: 2, 1000, 128>}, {transform_indices = @transform_1, window_bounds = array<i64: 1000, 1>}, {transform_indices = @transform_2, window_bounds = array<i64: 1000, 64>}, {pipeline_mode = #tpu.pipeline_mode<synchronous>, transform_indices = @transform_3, window_bounds = array<i64: 128, 64>}, {transform_indices = @transform_4, window_bounds = array<i64: 1000, 64>}, {transform_indices = @transform_5, window_bounds = array<i64: 1000, 64>}]} {
    %get3A = arith.constant 0 : index
    %get3A_0 = arith.constant 0 : index
    %get3A_1 = vector.load %arg2[%get3A, %get3A_0] : memref<1000x1xf32, #tpu.memory_space<vmem>>, vector<1000x1xf32>
    %max3A = arith.constant 1.000000e+00 : f32
    %max3A_2 = vector.broadcast %max3A : f32 to vector<1000x1xf32>
    %max3A_3 = arith.maximumf %get3A_1, %max3A_2 : vector<1000x1xf32>
    %get3A_4 = arith.constant 0 : index
    %get3A_5 = arith.constant 0 : index
    %get3A_6 = arith.constant 0 : index
    %get3A_7 = vector.load %arg1[%get3A_4, %get3A_5, %get3A_6] : memref<2x1000x128xf32, #tpu.memory_space<vmem>>, vector<1x1000x128xf32>
    %get3A_8 = vector.shape_cast %get3A_7 : vector<1x1000x128xf32> to vector<1000x128xf32>
    %get3A_9 = arith.constant 1 : index
    %get3A_10 = arith.constant 0 : index
    %get3A_11 = arith.constant 0 : index
    %get3A_12 = vector.load %arg1[%get3A_9, %get3A_10, %get3A_11] : memref<2x1000x128xf32, #tpu.memory_space<vmem>>, vector<1x1000x128xf32>
    %get3A_13 = vector.shape_cast %get3A_12 : vector<1x1000x128xf32> to vector<1000x128xf32>
    %add3A = arith.addf %get3A_8, %get3A_13 : vector<1000x128xf32>
    %div3A = vector.broadcast %max3A_3 : vector<1000x1xf32> to vector<1000x128xf32>
    %div3A_14 = arith.divf %add3A, %div3A : vector<1000x128xf32>
    %get3A_15 = arith.constant 0 : index
    %get3A_16 = arith.constant 0 : index
    %get3A_17 = vector.load %arg4[%get3A_15, %get3A_16] : memref<128x64xf32, #tpu.memory_space<vmem>>, vector<128x64xf32>
    %dot_general3A = arith.constant dense<0.000000e+00> : vector<1000x64xf32>
    %dot_general3A_18 = tpu.matmul %div3A_14, %get3A_17, %dot_general3A {dimension_numbers = #tpu.dot_dimension_numbers<[1], [0], [0], [1], [0, 0, 1, 1], [], []>, precision = #tpu.contract_precision<fp32>, transpose_lhs_hint = false} : vector<1000x128xf32>, vector<128x64xf32>, vector<1000x64xf32> -> vector<1000x64xf32>
    %get3A_19 = arith.constant 0 : index
    %get3A_20 = arith.constant 0 : index
    %get3A_21 = vector.load %arg3[%get3A_19, %get3A_20] : memref<1000x64xf32, #tpu.memory_space<vmem>>, vector<1000x64xf32>
    %add3A_22 = arith.addf %dot_general3A_18, %get3A_21 : vector<1000x64xf32>
    %swap3A = arith.constant 0 : index
    %swap3A_23 = arith.constant 0 : index
    %swap3A_24 = vector.load %arg5[%swap3A, %swap3A_23] : memref<1000x64xf32, #tpu.memory_space<vmem>>, vector<1000x64xf32>
    tpu.vector_store %arg5[%swap3A, %swap3A_23], %add3A_22 {strides = array<i32>} : memref<1000x64xf32, #tpu.memory_space<vmem>>, vector<1000x64xf32>,
    %reduce_max3A = arith.constant dense<0xFF800000> : vector<1000xf32>
    %reduce_max3A_25 = vector.multi_reduction <maximumf>, %add3A_22, %reduce_max3A [1] : vector<1000x64xf32> to vector<1000xf32>
    %broadcast_in_dim3A = vector.shape_cast %reduce_max3A_25 : vector<1000xf32> to vector<1000x1xf32>
    %sub3A = vector.broadcast %broadcast_in_dim3A : vector<1000x1xf32> to vector<1000x64xf32>
    %sub3A_26 = arith.subf %add3A_22, %sub3A : vector<1000x64xf32>
    %exp3A = math.exp %sub3A_26 : vector<1000x64xf32>
    %reduce_sum3A = arith.constant dense<0.000000e+00> : vector<1000xf32>
    %reduce_sum3A_27 = vector.multi_reduction <add>, %exp3A, %reduce_sum3A [1] : vector<1000x64xf32> to vector<1000xf32>
    %broadcast_in_dim3A_28 = vector.shape_cast %reduce_sum3A_27 : vector<1000xf32> to vector<1000x1xf32>
    %log3A = math.log %broadcast_in_dim3A_28 : vector<1000x1xf32>
    %sub3A_29 = vector.broadcast %log3A : vector<1000x1xf32> to vector<1000x64xf32>
    %sub3A_30 = arith.subf %sub3A_26, %sub3A_29 : vector<1000x64xf32>
    %swap3A_31 = arith.constant 0 : index
    %swap3A_32 = arith.constant 0 : index
    %swap3A_33 = vector.load %arg6[%swap3A_31, %swap3A_32] : memref<1000x64xf32, #tpu.memory_space<vmem>>, vector<1000x64xf32>
    tpu.vector_store %arg6[%swap3A_31, %swap3A_32], %sub3A_30 {strides = array<i32>} : memref<1000x64xf32, #tpu.memory_space<vmem>>, vector<1000x64xf32>,
    return
  }
  func.func @transform_0(%arg0: i32) -> (i32, i32, i32) {
    %c0_i32 = arith.constant 0 : i32
    %c0_i32_0 = arith.constant 0 : i32
    %c0_i32_1 = arith.constant 0 : i32
    return %c0_i32, %arg0, %c0_i32_0 : i32, i32, i32
  }
  func.func @transform_1(%arg0: i32) -> (i32, i32) {
    %c0_i32 = arith.constant 0 : i32
    %c0_i32_0 = arith.constant 0 : i32
    return %arg0, %c0_i32 : i32, i32
  }
  func.func @transform_2(%arg0: i32) -> (i32, i32) {
    %c0_i32 = arith.constant 0 : i32
    %c0_i32_0 = arith.constant 0 : i32
    return %arg0, %c0_i32 : i32, i32
  }
  func.func @transform_3(%arg0: i32) -> (i32, i32) {
    %c0_i32 = arith.constant 0 : i32
    %c0_i32_0 = arith.constant 0 : i32
    %c0_i32_1 = arith.constant 0 : i32
    return %c0_i32, %c0_i32_0 : i32, i32
  }
  func.func @transform_4(%arg0: i32) -> (i32, i32) {
    %c0_i32 = arith.constant 0 : i32
    %c0_i32_0 = arith.constant 0 : i32
    return %arg0, %c0_i32 : i32, i32
  }
  func.func @transform_5(%arg0: i32) -> (i32, i32) {
    %c0_i32 = arith.constant 0 : i32
    %c0_i32_0 = arith.constant 0 : i32
    return %arg0, %c0_i32 : i32, i32
  }
}

</mosaic_0001>

<sc_bundles>
// kernel: kernel.11.cloned.1.call-start
scs
__scs_entry_jumppad:
0x0: {  	(pc) =	sbr.rel $0x88, $3  }
0x1: {  	(tag) =	ssettag $0x0;
	lr =	simm.s32 $0x1  }
0x2: {  	[smem:$0x3F99] =	sst lr;
	_ =	strace $0xD0000000  }
0x3: {  	_ = 	snop  }
0x4: {  	_ = 	snop  }
0x5: {  	_ = 	snop  }
0x6: {  	_ = 	snop  }
0x7: {  	_ = 	snop  }
__scs_overlays_trampoline_lowered:
0x8: {  	[smem:$0x3FA8] =	sst s0  }
0x9: {  	[smem:$0x3FA9] =	sst s1  }
0xa: {  	[smem:$0x3FAA] =	sst s2  }
0xb: {  	[smem:$0x3FAB] =	sst s3  }
0xc: {  	[smem:$0x3FAC] =	sst s4  }
0xd: {  	[smem:$0x3FAD] =	sst s5  }
0xe: {  	[smem:$0x3FAE] =	sst s6  }
0xf: {  	[smem:$0x3FAF] =	sst s7  }
0x10: {  	[smem:$0x3FB0] =	sst s8  }
0x11: {  	[smem:$0x3FB1] =	sst s9;
	s0 =	simm.s32 @!p0 $0x0  }
0x12: {  	s1 =	sld [smem:$0x3F97];
	s0 =	simm.s32 @p0 $0x1  }
0x13: {  	[smem:$0x3FB2] =	sst s0;
	s0 =	simm.s32 @!p1 $0x0  }
0x14: {  	s2 =	sld [smem:$0x3F96];
	s0 =	simm.s32 @p1 $0x1  }
0x15: {  	[smem:$0x3FB3] =	sst s0;
	s0 =	simm.s32 @!p2 $0x0  }
0x16: {  	s3 =	sld [smem:$0x3FDB];
	s0 =	simm.s32 @p2 $0x1  }
0x17: {  	s4 =	simm.s32 $0x1BF5;
	[smem:$0x3FB5] =	sst s0  }
0x18: {  	s0 =	sld [smem:$0x3F98];
	_ =	swait.ge [sflag:s4], $0x0  }
0x19: {  	s7 =	sld [smem:$0x3F99]  }
0x1a: {  	s8 =	sadd.s32 $0xFFFFE003, lr  }
0x1b: {  	s9 =	sadd.s32 $0xFFFFFEF7, lr;
	s5 =	simm.s32 $0xFFFFFFFF;
	p2 =	slt.u32 s8, $0xFFFFF086  }
0x1c: {  	p1 =	slt.u32 s9, $0xF7A;
	s5 =	simm.s32 @!p2 $0x0  }
0x1d: {  	s5 =	simm.s32 @p1 $0x1;
	p0 =	seq.s32 s7, s2  }
0x1e: {  	s7 =	smul.u32 @!p0 $0xF7A, s2;
	p2 =	seq.s32 @!p0 s5, $0x0  }
0x1f: {  	s9 =	smul.u32 $0xF7A, s1;
	s8 =	simm.s32 @!p0 $0x1BF5;
	p2 =	por !p2, p0  }
0x20: {  	[sflag:s8] =	ssyncset.s32 @!p0 $0xFFFFF086;
	s6 =	sadd.s32 @!p0 s3, s7;
	s7 =	simm.s32 @!p0 $0x108  }
0x21: {  	s3 =	sadd.s32 s3, s9;
	s6 =	sadd.s32 @!p0 $0x88, s6;
	s7 =	simm.s32 @p2 $0x1082  }
0x22: {  	[simem:s7], [sflag:s8] =	dma.local @!p0 [hbm:s6], $0xF7A  }
0x23: {  	s9 =	sor.u32 $0xD0000000, s2;
	s6 =	simm.s32 $0x108;
	_ =	swait.ge @!p0 [sflag:s8], $0x0  }
0x24: {  	s3 =	sadd.s32 $0x88, s3;
	s6 =	simm.s32 @!p1 $0x1082;
	[sflag:s4] =	ssyncset.s32 $0xFFFFF086  }
0x25: {  	[simem:s6], [sflag:s4] =	dma.local [hbm:s3], $0xF7A  }
0x26: {  	[smem:$0x3F99] =	sst s1;
	(tag) =	ssettag s2;
	_ =	strace s9  }
0x27: {  	s1 =	sld [smem:$0x3FA9]  }
0x28: {  	s2 =	sld [smem:$0x3FAA]  }
0x29: {  	s4 =	sld [smem:$0x3FAC]  }
0x2a: {  	p0 =	seq.s32 s5, $0x0;
	s5 =	sld [smem:$0x3FAD]  }
0x2b: {  	s6 =	sld [smem:$0x3FAE]  }
0x2c: {  	s7 =	sld [smem:$0x3FAF]  }
0x2d: {  	s3 =	simm.s32 $0x108;
	s8 =	sld [smem:$0x3FB0]  }
0x2e: {  	s3 =	simm.s32 @!p0 $0x1082;
	s9 =	sld [smem:$0x3FB1]  }
0x2f: {  	lr =	sadd.s32 s0, s3;
	s0 =	sld [smem:$0x3FA8]  }
0x30: {  	s3 =	sld [smem:$0x3FAB]  }
0x31: {  	[smem:$0x3FB4] =	sst s10  }
0x32: {  	s10 =	sld [smem:$0x3FB2];
	_ =	sdelay $0x3  }
0x33: {  	p0 =	seq.s32 s10, $0x1;
	s10 =	sld [smem:$0x3FB4];
	_ =	sdelay $0x3  }
0x34: {  	[smem:$0x3FB4] =	sst s10  }
0x35: {  	s10 =	sld [smem:$0x3FB3];
	_ =	sdelay $0x3  }
0x36: {  	p1 =	seq.s32 s10, $0x1;
	s10 =	sld [smem:$0x3FB4];
	_ =	sdelay $0x3  }
0x37: {  	[smem:$0x3FB4] =	sst s10  }
0x38: {  	s10 =	sld [smem:$0x3FB5]  }
0x39: {  	_ = 	snop;
	(pc) =	sbr.ind lr, $3  }
0x3a: {  	_ = 	snop  }
0x3b: {  	_ = 	snop  }
0x3c: {  	p2 =	seq.s32 s10, $0x1;
	s10 =	sld [smem:$0x3FB4]  }
0x3d: {  	_ =	shalt  }
0x3e: {  	_ =	shalt  }
0x3f: {  	_ =	shalt  }
0x40: {  	_ =	shalt  }
0x41: {  	_ =	shalt  }
0x42: {  	_ =	shalt  }
0x43: {  	_ =	shalt  }
0x44: {  	_ =	shalt  }
0x45: {  	_ =	shalt  }
0x46: {  	_ =	shalt  }
0x47: {  	_ =	shalt  }
0x48: {  	_ =	shalt  }
0x49: {  	_ =	shalt  }
0x4a: {  	_ =	shalt  }
0x4b: {  	_ =	shalt  }
0x4c: {  	_ =	shalt  }
0x4d: {  	_ =	shalt  }
0x4e: {  	_ =	shalt  }
0x4f: {  	_ =	shalt  }
0x50: {  	_ =	shalt  }
0x51: {  	_ =	shalt  }
0x52: {  	_ =	shalt  }
0x53: {  	_ =	shalt  }
0x54: {  	_ =	shalt  }
0x55: {  	_ =	shalt  }
0x56: {  	_ =	shalt  }
0x57: {  	_ =	shalt  }
0x58: {  	_ =	shalt  }
0x59: {  	_ =	shalt  }
0x5a: {  	_ =	shalt  }
0x5b: {  	_ =	shalt  }
0x5c: {  	_ =	shalt  }
0x5d: {  	_ =	shalt  }
0x5e: {  	_ =	shalt  }
0x5f: {  	_ =	shalt  }
0x60: {  	_ =	shalt  }
0x61: {  	_ =	shalt  }
0x62: {  	_ =	shalt  }
0x63: {  	_ =	shalt  }
0x64: {  	_ =	shalt  }
0x65: {  	_ =	shalt  }
0x66: {  	_ =	shalt  }
0x67: {  	_ =	shalt  }
0x68: {  	_ =	shalt  }
0x69: {  	_ =	shalt  }
0x6a: {  	_ =	shalt  }
0x6b: {  	_ =	shalt  }
0x6c: {  	_ =	shalt  }
0x6d: {  	_ =	shalt  }
0x6e: {  	_ =	shalt  }
0x6f: {  	_ =	shalt  }
0x70: {  	_ =	shalt  }
0x71: {  	_ =	shalt  }
0x72: {  	_ =	shalt  }
0x73: {  	_ =	shalt  }
0x74: {  	_ =	shalt  }
0x75: {  	_ =	shalt  }
0x76: {  	_ =	shalt  }
0x77: {  	_ =	shalt  }
0x78: {  	_ =	shalt  }
0x79: {  	_ =	shalt  }
0x7a: {  	_ =	shalt  }
0x7b: {  	_ =	shalt  }
0x7c: {  	_ =	shalt  }
0x7d: {  	_ =	shalt  }
0x7e: {  	_ =	shalt  }
0x7f: {  	_ =	shalt  }
0x80: {  	_ =	shalt  }
0x81: {  	_ =	shalt  }
0x82: {  	_ =	shalt  }
0x83: {  	_ =	shalt  }
0x84: {  	_ =	shalt  }
0x85: {  	_ =	shalt  }
0x86: {  	_ =	shalt  }
0x87: {  	_ =	shalt  }
.Lfunc_end0:
.L_simem_size_0:
called_computation.1_lowered:
.L_overlay_start_0:
0x88: {  	s2 =	sld [smem:$0x3FD9]  }
0x89: {  	s3 =	sld [smem:$0x3FFE];
	_ =	sdelay $0x1  }
0x8a: {  	s1 =	srdreg.scid  }
0x8b: {  	s0 =	sand.u32 $0x1, s1  }
0x8c: {  	s14 =	sshll.u32 s0, $0xA;
	s2 =	sadd.s32 s3, s2  }
0x8d: {  	s2 =	sadd.s32 s2, s14  }
0x8e: {  	[smem:$0x3FC0] =	sst s2  }
0x8f: {  	_ = 	snop  }
0x90: {  	s2 =	sld [smem:$0x3FD0];
	_ =	sdelay $0x2  }
0x91: {  	s4 =	simm.s32 $0xA;
	s5 =	simm.s32 $0x10;
	s15 =	sld [smem:$0x3FC8]  }
0x92: {  	[smem:s5], [sflag:s4] =	dma.local [hbm:s2], $0x1  }
0x93: {  	_ =	swait.eq [sflag:s4], $0x1  }
0x94: {  	[sflag:s4] =	ssyncset.done $0x0  }
0x95: {  	[sflag:s4] =	ssyncadd.s32 $0xFFFFFFFF  }
0x96: {  	s16 =	sld [smem:$0x11];
	(tm) =	ssettm $0x1  }
0x97: {  	s17 =	sld [smem:$0x3FFB];
	_ =	sdelay $0x3  }
0x98: {  	_ =	strace s17  }
0x99: {  	s4 =	sld [smem:$0x3FFC];
	_ =	sdelay $0x3  }
0x9a: {  	_ =	strace s4  }
0x9b: {  	s4 =	sld [smem:$0x3FFD];
	_ =	sdelay $0x3  }
0x9c: {  	_ =	strace s4  }
0x9d: {  	_ =	strace $0x8FFFFFFF  }
0x9e: {  	s18 =	sld [smem:$0x3FDB];
	_ =	sdelay $0x1  }
0x9f: {  	s19 =	simm.s32 $_scs_section_size  }
0xa0: {  	s6 =	simm.s32 $_size__tile_overlayer_lowered;
	s7 =	simm.s32 $_tile_overlayer_lowered  }
0xa1: {  	s22 =	simm.s32 $0x1BFF;
	s21 =	sshll.u32 s7, $0x1;
	s4 =	sadd.s32 s19, s18  }
0xa2: {  	s8 =	simm.s32 $0x0;
	s20 =	sshll.u32 s6, $0x1;
	s6 =	sadd.s32 s21, s4  }
0xa3: {  	[timem:s8], [sflag:s22] =	dma.local [hbm:s6], s20  }
0xa4: {  	_ =	swait.ge [sflag:s22], s20  }
0xa5: {  	s5 =	ssub.s32 $0x0, s20;
	[sflag:s22] =	ssyncset.done $0x0  }
0xa6: {  	[sflag:s22] =	ssyncadd.s32 s5;
	_ =	sdelay $0x1  }
0xa7: {  	s23 =	simm.s32 $0x1B8B  }
0xa8: {  	_ =	swait.ge [sflag:s23], $0x1  }
0xa9: {  	[sflag:s23] =	ssyncset.done $0x0  }
0xaa: {  	s25 =	simm.s32 $0x1B8E;
	s24 =	sld [smem:$0x3FFE];
	[sflag:s23] =	ssyncadd.s32 $0xFFFFFFFF  }
0xab: {  	s26 =	simm.s32 $execute0_lowered;
	[smem:$0x3FD2] =	sst s25  }
0xac: {  	s6 =	sshll.u32 s26, $0x1;
	_ =	strace $0x80000049;
	[dreg:$0x1] =	wrdreg $0xFFFFFFFF  }
0xad: {  	s28 =	simm.s32 $_size_execute0_lowered;
	s4 =	sadd.s32 s4, s6;
	[dreg:$0x0] =	wrdreg $0x0  }
0xae: {  	s6 =	sshll.u32 s28, $0x1;
	[dreg:$0x2] =	wrdreg s4  }
0xaf: {  	[dreg:$0x3] =	wrdreg s6  }
0xb0: {  	[dreg:$0x4] =	wrdreg $0xC0  }
0xb1: {  	_ =	task [dreg:s8], $0x5FFFF  }
0xb2: {  	[dreg:$0x1] =	wrdreg $0xFFFFFFFF  }
0xb3: {  	[dreg:$0x0] =	wrdreg $0x60  }
0xb4: {  	[dreg:$0x2] =	wrdreg s24  }
0xb5: {  	[dreg:$0x3] =	wrdreg s15  }
0xb6: {  	[dreg:$0x4] =	wrdreg s16  }
0xb7: {  	[dreg:$0x5] =	wrdreg $0x0  }
0xb8: {  	[dreg:$0x6] =	wrdreg $0x9  }
0xb9: {  	_ =	task.clear_ibuf [dreg:s8], $0x7FFFF;
	_ =	strace $0x90000049  }
0xba: {  	s29 =	simm.s32 $0x9;
	_ =	strace $0x8000004B  }
0xbb: {  	_ =	swait.ge [sflag:s29], $0x1  }
0xbc: {  	[sflag:s29] =	ssyncadd.s32 $0xFFFFFFFF  }
0xbd: {  	_ =	strace $0x9000004B  }
0xbe: {  	_ =	sfence  }
0xbf: {  	s30 =	sld [smem:$0x0];
	_ =	sdelay $0x2  }
0xc0: {  	s31 =	sshll.u32 s1, $0xD;
	s1 =	sshrl.u32 s1, $0x2  }
0xc1: {  	s3 =	sand.u32 $0x4000, s31;
	s1 =	sadd.s32 s1, s30  }
0xc2: {  	s0 =	sor.u32 s3, s0;
	s1 =	sshll.u32 s1, $0x11  }
0xc3: {  	s0 =	sor.u32 s1, s0  }
0xc4: {  	s0 =	sadd.s32 $0x8F2B, s0  }
0xc5: {  	[sflag:s0] =	ssyncadd.remote.s32 $0x1  }
0xc6: {  	_ =	sfence.sel $0xFFFF  }
0xc7: {  	[dreg:$0x0] =	wrdreg $0xFFFFFFFF;
	(pc) =	sbr.abs _section_cstart, $3  }
0xc8: {  	[dreg:$0x1] =	wrdreg $0xFFFFFFFF  }
0xc9: {  	_ =	task.clear_ibuf [dreg:s8], $0x2FFFF;
	_ =	strace $0x9FFFFFFF  }
0xca: {  	(tm) =	ssettm $0x7FFFFFFF  }
0xcb: {  	_ =	shalt  }
tec
execute0_lowered:
.L_overlay_start_1:
0x0: {  	(tag) =	ssettag $0x1  }
0x1: {  	s0 =	rddreg [dreg:$0x0]  }
0x2: {  	s3 =	rddreg [dreg:$0x1]  }
0x3: {  	s6 =	rddreg [dreg:$0x2]  }
0x4: {  	s1 =	rddreg [dreg:$0x3];
	s2 =	simm.s32 $0x0;
	s4 =	srdreg.scid  }
0x5: {  	s25 =	stileid.u32;
	s28 =	simm.s32 $0x13C80;
	s29 =	simm.s32 $0x6  }
0x6: {  	s31 =	simm.s32 $0x80;
	s7 =	sand.u32 $0x1, s4;
	s13 =	smul.u32 $0x2800, s25  }
0x7: {  	[smem:$0x7FF] =	sst s2;
	s12 =	sor.u32 $0x10, s25;
	s26 =	smul.u32 $0x138800, s7  }
0x8: {  	p0 =	slt.u32 s25, $0x2;
	s14 =	sor.u32 $0x20, s25;
	s15 =	smul.u32 $0x2800, s12  }
0x9: {  	s4 =	simm.s32 $0x4F;
	s17 =	sor.u32 $0x40, s25;
	s16 =	smul.u32 $0x2800, s14  }
0xa: {  	s24 =	sshrl.u32 s25, $0x2;
	s19 =	sor.u32 $0x60, s25;
	s30 =	smul.u32 $0x2800, s17  }
0xb: {  	s9 =	sshll.u32 s25, $0x1;
	s20 =	sor.u32 $0x70, s25;
	s22 =	smul.u32 $0x2800, s19  }
0xc: {  	_ =	strace $0x8000004A;
	s5 =	ssub.s32 $0x2, s7;
	s23 =	smul.u32 $0x2800, s20  }
0xd: {  	s4 =	simm.s32 @!p0 $0x4E;
	s9 =	sor.u32 s7, s9;
	s7 =	smul.u32 $0x4E, s7  }
0xe: {  	p0 =	sgt.u32 s20, $0x7C;
	s8 =	sshrl.u32 s5, $0x1;
	s10 =	sadd.s32 $0xFFFFFFFD, s4  }
0xf: {  	s11 =	sshll.u32 s9, $0x7;
	s5 =	ssub.s32 s5, s8;
	s8 =	smul.u32 $0x13C00, s24  }
0x10: {  	[dreg:$0x7] =	wrdreg s10;
	s11 =	sand.u32 $0x380, s11;
	s13 =	sadd.s32 s26, s13  }
0x11: {  	s15 =	sadd.s32 s26, s15;
	s16 =	sadd.s32 s26, s16;
	s22 =	sadd.s32 s26, s22  }
0x12: {  	s10 =	sadd.s32 s26, s23;
	s23 =	smul.u32 $0x4E, s9;
	s9 =	smin.u32 s9, $0x4  }
0x13: {  	s24 =	sadd.s32 $0x29200, s0;
	s13 =	sshrl.u32 s13, $0x3;
	s15 =	sshrl.u32 s15, $0x3  }
0x14: {  	s5 =	smax.u32 s5, $0x1;
	s8 =	sor.u32 s8, s11;
	s11 =	sor.u32 $0x30, s25  }
0x15: {  	s13 =	sadd.s32 s24, s13;
	s15 =	sadd.s32 s24, s15;
	[dreg:$0x12] =	wrdreg s5  }
0x16: {  	s5 =	simm.s32 $0x2;
	s8 =	sshrl.u32 s8, $0x3;
	[dreg:$0x9] =	wrdreg s13  }
0x17: {  	s18 =	smul.u32 $0x2800, s11;
	[dreg:$0xa] =	wrdreg s15;
	s15 =	sshrl.u32 s22, $0x3  }
0x18: {  	s22 =	sadd.s32 s9, s23;
	s23 =	simm.s32 $0x13980;
	s6 =	sadd.s32 s6, s8  }
0x19: {  	s8 =	sadd.s32 s26, s30;
	[dreg:$0x5] =	wrdreg s23;
	s23 =	smul.u32 $0xA000, s20  }
0x1a: {  	[dreg:$0x8] =	wrdreg s6;
	s6 =	sor.u32 $0x50, s25;
	s18 =	sadd.s32 s26, s18  }
0x1b: {  	s8 =	sshrl.u32 s8, $0x3;
	s21 =	smul.u32 $0x2800, s6;
	s30 =	sshrl.u32 s18, $0x3  }
0x1c: {  	s8 =	sadd.s32 s24, s8;
	s18 =	sadd.s32 s24, s15;
	s15 =	sadd.s32 $0x2000, s0  }
0x1d: {  	[dreg:$0xd] =	wrdreg s8;
	s21 =	sadd.s32 s26, s21;
	s26 =	sshrl.u32 s16, $0x3  }
0x1e: {  	[dreg:$0xf] =	wrdreg s18;
	s16 =	smul.u32 $0x9C, s25;
	s13 =	sadd.s32 s24, s26  }
0x1f: {  	s25 =	smul.u32 $0xA000, s25;
	s26 =	simm.s32 $0x13A00;
	[dreg:$0xb] =	wrdreg s13  }
0x20: {  	s13 =	sadd.s32 s24, s30;
	s7 =	sadd.s32 s7, s16;
	s30 =	smul.u32 $0xA000, s14  }
0x21: {  	[dreg:$0x6] =	wrdreg s26;
	s16 =	smul.u32 $0xA000, s19;
	s26 =	sshrl.u32 s23, $0x2  }
0x22: {  	[dreg:$0xc] =	wrdreg s13;
	s13 =	sshrl.u32 s21, $0x3;
	s21 =	sshrl.u32 s10, $0x3  }
0x23: {  	s7 =	sadd.s32 s9, s7;
	s10 =	smul.u32 $0xA000, s11;
	s11 =	sshrl.u32 s25, $0x2  }
0x24: {  	s8 =	sadd.s32 s24, s13;
	s7 =	sshll.u32 s7, $0x5;
	s13 =	smul.u32 $0xA000, s6  }
0x25: {  	s14 =	sshrl.u32 s30, $0x2;
	s25 =	sshrl.u32 s16, $0x2;
	s6 =	simm.s32 $0x3  }
0x26: {  	[dreg:$0xe] =	wrdreg s8;
	s8 =	sadd.s32 s24, s21;
	s24 =	smul.u32 $0xA000, s12  }
0x27: {  	s12 =	smul.u32 $0xA000, s17;
	s17 =	sadd.s32 s11, s1;
	s0 =	sshrl.u32 s10, $0x2  }
0x28: {  	s19 =	sadd.s32 s14, s1;
	s23 =	sadd.s32 s25, s1;
	[dreg:$0x10] =	wrdreg s8  }
0x29: {  	s8 =	sshll.u32 s22, $0x5;
	s20 =	sadd.s32 s0, s1;
	s0 =	simm.s32 $0x1BC80  }
0x2a: {  	s8 =	sadd.s32 s3, s8;
	s3 =	sadd.s32 s7, s3;
	s22 =	sshrl.u32 s12, $0x2  }
0x2b: {  	s7 =	simm.s32 $0x4;
	[dreg:$0x11] =	wrdreg s8;
	s8 =	sshrl.u32 s24, $0x2  }
0x2c: {  	s21 =	sadd.s32 s22, s1;
	s24 =	sshrl.u32 s13, $0x2;
	s30 =	sadd.s32 $0x80, s3  }
0x2d: {  	s9 =	sadd.s32 $0x40, s3;
	s3 =	simm.s32 $0x17C80;
	s18 =	sadd.s32 s8, s1  }
0x2e: {  	v0 =	vimm.f32 $0.0e+00;
	v1 =	vimm.f32 $1.000000000e+00;
	s22 =	sadd.s32 s24, s1;
	s24 =	sadd.s32 s26, s1;
	[dreg:$0x13] =	wrdreg s30  }
.LBB2_1:
0x2f: {  	s8 =	simm.s32 $0x70;
	s11 =	simm.s32 $0x3C0  }
.LBB2_2:
0x30: {  	p1 =	sne.s32 s11, $0x9FC0;
	[tilespmem:s8+$0x13C80] =	vst v0  }
0x31: {  	[tilespmem:s8+$0x13C10] =	vst v0  }
0x32: {  	[tilespmem:s8+$0x13C20] =	vst v0  }
.Ltmp0:
0x33: {  	[tilespmem:s8+$0x13C30] =	vst v0;
	(pc) =	sbr.rel @p1 .LBB2_2-.Ltmp0, $4  }
0x34: {  	[tilespmem:s8+$0x13C40] =	vst v0  }
0x35: {  	[tilespmem:s8+$0x13C50] =	vst v0  }
0x36: {  	[tilespmem:s8+$0x13C60] =	vst v0  }
0x37: {  	[tilespmem:s8+$0x13C70] =	vst v0;
	s8 =	sshra.s32 s11, $0x2;
	s11 =	sadd.s32 $0x200, s11  }
0x38: {  	[tilespmem:s8+$0x13C80] =	vst v0  }
0x39: {  	[tilespmem:s8+$0x13C10] =	vst v0  }
0x3a: {  	[tilespmem:s8+$0x13C20] =	vst v0  }
0x3b: {  	[tilespmem:s8+$0x13C30] =	vst v0  }
0x3c: {  	[tilespmem:s8+$0x13C40] =	vst v0  }
0x3d: {  	[tilespmem:s8+$0x13C50] =	vst v0  }
0x3e: {  	[tilespmem:s8+$0x13C60] =	vst v0  }
0x3f: {  	[tilespmem:s8+$0x13C70] =	vst v0;
	s8 =	simm.s32 $0x40;
	s11 =	simm.s32 $0x0  }
.LBB2_4:
0x40: {  	p1 =	sne.s32 s8, $0x9C00;
	[tilespmem:s11+$0x1BC80] =	vst v0;
	s11 =	smov.u32 s8;
	s8 =	sadd.s32 $0x40, s8  }
.Ltmp1:
0x41: {  	(pc) =	sbr.rel @p1 .LBB2_4-.Ltmp1, $2  }
0x42: {  	_ =	sdelay $0x2  }
0x43: {  	s11 =	sshra.s32 s11, $0x2  }
0x44: {  	[tilespmem:s11+$0x1BC80] =	vst v0  }
0x45: {  	[spmem:s17] =	stream.linear.scatter [tilespmem:s28], [sflag:$0x6], $0x2800, $0x38;
	[tilespmem:$0x1E400] =	vst v63  }
0x46: {  	_ =	swait.ge [sflag:s29], $0x2800  }
0x47: {  	[sflag:s29] =	ssyncset.done $0x0  }
0x48: {  	[sflag:s29] =	ssyncadd.s32 $0xFFFFD800  }
0x49: {  	[spmem:s18] =	stream.linear.scatter [tilespmem:s28], [sflag:$0x6], $0x2800, $0x38;
	[tilespmem:$0x1E400] =	vst v63  }
0x4a: {  	_ =	swait.ge [sflag:s29], $0x2800  }
0x4b: {  	[sflag:s29] =	ssyncset.done $0x0  }
0x4c: {  	[sflag:s29] =	ssyncadd.s32 $0xFFFFD800  }
0x4d: {  	[spmem:s19] =	stream.linear.scatter [tilespmem:s28], [sflag:$0x6], $0x2800, $0x38;
	[tilespmem:$0x1E400] =	vst v63  }
0x4e: {  	_ =	swait.ge [sflag:s29], $0x2800  }
0x4f: {  	[sflag:s29] =	ssyncset.done $0x0  }
0x50: {  	[sflag:s29] =	ssyncadd.s32 $0xFFFFD800  }
0x51: {  	[spmem:s20] =	stream.linear.scatter [tilespmem:s28], [sflag:$0x6], $0x2800, $0x38;
	[tilespmem:$0x1E400] =	vst v63  }
0x52: {  	_ =	swait.ge [sflag:s29], $0x2800  }
0x53: {  	[sflag:s29] =	ssyncset.done $0x0  }
0x54: {  	[sflag:s29] =	ssyncadd.s32 $0xFFFFD800  }
0x55: {  	[spmem:s21] =	stream.linear.scatter [tilespmem:s28], [sflag:$0x6], $0x2800, $0x38;
	[tilespmem:$0x1E400] =	vst v63  }
0x56: {  	_ =	swait.ge [sflag:s29], $0x2800  }
0x57: {  	[sflag:s29] =	ssyncset.done $0x0  }
0x58: {  	[sflag:s29] =	ssyncadd.s32 $0xFFFFD800  }
0x59: {  	[spmem:s22] =	stream.linear.scatter [tilespmem:s28], [sflag:$0x6], $0x2800, $0x38;
	[tilespmem:$0x1E400] =	vst v63  }
0x5a: {  	_ =	swait.ge [sflag:s29], $0x2800  }
0x5b: {  	[sflag:s29] =	ssyncset.done $0x0  }
0x5c: {  	[sflag:s29] =	ssyncadd.s32 $0xFFFFD800  }
0x5d: {  	[spmem:s23] =	stream.linear.scatter [tilespmem:s28], [sflag:$0x6], $0x2800, $0x38;
	[tilespmem:$0x1E400] =	vst v63  }
0x5e: {  	_ =	swait.ge [sflag:s29], $0x2800  }
0x5f: {  	[sflag:s29] =	ssyncset.done $0x0  }
0x60: {  	s8 =	simm.s32 @!p0 $0x13C80;
	[sflag:s29] =	ssyncadd.s32 $0xFFFFD800  }
0x61: {  	[spmem:s24] =	stream.linear.scatter @!p0 [tilespmem:s8], [sflag:$0x6], $0x2800, $0x38;
	[tilespmem:$0x1E400] =	vst v63  }
0x62: {  	s8 =	simm.s32 @!p0 $0x6  }
0x63: {  	_ =	swait.ge @!p0 [sflag:s8], $0x2800  }
0x64: {  	[sflag:s8] =	ssyncset.done @!p0 $0x0  }
0x65: {  	[sflag:s8] =	ssyncadd.s32 @!p0 $0xFFFFD800  }
0x66: {  	[bflag:$0x0] =	sbarrier.arrive $0xFFFF  }
0x67: {  	s30 =	simm.s32 $0x13880;
	s8 =	simm.s32 $0x0;
	s10 =	rddreg [dreg:$0x11]  }
0x68: {  	[tilespmem:s30], [sflag:$0x6] =	stream.linear.gather [hbm4b:s10+s8], $0x200, $0x38;
	[tilespmem:$0x1E400] =	vst v63  }
0x69: {  	_ =	swait.ge [sflag:s29], $0x200  }
0x6a: {  	[sflag:s29] =	ssyncset.done $0x0  }
0x6b: {  	[sflag:s29] =	ssyncadd.s32 $0xFFFFFE00  }
0x6c: {  	[tilespmem:s28], [sflag:$0x1] =	stream.indirect.gather [hbm4b:s15+s31], $0x80, s30, s31, $0xb8;
	[tilespmem:$0x1E400] =	vst v63  }
0x6d: {  	v2 =	vld [tilespmem:$0x13900];
	_ =	sdelay $0x7  }
0x6e: {  	[tilespmem:v2+s0+$0x0] =	vst.idx.add.f32.msk $0xffff, v1  }
0x6f: {  	v2 =	vld [tilespmem:$0x13910];
	_ =	sdelay $0x7  }
0x70: {  	[tilespmem:v2+s0+$0x0] =	vst.idx.add.f32.msk $0xffff, v1  }
0x71: {  	v2 =	vld [tilespmem:$0x13920];
	_ =	sdelay $0x7  }
0x72: {  	[tilespmem:v2+s0+$0x0] =	vst.idx.add.f32.msk $0xffff, v1  }
0x73: {  	v2 =	vld [tilespmem:$0x13930];
	_ =	sdelay $0x7  }
0x74: {  	[tilespmem:v2+s0+$0x0] =	vst.idx.add.f32.msk $0xffff, v1  }
0x75: {  	v2 =	vld [tilespmem:$0x13940];
	_ =	sdelay $0x7  }
0x76: {  	[tilespmem:v2+s0+$0x0] =	vst.idx.add.f32.msk $0xffff, v1  }
0x77: {  	v2 =	vld [tilespmem:$0x13950];
	_ =	sdelay $0x7  }
0x78: {  	[tilespmem:v2+s0+$0x0] =	vst.idx.add.f32.msk $0xffff, v1  }
0x79: {  	v2 =	vld [tilespmem:$0x13960];
	_ =	sdelay $0x7  }
0x7a: {  	[tilespmem:v2+s0+$0x0] =	vst.idx.add.f32.msk $0xffff, v1  }
0x7b: {  	v2 =	vld [tilespmem:$0x13970];
	_ =	sdelay $0x7  }
0x7c: {  	s26 =	smov.u32 s9;
	s25 =	rddreg [dreg:$0x13];
	[tilespmem:v2+s0+$0x0] =	vst.idx.add.f32.msk $0xffff, v1  }
.LBB2_6:
0x7d: {  	p1 =	seq.s32 s8, $0x0  }
0x7e: {  	s11 =	simm.s32 @!p1 $0x4  }
0x7f: {  	_ =	swait.ge @!p1 [sflag:s11], $0x4000  }
0x80: {  	[sflag:s11] =	ssyncset.done @!p1 $0x0  }
0x81: {  	s12 =	rddreg [dreg:$0x5];
	[sflag:s11] =	ssyncadd.s32 @!p1 $0xFFFFC000  }
0x82: {  	[tilespmem:s3], [sflag:$0x2] =	stream.indirect.gather [hbm4b:s15+s31], $0x80, s12, s31, $0xb8;
	[tilespmem:$0x1E400] =	vst v63  }
0x83: {  	v2 =	vld [tilespmem:$0x13A00];
	_ =	sdelay $0x7  }
0x84: {  	[tilespmem:v2+s0+$0x0] =	vst.idx.add.f32.msk $0xffff, v1  }
0x85: {  	v2 =	vld [tilespmem:$0x13A10];
	_ =	sdelay $0x7  }
0x86: {  	[tilespmem:v2+s0+$0x0] =	vst.idx.add.f32.msk $0xffff, v1  }
0x87: {  	v2 =	vld [tilespmem:$0x13A20];
	_ =	sdelay $0x7  }
0x88: {  	[tilespmem:v2+s0+$0x0] =	vst.idx.add.f32.msk $0xffff, v1  }
0x89: {  	v2 =	vld [tilespmem:$0x13A30];
	_ =	sdelay $0x7  }
0x8a: {  	[tilespmem:v2+s0+$0x0] =	vst.idx.add.f32.msk $0xffff, v1  }
0x8b: {  	v2 =	vld [tilespmem:$0x13A40];
	_ =	sdelay $0x7  }
0x8c: {  	[tilespmem:v2+s0+$0x0] =	vst.idx.add.f32.msk $0xffff, v1  }
0x8d: {  	v2 =	vld [tilespmem:$0x13A50];
	_ =	sdelay $0x7  }
0x8e: {  	[tilespmem:v2+s0+$0x0] =	vst.idx.add.f32.msk $0xffff, v1  }
0x8f: {  	v2 =	vld [tilespmem:$0x13A60];
	_ =	sdelay $0x7  }
0x90: {  	[tilespmem:v2+s0+$0x0] =	vst.idx.add.f32.msk $0xffff, v1  }
0x91: {  	v2 =	vld [tilespmem:$0x13A70];
	_ =	sdelay $0x5  }
0x92: {  	s14 =	sadd.s32 $0x2, s8  }
0x93: {  	p1 =	sge.u32 s14, s4  }
0x94: {  	s11 =	simm.s32 @p1 $0x1;
	[tilespmem:v2+s0+$0x0] =	vst.idx.add.f32.msk $0xffff, v1  }
0x95: {  	_ =	swait.ge @p1 [sflag:s11], $0x4000  }
0x96: {  	s12 =	simm.s32 @p1 $0x13900;
	[sflag:s11] =	ssyncset.done @p1 $0x0  }
0x97: {  	s13 =	simm.s32 @p1 $0x13C80;
	[sflag:s11] =	ssyncadd.s32 @p1 $0xFFFFC000;
	s11 =	simm.s32 @p1 $0x80  }
0x98: {  	[spmem:s1] =	stream.indirect.scatter.add.f32 @p1 [tilespmem:s13], [sflag:$0x3], $0x80, s12, s11, $0xb8;
	[tilespmem:$0x1E400] =	vst v63  }
0x99: {  	s14 =	simm.s32 @!p1 $0x13A80;
	s11 =	simm.s32 @!p1 $0x0  }
0x9a: {  	[tilespmem:s14], [sflag:$0x5] =	stream.linear.gather @!p1 [hbm4b:s26+s11], $0x200, $0x38;
	[tilespmem:$0x1E400] =	vst v63  }
0x9b: {  	s11 =	simm.s32 @!p1 $0x1  }
0x9c: {  	_ =	swait.ge @!p1 [sflag:s11], $0x4000  }
0x9d: {  	s16 =	simm.s32 @!p1 $0x13900;
	[sflag:s11] =	ssyncset.done @!p1 $0x0  }
0x9e: {  	s12 =	simm.s32 @!p1 $0x80;
	s13 =	simm.s32 @!p1 $0x13C80;
	[sflag:s11] =	ssyncadd.s32 @!p1 $0xFFFFC000  }
0x9f: {  	[spmem:s1] =	stream.indirect.scatter.add.f32 @!p1 [tilespmem:s13], [sflag:$0x3], $0x80, s16, s12, $0xb8;
	[tilespmem:$0x1E400] =	vst v63  }
0xa0: {  	s16 =	simm.s32 @!p1 $0x5  }
0xa1: {  	_ =	swait.ge @!p1 [sflag:s16], $0x200  }
0xa2: {  	[sflag:s16] =	ssyncset.done @!p1 $0x0  }
0xa3: {  	[sflag:s16] =	ssyncadd.s32 @!p1 $0xFFFFFE00;
	s16 =	simm.s32 @!p1 $0x3  }
0xa4: {  	_ =	swait.ge @!p1 [sflag:s16], $0x4000  }
0xa5: {  	[sflag:s16] =	ssyncset.done @!p1 $0x0  }
0xa6: {  	[sflag:s16] =	ssyncadd.s32 @!p1 $0xFFFFC000  }
0xa7: {  	[tilespmem:s13], [sflag:$0x1] =	stream.indirect.gather @!p1 [hbm4b:s15+s12], $0x80, s14, s12, $0xb8;
	[tilespmem:$0x1E400] =	vst v63  }
0xa8: {  	v2 =	vld @!p1 [tilespmem:$0x13B00];
	_ =	sdelay $0x6  }
0xa9: {  	v3 =	vimm.f32 @!p1 $1.000000000e+00;
	s14 =	simm.s32 @!p1 $0x1BC80  }
0xaa: {  	[tilespmem:v2+s14+$0x0] =	vst.idx.add.f32.msk @!p1 $0xffff, v3  }
0xab: {  	v2 =	vld @!p1 [tilespmem:$0x13B10];
	_ =	sdelay $0x7  }
0xac: {  	[tilespmem:v2+s14+$0x0] =	vst.idx.add.f32.msk @!p1 $0xffff, v3  }
0xad: {  	v2 =	vld @!p1 [tilespmem:$0x13B20];
	_ =	sdelay $0x7  }
0xae: {  	[tilespmem:v2+s14+$0x0] =	vst.idx.add.f32.msk @!p1 $0xffff, v3  }
0xaf: {  	v2 =	vld @!p1 [tilespmem:$0x13B30];
	_ =	sdelay $0x7  }
0xb0: {  	[tilespmem:v2+s14+$0x0] =	vst.idx.add.f32.msk @!p1 $0xffff, v3  }
0xb1: {  	v2 =	vld @!p1 [tilespmem:$0x13B40];
	_ =	sdelay $0x7  }
0xb2: {  	[tilespmem:v2+s14+$0x0] =	vst.idx.add.f32.msk @!p1 $0xffff, v3  }
0xb3: {  	v2 =	vld @!p1 [tilespmem:$0x13B50];
	_ =	sdelay $0x7  }
0xb4: {  	[tilespmem:v2+s14+$0x0] =	vst.idx.add.f32.msk @!p1 $0xffff, v3  }
0xb5: {  	v2 =	vld @!p1 [tilespmem:$0x13B60];
	_ =	sdelay $0x7  }
0xb6: {  	[tilespmem:v2+s14+$0x0] =	vst.idx.add.f32.msk @!p1 $0xffff, v3  }
0xb7: {  	v2 =	vld @!p1 [tilespmem:$0x13B70];
	_ =	sdelay $0x7  }
0xb8: {  	[tilespmem:v2+s14+$0x0] =	vst.idx.add.f32.msk @!p1 $0xffff, v3  }
0xb9: {  	_ =	swait.ge [sflag:s5], $0x4000  }
0xba: {  	[sflag:s5] =	ssyncset.done $0x0;
	s30 =	rddreg [dreg:$0x7]  }
0xbb: {  	s16 =	rddreg [dreg:$0x6];
	[sflag:s5] =	ssyncadd.s32 $0xFFFFC000;
	p2 =	sge.u32 s8, s30  }
0xbc: {  	[spmem:s1] =	stream.indirect.scatter.add.f32 [tilespmem:s3], [sflag:$0x4], $0x80, s16, s31, $0xb8;
	[tilespmem:$0x1E400] =	vst v63  }
0xbd: {  	s14 =	simm.s32 @!p2 $0x4  }
0xbe: {  	_ =	swait.ge @!p2 [sflag:s14], $0x4000  }
0xbf: {  	s30 =	simm.s32 @!p2 $0x13B80;
	[sflag:s14] =	ssyncset.done @!p2 $0x0  }
0xc0: {  	s16 =	simm.s32 @!p2 $0x17C80;
	[sflag:s14] =	ssyncadd.s32 @!p2 $0xFFFFC000;
	s14 =	simm.s32 @!p2 $0x80  }
0xc1: {  	[tilespmem:s16], [sflag:$0x2] =	stream.indirect.gather @!p2 [hbm4b:s15+s14], $0x80, s30, s14, $0xb8;
	[tilespmem:$0x1E400] =	vst v63  }
0xc2: {  	v2 =	vld @!p2 [tilespmem:$0x13C00];
	_ =	sdelay $0x6  }
0xc3: {  	v3 =	vimm.f32 @!p2 $1.000000000e+00;
	s30 =	simm.s32 @!p2 $0x1BC80  }
0xc4: {  	[tilespmem:v2+s30+$0x0] =	vst.idx.add.f32.msk @!p2 $0xffff, v3  }
0xc5: {  	v2 =	vld @!p2 [tilespmem:$0x13C10];
	_ =	sdelay $0x7  }
0xc6: {  	[tilespmem:v2+s30+$0x0] =	vst.idx.add.f32.msk @!p2 $0xffff, v3  }
0xc7: {  	v2 =	vld @!p2 [tilespmem:$0x13C20];
	_ =	sdelay $0x7  }
0xc8: {  	[tilespmem:v2+s30+$0x0] =	vst.idx.add.f32.msk @!p2 $0xffff, v3  }
0xc9: {  	v2 =	vld @!p2 [tilespmem:$0x13C30];
	_ =	sdelay $0x7  }
0xca: {  	[tilespmem:v2+s30+$0x0] =	vst.idx.add.f32.msk @!p2 $0xffff, v3  }
0xcb: {  	v2 =	vld @!p2 [tilespmem:$0x13C40];
	_ =	sdelay $0x7  }
0xcc: {  	[tilespmem:v2+s30+$0x0] =	vst.idx.add.f32.msk @!p2 $0xffff, v3  }
0xcd: {  	v2 =	vld @!p2 [tilespmem:$0x13C50];
	_ =	sdelay $0x7  }
0xce: {  	[tilespmem:v2+s30+$0x0] =	vst.idx.add.f32.msk @!p2 $0xffff, v3  }
0xcf: {  	v2 =	vld @!p2 [tilespmem:$0x13C60];
	_ =	sdelay $0x7  }
0xd0: {  	[tilespmem:v2+s30+$0x0] =	vst.idx.add.f32.msk @!p2 $0xffff, v3  }
0xd1: {  	v2 =	vld @!p2 [tilespmem:$0x13C70];
	_ =	sdelay $0x5  }
0xd2: {  	s8 =	sadd.s32 $0x4, s8  }
0xd3: {  	p3 =	sge.u32 s8, s4  }
0xd4: {  	s10 =	simm.s32 @!p3 $0x13880;
	[tilespmem:v2+s30+$0x0] =	vst.idx.add.f32.msk @!p2 $0xffff, v3;
	s30 =	simm.s32 @!p3 $0x0  }
0xd5: {  	[tilespmem:s10], [sflag:$0x5] =	stream.linear.gather @!p3 [hbm4b:s25+s30], $0x200, $0x38;
	[tilespmem:$0x1E400] =	vst v63  }
0xd6: {  	_ =	swait.ge @!p1 [sflag:s11], $0x4000  }
0xd7: {  	[sflag:s11] =	ssyncset.done @!p1 $0x0  }
0xd8: {  	[sflag:s11] =	ssyncadd.s32 @!p1 $0xFFFFC000;
	s11 =	simm.s32 @!p1 $0x13B00  }
0xd9: {  	[spmem:s1] =	stream.indirect.scatter.add.f32 @!p1 [tilespmem:s13], [sflag:$0x3], $0x80, s11, s12, $0xb8;
	[tilespmem:$0x1E400] =	vst v63  }
0xda: {  	s11 =	simm.s32 @!p3 $0x5  }
0xdb: {  	_ =	swait.ge @!p3 [sflag:s11], $0x200  }
0xdc: {  	[sflag:s11] =	ssyncset.done @!p3 $0x0  }
0xdd: {  	[sflag:s11] =	ssyncadd.s32 @!p3 $0xFFFFFE00;
	s11 =	simm.s32 @!p3 $0x3  }
0xde: {  	_ =	swait.ge @!p3 [sflag:s11], $0x4000  }
0xdf: {  	[sflag:s11] =	ssyncset.done @!p3 $0x0  }
0xe0: {  	s12 =	simm.s32 @!p3 $0x13C80;
	[sflag:s11] =	ssyncadd.s32 @!p3 $0xFFFFC000;
	s11 =	simm.s32 @!p3 $0x80  }
0xe1: {  	[tilespmem:s12], [sflag:$0x1] =	stream.indirect.gather @!p3 [hbm4b:s15+s11], $0x80, s10, s11, $0xb8;
	[tilespmem:$0x1E400] =	vst v63  }
0xe2: {  	v2 =	vld @!p3 [tilespmem:$0x13900];
	_ =	sdelay $0x6  }
0xe3: {  	v3 =	vimm.f32 @!p3 $1.000000000e+00;
	s10 =	simm.s32 @!p3 $0x1BC80  }
0xe4: {  	[tilespmem:v2+s10+$0x0] =	vst.idx.add.f32.msk @!p3 $0xffff, v3  }
0xe5: {  	v2 =	vld @!p3 [tilespmem:$0x13910];
	_ =	sdelay $0x7  }
0xe6: {  	[tilespmem:v2+s10+$0x0] =	vst.idx.add.f32.msk @!p3 $0xffff, v3  }
0xe7: {  	v2 =	vld @!p3 [tilespmem:$0x13920];
	_ =	sdelay $0x7  }
0xe8: {  	[tilespmem:v2+s10+$0x0] =	vst.idx.add.f32.msk @!p3 $0xffff, v3  }
0xe9: {  	v2 =	vld @!p3 [tilespmem:$0x13930];
	_ =	sdelay $0x7  }
0xea: {  	[tilespmem:v2+s10+$0x0] =	vst.idx.add.f32.msk @!p3 $0xffff, v3  }
0xeb: {  	v2 =	vld @!p3 [tilespmem:$0x13940];
	_ =	sdelay $0x7  }
0xec: {  	[tilespmem:v2+s10+$0x0] =	vst.idx.add.f32.msk @!p3 $0xffff, v3  }
0xed: {  	v2 =	vld @!p3 [tilespmem:$0x13950];
	_ =	sdelay $0x7  }
0xee: {  	[tilespmem:v2+s10+$0x0] =	vst.idx.add.f32.msk @!p3 $0xffff, v3  }
0xef: {  	v2 =	vld @!p3 [tilespmem:$0x13960];
	_ =	sdelay $0x7  }
0xf0: {  	[tilespmem:v2+s10+$0x0] =	vst.idx.add.f32.msk @!p3 $0xffff, v3  }
0xf1: {  	v2 =	vld @!p3 [tilespmem:$0x13970];
	_ =	sdelay $0x6  }
0xf2: {  	p1 =	sne.s32 s8, $0x50  }
.Ltmp2:
0xf3: {  	[tilespmem:v2+s10+$0x0] =	vst.idx.add.f32.msk @!p3 $0xffff, v3;
	s10 =	simm.s32 @!p2 $0x2;
	(pc) =	sbr.rel @p1 .LBB2_6-.Ltmp2, $4  }
0xf4: {  	_ =	swait.ge @!p2 [sflag:s10], $0x4000  }
0xf5: {  	s26 =	sadd.s32 $0x80, s26;
	[sflag:s10] =	ssyncset.done @!p2 $0x0  }
0xf6: {  	s25 =	sadd.s32 $0x80, s25;
	[sflag:s10] =	ssyncadd.s32 @!p2 $0xFFFFC000;
	s10 =	simm.s32 @!p2 $0x13C00  }
0xf7: {  	[spmem:s1] =	stream.indirect.scatter.add.f32 @!p2 [tilespmem:s16], [sflag:$0x4], $0x80, s10, s14, $0xb8;
	[tilespmem:$0x1E400] =	vst v63  }
0xf8: {  	_ =	swait.ge [sflag:s6], $0x4000  }
0xf9: {  	[sflag:s6] =	ssyncset.done $0x0  }
0xfa: {  	[sflag:s6] =	ssyncadd.s32 $0xFFFFC000  }
0xfb: {  	_ =	swait.ge [sflag:s7], $0x4000  }
0xfc: {  	[sflag:s7] =	ssyncset.done $0x0  }
0xfd: {  	s10 =	simm.s32 $0x400;
	s8 =	rddreg [dreg:$0x8];
	[sflag:s7] =	ssyncadd.s32 $0xFFFFC000  }
0xfe: {  	[hbm4b:s8+s31] =	stream.strided.scatter [tilespmem:s0], [sflag:$0x6], $0x2780, s10, s31, $0x38;
	[tilespmem:$0x1E400] =	vst v63  }
0xff: {  	_ =	swait.ge [sflag:s29], $0x2780  }
0x100: {  	[sflag:s29] =	ssyncset.done $0x0  }
0x101: {  	s11 =	stileid.u32;
	[sflag:s29] =	ssyncadd.s32 $0xFFFFD880  }
0x102: {  	s8 =	sshll.u32 s11, $0x6;
	[bflag:$0x0] =	sbarrier.arrive $0xFFFF  }
0x103: {  	s12 =	sshrl.u32 s17, $0x3;
	s8 =	sor.u32 $0x1C06, s8;
	s11 =	rddreg [dreg:$0x9]  }
0x104: {  	[hbm:s11], [sflag:s8] =	dma.local [spmem:s12], $0x500  }
0x105: {  	_ =	swait.ge [sflag:s29], $0x500  }
0x106: {  	[sflag:s29] =	ssyncset.done $0x0  }
0x107: {  	s13 =	sshrl.u32 s18, $0x3;
	s14 =	rddreg [dreg:$0xa];
	[sflag:s29] =	ssyncadd.s32 $0xFFFFFB00  }
0x108: {  	[hbm:s14], [sflag:s8] =	dma.local [spmem:s13], $0x500  }
0x109: {  	_ =	swait.ge [sflag:s29], $0x500  }
0x10a: {  	[sflag:s29] =	ssyncset.done $0x0  }
0x10b: {  	s16 =	sshrl.u32 s19, $0x3;
	s25 =	rddreg [dreg:$0xb];
	[sflag:s29] =	ssyncadd.s32 $0xFFFFFB00  }
0x10c: {  	[hbm:s25], [sflag:s8] =	dma.local [spmem:s16], $0x500  }
0x10d: {  	_ =	swait.ge [sflag:s29], $0x500  }
0x10e: {  	[sflag:s29] =	ssyncset.done $0x0  }
0x10f: {  	s26 =	sshrl.u32 s20, $0x3;
	s30 =	rddreg [dreg:$0xc];
	[sflag:s29] =	ssyncadd.s32 $0xFFFFFB00  }
0x110: {  	[hbm:s30], [sflag:s8] =	dma.local [spmem:s26], $0x500  }
0x111: {  	_ =	swait.ge [sflag:s29], $0x500  }
0x112: {  	[sflag:s29] =	ssyncset.done $0x0  }
0x113: {  	s12 =	sshrl.u32 s21, $0x3;
	s13 =	rddreg [dreg:$0xd];
	[sflag:s29] =	ssyncadd.s32 $0xFFFFFB00  }
0x114: {  	[hbm:s13], [sflag:s8] =	dma.local [spmem:s12], $0x500  }
0x115: {  	_ =	swait.ge [sflag:s29], $0x500  }
0x116: {  	[sflag:s29] =	ssyncset.done $0x0  }
0x117: {  	s14 =	sshrl.u32 s22, $0x3;
	s16 =	rddreg [dreg:$0xe];
	[sflag:s29] =	ssyncadd.s32 $0xFFFFFB00  }
0x118: {  	[hbm:s16], [sflag:s8] =	dma.local [spmem:s14], $0x500  }
0x119: {  	_ =	swait.ge [sflag:s29], $0x500  }
0x11a: {  	[sflag:s29] =	ssyncset.done $0x0  }
0x11b: {  	s25 =	sshrl.u32 s23, $0x3;
	s26 =	rddreg [dreg:$0xf];
	[sflag:s29] =	ssyncadd.s32 $0xFFFFFB00  }
0x11c: {  	[hbm:s26], [sflag:s8] =	dma.local [spmem:s25], $0x500  }
0x11d: {  	_ =	swait.ge [sflag:s29], $0x500  }
0x11e: {  	[sflag:s29] =	ssyncset.done $0x0  }
0x11f: {  	s10 =	sshrl.u32 @!p0 s24, $0x3;
	s11 =	rddreg [dreg:$0x10];
	[sflag:s29] =	ssyncadd.s32 $0xFFFFFB00  }
0x120: {  	[hbm:s11], [sflag:s8] =	dma.local @!p0 [spmem:s10], $0x500  }
0x121: {  	s8 =	simm.s32 @!p0 $0x6  }
0x122: {  	_ =	swait.ge @!p0 [sflag:s8], $0x500  }
0x123: {  	s2 =	sadd.s32 $0x1, s2;
	s30 =	rddreg [dreg:$0x12]  }
0x124: {  	p1 =	sne.s32 s2, s30  }
.Ltmp3:
0x125: {  	_ = 	snop;
	(pc) =	sbr.rel @p1 .LBB2_1-.Ltmp3, $3  }
0x126: {  	_ =	sdelay $0x1  }
0x127: {  	[sflag:s8] =	ssyncset.done @!p0 $0x0  }
0x128: {  	[sflag:s8] =	ssyncadd.s32 @!p0 $0xFFFFFB00  }
0x129: {  	_ =	sfence.sel $0x180000  }
0x12a: {  	[bflag:$0x0] =	sbarrier.arrive $0xFFFF  }
0x12b: {  	_ =	strace $0x9000004A  }
0x12c: {  	s0 =	stileid.u32;
	[bflag:$0x2] =	sbarrier.arrive $0xFFFF  }
0x12d: {  	p0 =	sne.s32 s0, $0x0;
	s0 =	rddreg [dreg:$0x4]  }
0x12e: {  	s0 =	sadd.s32 @!p0 $0x100000, s0  }
0x12f: {  	[sflag:s0] =	ssyncadd.tile.s32 @!p0 $0x1;
	_ =	shalt  }
.Lfunc_end2:
_tile_overlayer_lowered:
.L_overlay_start_2:
0x130: {  	(tag) =	ssettag $0x2  }
0x131: {  	s0 =	rddreg [dreg:$0x0];
	s2 =	stileid.u32  }
0x132: {  	s1 =	rddreg [dreg:$0x1];
	p0 =	sne.s32 s2, $0x0  }
0x133: {  	s3 =	rddreg [dreg:$0x2];
	[bflag:$0x3] =	sbarrier.arrive $0xFFFF;
	s2 =	simm.s32 @!p0 $0x1C06  }
0x134: {  	[timem:s3], [sflag:s2] =	dma.local @!p0 [hbm:s0], s1  }
0x135: {  	s0 =	simm.s32 @!p0 $0x6  }
0x136: {  	_ =	swait.ge @!p0 [sflag:s0], s1  }
0x137: {  	s1 =	ssub.s32 @!p0 $0x0, s1;
	[sflag:s0] =	ssyncset.done @!p0 $0x0  }
0x138: {  	[sflag:s0] =	ssyncadd.s32 @!p0 s1  }
0x139: {  	[bflag:$0x3] =	sbarrier.arrive $0xFFFF  }
0x13a: {  	_ =	shalt  }

// kernel: kernel.8.cloned.1.call-start
scs
__scs_entry_jumppad:
0x0: {  	(pc) =	sbr.rel $0x88, $3  }
0x1: {  	(tag) =	ssettag $0x0;
	lr =	simm.s32 $0x1  }
0x2: {  	[smem:$0x3F99] =	sst lr;
	_ =	strace $0xD0000000  }
0x3: {  	_ = 	snop  }
0x4: {  	_ = 	snop  }
0x5: {  	_ = 	snop  }
0x6: {  	_ = 	snop  }
0x7: {  	_ = 	snop  }
__scs_overlays_trampoline_lowered:
0x8: {  	[smem:$0x3FA8] =	sst s0  }
0x9: {  	[smem:$0x3FA9] =	sst s1  }
0xa: {  	[smem:$0x3FAA] =	sst s2  }
0xb: {  	[smem:$0x3FAB] =	sst s3  }
0xc: {  	[smem:$0x3FAC] =	sst s4  }
0xd: {  	[smem:$0x3FAD] =	sst s5  }
0xe: {  	[smem:$0x3FAE] =	sst s6  }
0xf: {  	[smem:$0x3FAF] =	sst s7  }
0x10: {  	[smem:$0x3FB0] =	sst s8  }
0x11: {  	[smem:$0x3FB1] =	sst s9;
	s0 =	simm.s32 @!p0 $0x0  }
0x12: {  	s1 =	sld [smem:$0x3F97];
	s0 =	simm.s32 @p0 $0x1  }
0x13: {  	[smem:$0x3FB2] =	sst s0;
	s0 =	simm.s32 @!p1 $0x0  }
0x14: {  	s2 =	sld [smem:$0x3F96];
	s0 =	simm.s32 @p1 $0x1  }
0x15: {  	[smem:$0x3FB3] =	sst s0;
	s0 =	simm.s32 @!p2 $0x0  }
0x16: {  	s3 =	sld [smem:$0x3FDB];
	s0 =	simm.s32 @p2 $0x1  }
0x17: {  	s4 =	simm.s32 $0x1BF5;
	[smem:$0x3FB5] =	sst s0  }
0x18: {  	s0 =	sld [smem:$0x3F98];
	_ =	swait.ge [sflag:s4], $0x0  }
0x19: {  	s7 =	sld [smem:$0x3F99]  }
0x1a: {  	s8 =	sadd.s32 $0xFFFFE003, lr  }
0x1b: {  	s9 =	sadd.s32 $0xFFFFFEF7, lr;
	s5 =	simm.s32 $0xFFFFFFFF;
	p2 =	slt.u32 s8, $0xFFFFF086  }
0x1c: {  	p1 =	slt.u32 s9, $0xF7A;
	s5 =	simm.s32 @!p2 $0x0  }
0x1d: {  	s5 =	simm.s32 @p1 $0x1;
	p0 =	seq.s32 s7, s2  }
0x1e: {  	s7 =	smul.u32 @!p0 $0xF7A, s2;
	p2 =	seq.s32 @!p0 s5, $0x0  }
0x1f: {  	s9 =	smul.u32 $0xF7A, s1;
	s8 =	simm.s32 @!p0 $0x1BF5;
	p2 =	por !p2, p0  }
0x20: {  	[sflag:s8] =	ssyncset.s32 @!p0 $0xFFFFF086;
	s6 =	sadd.s32 @!p0 s3, s7;
	s7 =	simm.s32 @!p0 $0x108  }
0x21: {  	s3 =	sadd.s32 s3, s9;
	s6 =	sadd.s32 @!p0 $0x88, s6;
	s7 =	simm.s32 @p2 $0x1082  }
0x22: {  	[simem:s7], [sflag:s8] =	dma.local @!p0 [hbm:s6], $0xF7A  }
0x23: {  	s9 =	sor.u32 $0xD0000000, s2;
	s6 =	simm.s32 $0x108;
	_ =	swait.ge @!p0 [sflag:s8], $0x0  }
0x24: {  	s3 =	sadd.s32 $0x88, s3;
	s6 =	simm.s32 @!p1 $0x1082;
	[sflag:s4] =	ssyncset.s32 $0xFFFFF086  }
0x25: {  	[simem:s6], [sflag:s4] =	dma.local [hbm:s3], $0xF7A  }
0x26: {  	[smem:$0x3F99] =	sst s1;
	(tag) =	ssettag s2;
	_ =	strace s9  }
0x27: {  	s1 =	sld [smem:$0x3FA9]  }
0x28: {  	s2 =	sld [smem:$0x3FAA]  }
0x29: {  	s4 =	sld [smem:$0x3FAC]  }
0x2a: {  	p0 =	seq.s32 s5, $0x0;
	s5 =	sld [smem:$0x3FAD]  }
0x2b: {  	s6 =	sld [smem:$0x3FAE]  }
0x2c: {  	s7 =	sld [smem:$0x3FAF]  }
0x2d: {  	s3 =	simm.s32 $0x108;
	s8 =	sld [smem:$0x3FB0]  }
0x2e: {  	s3 =	simm.s32 @!p0 $0x1082;
	s9 =	sld [smem:$0x3FB1]  }
0x2f: {  	lr =	sadd.s32 s0, s3;
	s0 =	sld [smem:$0x3FA8]  }
0x30: {  	s3 =	sld [smem:$0x3FAB]  }
0x31: {  	[smem:$0x3FB4] =	sst s10  }
0x32: {  	s10 =	sld [smem:$0x3FB2];
	_ =	sdelay $0x3  }
0x33: {  	p0 =	seq.s32 s10, $0x1;
	s10 =	sld [smem:$0x3FB4];
	_ =	sdelay $0x3  }
0x34: {  	[smem:$0x3FB4] =	sst s10  }
0x35: {  	s10 =	sld [smem:$0x3FB3];
	_ =	sdelay $0x3  }
0x36: {  	p1 =	seq.s32 s10, $0x1;
	s10 =	sld [smem:$0x3FB4];
	_ =	sdelay $0x3  }
0x37: {  	[smem:$0x3FB4] =	sst s10  }
0x38: {  	s10 =	sld [smem:$0x3FB5]  }
0x39: {  	_ = 	snop;
	(pc) =	sbr.ind lr, $3  }
0x3a: {  	_ = 	snop  }
0x3b: {  	_ = 	snop  }
0x3c: {  	p2 =	seq.s32 s10, $0x1;
	s10 =	sld [smem:$0x3FB4]  }
0x3d: {  	_ =	shalt  }
0x3e: {  	_ =	shalt  }
0x3f: {  	_ =	shalt  }
0x40: {  	_ =	shalt  }
0x41: {  	_ =	shalt  }
0x42: {  	_ =	shalt  }
0x43: {  	_ =	shalt  }
0x44: {  	_ =	shalt  }
0x45: {  	_ =	shalt  }
0x46: {  	_ =	shalt  }
0x47: {  	_ =	shalt  }
0x48: {  	_ =	shalt  }
0x49: {  	_ =	shalt  }
0x4a: {  	_ =	shalt  }
0x4b: {  	_ =	shalt  }
0x4c: {  	_ =	shalt  }
0x4d: {  	_ =	shalt  }
0x4e: {  	_ =	shalt  }
0x4f: {  	_ =	shalt  }
0x50: {  	_ =	shalt  }
0x51: {  	_ =	shalt  }
0x52: {  	_ =	shalt  }
0x53: {  	_ =	shalt  }
0x54: {  	_ =	shalt  }
0x55: {  	_ =	shalt  }
0x56: {  	_ =	shalt  }
0x57: {  	_ =	shalt  }
0x58: {  	_ =	shalt  }
0x59: {  	_ =	shalt  }
0x5a: {  	_ =	shalt  }
0x5b: {  	_ =	shalt  }
0x5c: {  	_ =	shalt  }
0x5d: {  	_ =	shalt  }
0x5e: {  	_ =	shalt  }
0x5f: {  	_ =	shalt  }
0x60: {  	_ =	shalt  }
0x61: {  	_ =	shalt  }
0x62: {  	_ =	shalt  }
0x63: {  	_ =	shalt  }
0x64: {  	_ =	shalt  }
0x65: {  	_ =	shalt  }
0x66: {  	_ =	shalt  }
0x67: {  	_ =	shalt  }
0x68: {  	_ =	shalt  }
0x69: {  	_ =	shalt  }
0x6a: {  	_ =	shalt  }
0x6b: {  	_ =	shalt  }
0x6c: {  	_ =	shalt  }
0x6d: {  	_ =	shalt  }
0x6e: {  	_ =	shalt  }
0x6f: {  	_ =	shalt  }
0x70: {  	_ =	shalt  }
0x71: {  	_ =	shalt  }
0x72: {  	_ =	shalt  }
0x73: {  	_ =	shalt  }
0x74: {  	_ =	shalt  }
0x75: {  	_ =	shalt  }
0x76: {  	_ =	shalt  }
0x77: {  	_ =	shalt  }
0x78: {  	_ =	shalt  }
0x79: {  	_ =	shalt  }
0x7a: {  	_ =	shalt  }
0x7b: {  	_ =	shalt  }
0x7c: {  	_ =	shalt  }
0x7d: {  	_ =	shalt  }
0x7e: {  	_ =	shalt  }
0x7f: {  	_ =	shalt  }
0x80: {  	_ =	shalt  }
0x81: {  	_ =	shalt  }
0x82: {  	_ =	shalt  }
0x83: {  	_ =	shalt  }
0x84: {  	_ =	shalt  }
0x85: {  	_ =	shalt  }
0x86: {  	_ =	shalt  }
0x87: {  	_ =	shalt  }
.Lfunc_end0:
.L_simem_size_0:
called_computation_lowered:
.L_overlay_start_0:
0x88: {  	s2 =	sld [smem:$0x3FD9]  }
0x89: {  	s3 =	sld [smem:$0x3FFE];
	_ =	sdelay $0x1  }
0x8a: {  	s1 =	srdreg.scid  }
0x8b: {  	s0 =	sand.u32 $0x1, s1  }
0x8c: {  	s14 =	sshll.u32 s0, $0xA;
	s2 =	sadd.s32 s3, s2  }
0x8d: {  	s2 =	sadd.s32 s2, s14  }
0x8e: {  	[smem:$0x3FC0] =	sst s2  }
0x8f: {  	_ = 	snop  }
0x90: {  	s2 =	sld [smem:$0x3FD0];
	_ =	sdelay $0x1  }
0x91: {  	s15 =	sld [smem:$0x3FC9]  }
0x92: {  	s5 =	simm.s32 $0xA;
	s6 =	simm.s32 $0x10;
	s4 =	sld [smem:$0x3FC8]  }
0x93: {  	[smem:s6], [sflag:s5] =	dma.local [hbm:s2], $0x1  }
0x94: {  	_ =	swait.eq [sflag:s5], $0x1  }
0x95: {  	[sflag:s5] =	ssyncset.done $0x0  }
0x96: {  	[sflag:s5] =	ssyncadd.s32 $0xFFFFFFFF  }
0x97: {  	s16 =	sld [smem:$0x11];
	(tm) =	ssettm $0x1  }
0x98: {  	s17 =	sld [smem:$0x3FFB];
	_ =	sdelay $0x3  }
0x99: {  	_ =	strace s17  }
0x9a: {  	s5 =	sld [smem:$0x3FFC];
	_ =	sdelay $0x3  }
0x9b: {  	_ =	strace s5  }
0x9c: {  	s5 =	sld [smem:$0x3FFD];
	_ =	sdelay $0x3  }
0x9d: {  	_ =	strace s5  }
0x9e: {  	_ =	strace $0x8FFFFFFF  }
0x9f: {  	s18 =	sld [smem:$0x3FDB];
	_ =	sdelay $0x1  }
0xa0: {  	s19 =	simm.s32 $_scs_section_size  }
0xa1: {  	s7 =	simm.s32 $_size__tile_overlayer_lowered;
	s8 =	simm.s32 $_tile_overlayer_lowered  }
0xa2: {  	s22 =	simm.s32 $0x1BFF;
	s21 =	sshll.u32 s8, $0x1;
	s5 =	sadd.s32 s19, s18  }
0xa3: {  	s9 =	simm.s32 $0x0;
	s20 =	sshll.u32 s7, $0x1;
	s7 =	sadd.s32 s21, s5  }
0xa4: {  	[timem:s9], [sflag:s22] =	dma.local [hbm:s7], s20  }
0xa5: {  	_ =	swait.ge [sflag:s22], s20  }
0xa6: {  	s6 =	ssub.s32 $0x0, s20;
	[sflag:s22] =	ssyncset.done $0x0  }
0xa7: {  	[sflag:s22] =	ssyncadd.s32 s6;
	_ =	sdelay $0x1  }
0xa8: {  	s23 =	simm.s32 $0x1B8B  }
0xa9: {  	_ =	swait.ge [sflag:s23], $0x1  }
0xaa: {  	[sflag:s23] =	ssyncset.done $0x0  }
0xab: {  	s25 =	simm.s32 $0x1B8E;
	s24 =	sld [smem:$0x3FFE];
	[sflag:s23] =	ssyncadd.s32 $0xFFFFFFFF  }
0xac: {  	s26 =	simm.s32 $execute0_lowered;
	[smem:$0x3FD2] =	sst s25  }
0xad: {  	s7 =	sshll.u32 s26, $0x1;
	_ =	strace $0x80000046;
	[dreg:$0x1] =	wrdreg $0xFFFFFFFF  }
0xae: {  	s28 =	simm.s32 $_size_execute0_lowered;
	s5 =	sadd.s32 s5, s7;
	[dreg:$0x0] =	wrdreg $0x0  }
0xaf: {  	s7 =	sshll.u32 s28, $0x1;
	[dreg:$0x2] =	wrdreg s5  }
0xb0: {  	[dreg:$0x3] =	wrdreg s7  }
0xb1: {  	[dreg:$0x4] =	wrdreg $0xC0  }
0xb2: {  	_ =	task [dreg:s9], $0x5FFFF  }
0xb3: {  	[dreg:$0x1] =	wrdreg $0xFFFFFFFF  }
0xb4: {  	[dreg:$0x0] =	wrdreg $0x60  }
0xb5: {  	[dreg:$0x2] =	wrdreg s15  }
0xb6: {  	[dreg:$0x3] =	wrdreg s4  }
0xb7: {  	[dreg:$0x4] =	wrdreg s24  }
0xb8: {  	[dreg:$0x5] =	wrdreg s16  }
0xb9: {  	[dreg:$0x6] =	wrdreg $0x0  }
0xba: {  	[dreg:$0x7] =	wrdreg $0x9  }
0xbb: {  	_ =	task.clear_ibuf [dreg:s9], $0x8FFFF;
	_ =	strace $0x90000046  }
0xbc: {  	s29 =	simm.s32 $0x9;
	_ =	strace $0x80000048  }
0xbd: {  	_ =	swait.ge [sflag:s29], $0x1  }
0xbe: {  	[sflag:s29] =	ssyncadd.s32 $0xFFFFFFFF  }
0xbf: {  	_ =	strace $0x90000048  }
0xc0: {  	_ =	sfence  }
0xc1: {  	s30 =	sld [smem:$0x0];
	_ =	sdelay $0x2  }
0xc2: {  	s31 =	sshll.u32 s1, $0xD;
	s1 =	sshrl.u32 s1, $0x2  }
0xc3: {  	s3 =	sand.u32 $0x4000, s31;
	s1 =	sadd.s32 s1, s30  }
0xc4: {  	s0 =	sor.u32 s3, s0;
	s1 =	sshll.u32 s1, $0x11  }
0xc5: {  	s0 =	sor.u32 s1, s0  }
0xc6: {  	s0 =	sadd.s32 $0x8F2B, s0  }
0xc7: {  	[sflag:s0] =	ssyncadd.remote.s32 $0x1  }
0xc8: {  	_ =	sfence.sel $0xFFFF  }
0xc9: {  	[dreg:$0x0] =	wrdreg $0xFFFFFFFF;
	(pc) =	sbr.abs _section_cstart, $3  }
0xca: {  	[dreg:$0x1] =	wrdreg $0xFFFFFFFF  }
0xcb: {  	_ =	task.clear_ibuf [dreg:s9], $0x2FFFF;
	_ =	strace $0x9FFFFFFF  }
0xcc: {  	(tm) =	ssettm $0x7FFFFFFF  }
0xcd: {  	_ =	shalt  }
tec
execute0_lowered:
.L_overlay_start_1:
0x0: {  	(tag) =	ssettag $0x1  }
0x1: {  	s1 =	rddreg [dreg:$0x0]  }
0x2: {  	s0 =	rddreg [dreg:$0x1]  }
0x3: {  	s6 =	rddreg [dreg:$0x2]  }
0x4: {  	s7 =	rddreg [dreg:$0x3]  }
0x5: {  	s2 =	rddreg [dreg:$0x4];
	s26 =	stileid.u32  }
0x6: {  	s3 =	srdreg.scid;
	s9 =	sshrl.u32 s26, $0x2;
	s13 =	smul.u32 $0x2800, s26  }
0x7: {  	s4 =	simm.s32 $0x0;
	s8 =	sand.u32 $0x1, s3;
	s9 =	smul.u32 $0x13C00, s9  }
0x8: {  	s28 =	simm.s32 $0x13C80;
	s12 =	sor.u32 $0x10, s26;
	s11 =	smul.u32 $0x138800, s8  }
0x9: {  	s29 =	simm.s32 $0x6;
	s14 =	sor.u32 $0x20, s26;
	s15 =	smul.u32 $0x2800, s12  }
0xa: {  	s31 =	simm.s32 $0x80;
	s17 =	sor.u32 $0x30, s26;
	s18 =	smul.u32 $0x2800, s14  }
0xb: {  	[smem:$0x7FF] =	sst s4;
	s20 =	sor.u32 $0x40, s26;
	s21 =	smul.u32 $0x2800, s17  }
0xc: {  	s25 =	sshll.u32 s26, $0x1;
	p0 =	slt.u32 s26, $0x2;
	s23 =	smul.u32 $0x2800, s20  }
0xd: {  	s3 =	ssub.s32 $0x2, s8;
	s10 =	sor.u32 s8, s25;
	s8 =	smul.u32 $0x4E, s8  }
0xe: {  	s22 =	sor.u32 $0x50, s26;
	s6 =	sadd.s32 $0x2000, s6;
	s25 =	smul.u32 $0x9C, s26  }
0xf: {  	_ =	strace $0x80000047;
	s12 =	smul.u32 $0xA000, s12;
	s5 =	sshrl.u32 s3, $0x1  }
0x10: {  	s14 =	smul.u32 $0xA000, s14;
	s19 =	sshll.u32 s10, $0x7;
	s3 =	ssub.s32 s3, s5  }
0x11: {  	s5 =	simm.s32 $0x4F;
	s19 =	sand.u32 $0x380, s19;
	s13 =	sadd.s32 s11, s13  }
0x12: {  	s15 =	sadd.s32 s11, s15;
	s18 =	sadd.s32 s11, s18;
	s21 =	sadd.s32 s11, s21  }
0x13: {  	s23 =	sadd.s32 s11, s23;
	s8 =	sadd.s32 s8, s25;
	s25 =	smul.u32 $0x4E, s10  }
0x14: {  	s10 =	smin.u32 s10, $0x4;
	s5 =	simm.s32 @!p0 $0x4E;
	s9 =	sor.u32 s9, s19  }
0x15: {  	s19 =	sor.u32 $0x60, s26;
	s13 =	sshrl.u32 s13, $0x3;
	s3 =	smax.u32 s3, $0x1  }
0x16: {  	s16 =	sadd.s32 $0xFFFFFFFD, s5;
	s9 =	sshrl.u32 s9, $0x3;
	[dreg:$0x13] =	wrdreg s3  }
0x17: {  	s30 =	smul.u32 $0x2800, s19;
	s13 =	sadd.s32 s6, s13;
	[dreg:$0x8] =	wrdreg s16  }
0x18: {  	s16 =	smul.u32 $0x2800, s22;
	s7 =	sadd.s32 s7, s9;
	[dreg:$0xa] =	wrdreg s13  }
0x19: {  	s23 =	sshrl.u32 s23, $0x3;
	s22 =	smul.u32 $0xA000, s22;
	[dreg:$0x9] =	wrdreg s7  }
0x1a: {  	s7 =	sor.u32 $0x70, s26;
	s9 =	sadd.s32 s11, s30;
	s30 =	sshrl.u32 s15, $0x3  }
0x1b: {  	s15 =	sshrl.u32 s18, $0x3;
	s18 =	sshrl.u32 s21, $0x3;
	s24 =	smul.u32 $0x2800, s7  }
0x1c: {  	s16 =	sadd.s32 s11, s16;
	s13 =	sadd.s32 s6, s30;
	s21 =	sadd.s32 s6, s18  }
0x1d: {  	s9 =	sshrl.u32 s9, $0x3;
	p0 =	sgt.u32 s7, $0x7C;
	[dreg:$0xb] =	wrdreg s13  }
0x1e: {  	s7 =	smul.u32 $0xA000, s7;
	s13 =	sadd.s32 s6, s15;
	[dreg:$0xd] =	wrdreg s21  }
0x1f: {  	s9 =	sadd.s32 s6, s9;
	s15 =	simm.s32 $0x13A00;
	s21 =	smul.u32 $0xA000, s20  }
0x20: {  	s11 =	sadd.s32 s11, s24;
	s24 =	sadd.s32 s10, s25;
	[dreg:$0xc] =	wrdreg s13  }
0x21: {  	s13 =	sadd.s32 s6, s23;
	s25 =	sshrl.u32 s16, $0x3;
	[dreg:$0x10] =	wrdreg s9  }
0x22: {  	s9 =	sadd.s32 s10, s8;
	[dreg:$0x7] =	wrdreg s15;
	s16 =	smul.u32 $0xA000, s17  }
0x23: {  	s23 =	sshrl.u32 s14, $0x2;
	s7 =	sshrl.u32 s7, $0x2;
	[dreg:$0xe] =	wrdreg s13  }
0x24: {  	s13 =	sadd.s32 s6, s25;
	s30 =	sshrl.u32 s11, $0x3;
	s11 =	smul.u32 $0xA000, s26  }
0x25: {  	s10 =	sshll.u32 s24, $0x5;
	s24 =	smul.u32 $0xA000, s19;
	s19 =	sadd.s32 s23, s2  }
0x26: {  	s25 =	sshrl.u32 s22, $0x2;
	[dreg:$0xf] =	wrdreg s13;
	s6 =	sadd.s32 s6, s30  }
0x27: {  	s8 =	sadd.s32 s0, s10;
	s13 =	simm.s32 $0x13980;
	[dreg:$0x11] =	wrdreg s6  }
0x28: {  	s3 =	sshrl.u32 s16, $0x2;
	s10 =	sshrl.u32 s21, $0x2;
	[dreg:$0x12] =	wrdreg s8  }
0x29: {  	s22 =	sadd.s32 s25, s2;
	s6 =	sshll.u32 s9, $0x5;
	[dreg:$0x6] =	wrdreg s13  }
0x2a: {  	s8 =	sshrl.u32 s11, $0x2;
	s20 =	sadd.s32 s3, s2;
	s21 =	sadd.s32 s10, s2  }
0x2b: {  	s26 =	sshrl.u32 s24, $0x2;
	s24 =	sadd.s32 s7, s2;
	s3 =	simm.s32 $0x17C80  }
0x2c: {  	s7 =	simm.s32 $0x3;
	s0 =	sadd.s32 s6, s0;
	s6 =	sshrl.u32 s12, $0x2  }
0x2d: {  	s17 =	sadd.s32 s8, s2;
	s23 =	sadd.s32 s26, s2;
	s8 =	simm.s32 $0x4  }
0x2e: {  	s18 =	sadd.s32 s6, s2;
	s30 =	sadd.s32 $0x80, s0;
	s10 =	sadd.s32 $0x40, s0  }
0x2f: {  	v0 =	vimm.f32 $0.0e+00;
	v1 =	vimm.f32 $1.000000000e+00;
	s0 =	simm.s32 $0x1BC80;
	s6 =	simm.s32 $0x2;
	[dreg:$0x14] =	wrdreg s30  }
.LBB2_1:
0x30: {  	s9 =	simm.s32 $0x70;
	s12 =	simm.s32 $0x3C0  }
.LBB2_2:
0x31: {  	p1 =	sne.s32 s12, $0x9FC0;
	[tilespmem:s9+$0x13C80] =	vst v0  }
0x32: {  	[tilespmem:s9+$0x13C10] =	vst v0  }
0x33: {  	[tilespmem:s9+$0x13C20] =	vst v0  }
.Ltmp0:
0x34: {  	[tilespmem:s9+$0x13C30] =	vst v0;
	(pc) =	sbr.rel @p1 .LBB2_2-.Ltmp0, $4  }
0x35: {  	[tilespmem:s9+$0x13C40] =	vst v0  }
0x36: {  	[tilespmem:s9+$0x13C50] =	vst v0  }
0x37: {  	[tilespmem:s9+$0x13C60] =	vst v0  }
0x38: {  	[tilespmem:s9+$0x13C70] =	vst v0;
	s9 =	sshra.s32 s12, $0x2;
	s12 =	sadd.s32 $0x200, s12  }
0x39: {  	[tilespmem:s9+$0x13C80] =	vst v0  }
0x3a: {  	[tilespmem:s9+$0x13C10] =	vst v0  }
0x3b: {  	[tilespmem:s9+$0x13C20] =	vst v0  }
0x3c: {  	[tilespmem:s9+$0x13C30] =	vst v0  }
0x3d: {  	[tilespmem:s9+$0x13C40] =	vst v0  }
0x3e: {  	[tilespmem:s9+$0x13C50] =	vst v0  }
0x3f: {  	[tilespmem:s9+$0x13C60] =	vst v0  }
0x40: {  	[tilespmem:s9+$0x13C70] =	vst v0;
	s9 =	simm.s32 $0x40;
	s12 =	simm.s32 $0x0  }
.LBB2_4:
0x41: {  	p1 =	sne.s32 s9, $0x9C00;
	[tilespmem:s12+$0x1BC80] =	vst v0;
	s12 =	smov.u32 s9;
	s9 =	sadd.s32 $0x40, s9  }
.Ltmp1:
0x42: {  	(pc) =	sbr.rel @p1 .LBB2_4-.Ltmp1, $2  }
0x43: {  	_ =	sdelay $0x2  }
0x44: {  	s12 =	sshra.s32 s12, $0x2  }
0x45: {  	[tilespmem:s12+$0x1BC80] =	vst v0  }
0x46: {  	[spmem:s17] =	stream.linear.scatter [tilespmem:s28], [sflag:$0x6], $0x2800, $0x38;
	[tilespmem:$0x1E400] =	vst v63  }
0x47: {  	_ =	swait.ge [sflag:s29], $0x2800  }
0x48: {  	[sflag:s29] =	ssyncset.done $0x0  }
0x49: {  	[sflag:s29] =	ssyncadd.s32 $0xFFFFD800  }
0x4a: {  	[spmem:s18] =	stream.linear.scatter [tilespmem:s28], [sflag:$0x6], $0x2800, $0x38;
	[tilespmem:$0x1E400] =	vst v63  }
0x4b: {  	_ =	swait.ge [sflag:s29], $0x2800  }
0x4c: {  	[sflag:s29] =	ssyncset.done $0x0  }
0x4d: {  	[sflag:s29] =	ssyncadd.s32 $0xFFFFD800  }
0x4e: {  	[spmem:s19] =	stream.linear.scatter [tilespmem:s28], [sflag:$0x6], $0x2800, $0x38;
	[tilespmem:$0x1E400] =	vst v63  }
0x4f: {  	_ =	swait.ge [sflag:s29], $0x2800  }
0x50: {  	[sflag:s29] =	ssyncset.done $0x0  }
0x51: {  	[sflag:s29] =	ssyncadd.s32 $0xFFFFD800  }
0x52: {  	[spmem:s20] =	stream.linear.scatter [tilespmem:s28], [sflag:$0x6], $0x2800, $0x38;
	[tilespmem:$0x1E400] =	vst v63  }
0x53: {  	_ =	swait.ge [sflag:s29], $0x2800  }
0x54: {  	[sflag:s29] =	ssyncset.done $0x0  }
0x55: {  	[sflag:s29] =	ssyncadd.s32 $0xFFFFD800  }
0x56: {  	[spmem:s21] =	stream.linear.scatter [tilespmem:s28], [sflag:$0x6], $0x2800, $0x38;
	[tilespmem:$0x1E400] =	vst v63  }
0x57: {  	_ =	swait.ge [sflag:s29], $0x2800  }
0x58: {  	[sflag:s29] =	ssyncset.done $0x0  }
0x59: {  	[sflag:s29] =	ssyncadd.s32 $0xFFFFD800  }
0x5a: {  	[spmem:s22] =	stream.linear.scatter [tilespmem:s28], [sflag:$0x6], $0x2800, $0x38;
	[tilespmem:$0x1E400] =	vst v63  }
0x5b: {  	_ =	swait.ge [sflag:s29], $0x2800  }
0x5c: {  	[sflag:s29] =	ssyncset.done $0x0  }
0x5d: {  	[sflag:s29] =	ssyncadd.s32 $0xFFFFD800  }
0x5e: {  	[spmem:s23] =	stream.linear.scatter [tilespmem:s28], [sflag:$0x6], $0x2800, $0x38;
	[tilespmem:$0x1E400] =	vst v63  }
0x5f: {  	_ =	swait.ge [sflag:s29], $0x2800  }
0x60: {  	[sflag:s29] =	ssyncset.done $0x0  }
0x61: {  	s9 =	simm.s32 @!p0 $0x13C80;
	[sflag:s29] =	ssyncadd.s32 $0xFFFFD800  }
0x62: {  	[spmem:s24] =	stream.linear.scatter @!p0 [tilespmem:s9], [sflag:$0x6], $0x2800, $0x38;
	[tilespmem:$0x1E400] =	vst v63  }
0x63: {  	s9 =	simm.s32 @!p0 $0x6  }
0x64: {  	_ =	swait.ge @!p0 [sflag:s9], $0x2800  }
0x65: {  	[sflag:s9] =	ssyncset.done @!p0 $0x0  }
0x66: {  	[sflag:s9] =	ssyncadd.s32 @!p0 $0xFFFFD800  }
0x67: {  	[bflag:$0x0] =	sbarrier.arrive $0xFFFF  }
0x68: {  	s30 =	simm.s32 $0x13880;
	s9 =	simm.s32 $0x0;
	s11 =	rddreg [dreg:$0x12]  }
0x69: {  	[tilespmem:s30], [sflag:$0x6] =	stream.linear.gather [hbm4b:s11+s9], $0x200, $0x38;
	[tilespmem:$0x1E400] =	vst v63  }
0x6a: {  	_ =	swait.ge [sflag:s29], $0x200  }
0x6b: {  	[sflag:s29] =	ssyncset.done $0x0  }
0x6c: {  	[sflag:s29] =	ssyncadd.s32 $0xFFFFFE00  }
0x6d: {  	[tilespmem:s28], [sflag:$0x1] =	stream.indirect.gather [hbm4b:s1+s31], $0x80, s30, s31, $0xb8;
	[tilespmem:$0x1E400] =	vst v63  }
0x6e: {  	v2 =	vld [tilespmem:$0x13900];
	_ =	sdelay $0x7  }
0x6f: {  	[tilespmem:v2+s0+$0x0] =	vst.idx.add.f32.msk $0xffff, v1  }
0x70: {  	v2 =	vld [tilespmem:$0x13910];
	_ =	sdelay $0x7  }
0x71: {  	[tilespmem:v2+s0+$0x0] =	vst.idx.add.f32.msk $0xffff, v1  }
0x72: {  	v2 =	vld [tilespmem:$0x13920];
	_ =	sdelay $0x7  }
0x73: {  	[tilespmem:v2+s0+$0x0] =	vst.idx.add.f32.msk $0xffff, v1  }
0x74: {  	v2 =	vld [tilespmem:$0x13930];
	_ =	sdelay $0x7  }
0x75: {  	[tilespmem:v2+s0+$0x0] =	vst.idx.add.f32.msk $0xffff, v1  }
0x76: {  	v2 =	vld [tilespmem:$0x13940];
	_ =	sdelay $0x7  }
0x77: {  	[tilespmem:v2+s0+$0x0] =	vst.idx.add.f32.msk $0xffff, v1  }
0x78: {  	v2 =	vld [tilespmem:$0x13950];
	_ =	sdelay $0x7  }
0x79: {  	[tilespmem:v2+s0+$0x0] =	vst.idx.add.f32.msk $0xffff, v1  }
0x7a: {  	v2 =	vld [tilespmem:$0x13960];
	_ =	sdelay $0x7  }
0x7b: {  	[tilespmem:v2+s0+$0x0] =	vst.idx.add.f32.msk $0xffff, v1  }
0x7c: {  	v2 =	vld [tilespmem:$0x13970];
	_ =	sdelay $0x7  }
0x7d: {  	s26 =	smov.u32 s10;
	s25 =	rddreg [dreg:$0x14];
	[tilespmem:v2+s0+$0x0] =	vst.idx.add.f32.msk $0xffff, v1  }
.LBB2_6:
0x7e: {  	p1 =	seq.s32 s9, $0x0  }
0x7f: {  	s12 =	simm.s32 @!p1 $0x4  }
0x80: {  	_ =	swait.ge @!p1 [sflag:s12], $0x4000  }
0x81: {  	[sflag:s12] =	ssyncset.done @!p1 $0x0  }
0x82: {  	s13 =	rddreg [dreg:$0x6];
	[sflag:s12] =	ssyncadd.s32 @!p1 $0xFFFFC000  }
0x83: {  	[tilespmem:s3], [sflag:$0x2] =	stream.indirect.gather [hbm4b:s1+s31], $0x80, s13, s31, $0xb8;
	[tilespmem:$0x1E400] =	vst v63  }
0x84: {  	v2 =	vld [tilespmem:$0x13A00];
	_ =	sdelay $0x7  }
0x85: {  	[tilespmem:v2+s0+$0x0] =	vst.idx.add.f32.msk $0xffff, v1  }
0x86: {  	v2 =	vld [tilespmem:$0x13A10];
	_ =	sdelay $0x7  }
0x87: {  	[tilespmem:v2+s0+$0x0] =	vst.idx.add.f32.msk $0xffff, v1  }
0x88: {  	v2 =	vld [tilespmem:$0x13A20];
	_ =	sdelay $0x7  }
0x89: {  	[tilespmem:v2+s0+$0x0] =	vst.idx.add.f32.msk $0xffff, v1  }
0x8a: {  	v2 =	vld [tilespmem:$0x13A30];
	_ =	sdelay $0x7  }
0x8b: {  	[tilespmem:v2+s0+$0x0] =	vst.idx.add.f32.msk $0xffff, v1  }
0x8c: {  	v2 =	vld [tilespmem:$0x13A40];
	_ =	sdelay $0x7  }
0x8d: {  	[tilespmem:v2+s0+$0x0] =	vst.idx.add.f32.msk $0xffff, v1  }
0x8e: {  	v2 =	vld [tilespmem:$0x13A50];
	_ =	sdelay $0x7  }
0x8f: {  	[tilespmem:v2+s0+$0x0] =	vst.idx.add.f32.msk $0xffff, v1  }
0x90: {  	v2 =	vld [tilespmem:$0x13A60];
	_ =	sdelay $0x7  }
0x91: {  	[tilespmem:v2+s0+$0x0] =	vst.idx.add.f32.msk $0xffff, v1  }
0x92: {  	v2 =	vld [tilespmem:$0x13A70];
	_ =	sdelay $0x5  }
0x93: {  	s15 =	sadd.s32 $0x2, s9  }
0x94: {  	p1 =	sge.u32 s15, s5  }
0x95: {  	s12 =	simm.s32 @p1 $0x1;
	[tilespmem:v2+s0+$0x0] =	vst.idx.add.f32.msk $0xffff, v1  }
0x96: {  	_ =	swait.ge @p1 [sflag:s12], $0x4000  }
0x97: {  	s13 =	simm.s32 @p1 $0x13900;
	[sflag:s12] =	ssyncset.done @p1 $0x0  }
0x98: {  	s14 =	simm.s32 @p1 $0x13C80;
	[sflag:s12] =	ssyncadd.s32 @p1 $0xFFFFC000;
	s12 =	simm.s32 @p1 $0x80  }
0x99: {  	[spmem:s2] =	stream.indirect.scatter.add.f32 @p1 [tilespmem:s14], [sflag:$0x3], $0x80, s13, s12, $0xb8;
	[tilespmem:$0x1E400] =	vst v63  }
0x9a: {  	s15 =	simm.s32 @!p1 $0x13A80;
	s12 =	simm.s32 @!p1 $0x0  }
0x9b: {  	[tilespmem:s15], [sflag:$0x5] =	stream.linear.gather @!p1 [hbm4b:s26+s12], $0x200, $0x38;
	[tilespmem:$0x1E400] =	vst v63  }
0x9c: {  	s12 =	simm.s32 @!p1 $0x1  }
0x9d: {  	_ =	swait.ge @!p1 [sflag:s12], $0x4000  }
0x9e: {  	s16 =	simm.s32 @!p1 $0x13900;
	[sflag:s12] =	ssyncset.done @!p1 $0x0  }
0x9f: {  	s13 =	simm.s32 @!p1 $0x80;
	s14 =	simm.s32 @!p1 $0x13C80;
	[sflag:s12] =	ssyncadd.s32 @!p1 $0xFFFFC000  }
0xa0: {  	[spmem:s2] =	stream.indirect.scatter.add.f32 @!p1 [tilespmem:s14], [sflag:$0x3], $0x80, s16, s13, $0xb8;
	[tilespmem:$0x1E400] =	vst v63  }
0xa1: {  	s16 =	simm.s32 @!p1 $0x5  }
0xa2: {  	_ =	swait.ge @!p1 [sflag:s16], $0x200  }
0xa3: {  	[sflag:s16] =	ssyncset.done @!p1 $0x0  }
0xa4: {  	[sflag:s16] =	ssyncadd.s32 @!p1 $0xFFFFFE00;
	s16 =	simm.s32 @!p1 $0x3  }
0xa5: {  	_ =	swait.ge @!p1 [sflag:s16], $0x4000  }
0xa6: {  	[sflag:s16] =	ssyncset.done @!p1 $0x0  }
0xa7: {  	[sflag:s16] =	ssyncadd.s32 @!p1 $0xFFFFC000  }
0xa8: {  	[tilespmem:s14], [sflag:$0x1] =	stream.indirect.gather @!p1 [hbm4b:s1+s13], $0x80, s15, s13, $0xb8;
	[tilespmem:$0x1E400] =	vst v63  }
0xa9: {  	v2 =	vld @!p1 [tilespmem:$0x13B00];
	_ =	sdelay $0x6  }
0xaa: {  	v3 =	vimm.f32 @!p1 $1.000000000e+00;
	s15 =	simm.s32 @!p1 $0x1BC80  }
0xab: {  	[tilespmem:v2+s15+$0x0] =	vst.idx.add.f32.msk @!p1 $0xffff, v3  }
0xac: {  	v2 =	vld @!p1 [tilespmem:$0x13B10];
	_ =	sdelay $0x7  }
0xad: {  	[tilespmem:v2+s15+$0x0] =	vst.idx.add.f32.msk @!p1 $0xffff, v3  }
0xae: {  	v2 =	vld @!p1 [tilespmem:$0x13B20];
	_ =	sdelay $0x7  }
0xaf: {  	[tilespmem:v2+s15+$0x0] =	vst.idx.add.f32.msk @!p1 $0xffff, v3  }
0xb0: {  	v2 =	vld @!p1 [tilespmem:$0x13B30];
	_ =	sdelay $0x7  }
0xb1: {  	[tilespmem:v2+s15+$0x0] =	vst.idx.add.f32.msk @!p1 $0xffff, v3  }
0xb2: {  	v2 =	vld @!p1 [tilespmem:$0x13B40];
	_ =	sdelay $0x7  }
0xb3: {  	[tilespmem:v2+s15+$0x0] =	vst.idx.add.f32.msk @!p1 $0xffff, v3  }
0xb4: {  	v2 =	vld @!p1 [tilespmem:$0x13B50];
	_ =	sdelay $0x7  }
0xb5: {  	[tilespmem:v2+s15+$0x0] =	vst.idx.add.f32.msk @!p1 $0xffff, v3  }
0xb6: {  	v2 =	vld @!p1 [tilespmem:$0x13B60];
	_ =	sdelay $0x7  }
0xb7: {  	[tilespmem:v2+s15+$0x0] =	vst.idx.add.f32.msk @!p1 $0xffff, v3  }
0xb8: {  	v2 =	vld @!p1 [tilespmem:$0x13B70];
	_ =	sdelay $0x7  }
0xb9: {  	[tilespmem:v2+s15+$0x0] =	vst.idx.add.f32.msk @!p1 $0xffff, v3  }
0xba: {  	_ =	swait.ge [sflag:s6], $0x4000  }
0xbb: {  	[sflag:s6] =	ssyncset.done $0x0;
	s30 =	rddreg [dreg:$0x8]  }
0xbc: {  	s16 =	rddreg [dreg:$0x7];
	[sflag:s6] =	ssyncadd.s32 $0xFFFFC000;
	p2 =	sge.u32 s9, s30  }
0xbd: {  	[spmem:s2] =	stream.indirect.scatter.add.f32 [tilespmem:s3], [sflag:$0x4], $0x80, s16, s31, $0xb8;
	[tilespmem:$0x1E400] =	vst v63  }
0xbe: {  	s15 =	simm.s32 @!p2 $0x4  }
0xbf: {  	_ =	swait.ge @!p2 [sflag:s15], $0x4000  }
0xc0: {  	s30 =	simm.s32 @!p2 $0x13B80;
	[sflag:s15] =	ssyncset.done @!p2 $0x0  }
0xc1: {  	s16 =	simm.s32 @!p2 $0x17C80;
	[sflag:s15] =	ssyncadd.s32 @!p2 $0xFFFFC000;
	s15 =	simm.s32 @!p2 $0x80  }
0xc2: {  	[tilespmem:s16], [sflag:$0x2] =	stream.indirect.gather @!p2 [hbm4b:s1+s15], $0x80, s30, s15, $0xb8;
	[tilespmem:$0x1E400] =	vst v63  }
0xc3: {  	v2 =	vld @!p2 [tilespmem:$0x13C00];
	_ =	sdelay $0x6  }
0xc4: {  	v3 =	vimm.f32 @!p2 $1.000000000e+00;
	s30 =	simm.s32 @!p2 $0x1BC80  }
0xc5: {  	[tilespmem:v2+s30+$0x0] =	vst.idx.add.f32.msk @!p2 $0xffff, v3  }
0xc6: {  	v2 =	vld @!p2 [tilespmem:$0x13C10];
	_ =	sdelay $0x7  }
0xc7: {  	[tilespmem:v2+s30+$0x0] =	vst.idx.add.f32.msk @!p2 $0xffff, v3  }
0xc8: {  	v2 =	vld @!p2 [tilespmem:$0x13C20];
	_ =	sdelay $0x7  }
0xc9: {  	[tilespmem:v2+s30+$0x0] =	vst.idx.add.f32.msk @!p2 $0xffff, v3  }
0xca: {  	v2 =	vld @!p2 [tilespmem:$0x13C30];
	_ =	sdelay $0x7  }
0xcb: {  	[tilespmem:v2+s30+$0x0] =	vst.idx.add.f32.msk @!p2 $0xffff, v3  }
0xcc: {  	v2 =	vld @!p2 [tilespmem:$0x13C40];
	_ =	sdelay $0x7  }
0xcd: {  	[tilespmem:v2+s30+$0x0] =	vst.idx.add.f32.msk @!p2 $0xffff, v3  }
0xce: {  	v2 =	vld @!p2 [tilespmem:$0x13C50];
	_ =	sdelay $0x7  }
0xcf: {  	[tilespmem:v2+s30+$0x0] =	vst.idx.add.f32.msk @!p2 $0xffff, v3  }
0xd0: {  	v2 =	vld @!p2 [tilespmem:$0x13C60];
	_ =	sdelay $0x7  }
0xd1: {  	[tilespmem:v2+s30+$0x0] =	vst.idx.add.f32.msk @!p2 $0xffff, v3  }
0xd2: {  	v2 =	vld @!p2 [tilespmem:$0x13C70];
	_ =	sdelay $0x5  }
0xd3: {  	s9 =	sadd.s32 $0x4, s9  }
0xd4: {  	p3 =	sge.u32 s9, s5  }
0xd5: {  	s11 =	simm.s32 @!p3 $0x13880;
	[tilespmem:v2+s30+$0x0] =	vst.idx.add.f32.msk @!p2 $0xffff, v3;
	s30 =	simm.s32 @!p3 $0x0  }
0xd6: {  	[tilespmem:s11], [sflag:$0x5] =	stream.linear.gather @!p3 [hbm4b:s25+s30], $0x200, $0x38;
	[tilespmem:$0x1E400] =	vst v63  }
0xd7: {  	_ =	swait.ge @!p1 [sflag:s12], $0x4000  }
0xd8: {  	[sflag:s12] =	ssyncset.done @!p1 $0x0  }
0xd9: {  	[sflag:s12] =	ssyncadd.s32 @!p1 $0xFFFFC000;
	s12 =	simm.s32 @!p1 $0x13B00  }
0xda: {  	[spmem:s2] =	stream.indirect.scatter.add.f32 @!p1 [tilespmem:s14], [sflag:$0x3], $0x80, s12, s13, $0xb8;
	[tilespmem:$0x1E400] =	vst v63  }
0xdb: {  	s12 =	simm.s32 @!p3 $0x5  }
0xdc: {  	_ =	swait.ge @!p3 [sflag:s12], $0x200  }
0xdd: {  	[sflag:s12] =	ssyncset.done @!p3 $0x0  }
0xde: {  	[sflag:s12] =	ssyncadd.s32 @!p3 $0xFFFFFE00;
	s12 =	simm.s32 @!p3 $0x3  }
0xdf: {  	_ =	swait.ge @!p3 [sflag:s12], $0x4000  }
0xe0: {  	[sflag:s12] =	ssyncset.done @!p3 $0x0  }
0xe1: {  	s13 =	simm.s32 @!p3 $0x13C80;
	[sflag:s12] =	ssyncadd.s32 @!p3 $0xFFFFC000;
	s12 =	simm.s32 @!p3 $0x80  }
0xe2: {  	[tilespmem:s13], [sflag:$0x1] =	stream.indirect.gather @!p3 [hbm4b:s1+s12], $0x80, s11, s12, $0xb8;
	[tilespmem:$0x1E400] =	vst v63  }
0xe3: {  	v2 =	vld @!p3 [tilespmem:$0x13900];
	_ =	sdelay $0x6  }
0xe4: {  	v3 =	vimm.f32 @!p3 $1.000000000e+00;
	s11 =	simm.s32 @!p3 $0x1BC80  }
0xe5: {  	[tilespmem:v2+s11+$0x0] =	vst.idx.add.f32.msk @!p3 $0xffff, v3  }
0xe6: {  	v2 =	vld @!p3 [tilespmem:$0x13910];
	_ =	sdelay $0x7  }
0xe7: {  	[tilespmem:v2+s11+$0x0] =	vst.idx.add.f32.msk @!p3 $0xffff, v3  }
0xe8: {  	v2 =	vld @!p3 [tilespmem:$0x13920];
	_ =	sdelay $0x7  }
0xe9: {  	[tilespmem:v2+s11+$0x0] =	vst.idx.add.f32.msk @!p3 $0xffff, v3  }
0xea: {  	v2 =	vld @!p3 [tilespmem:$0x13930];
	_ =	sdelay $0x7  }
0xeb: {  	[tilespmem:v2+s11+$0x0] =	vst.idx.add.f32.msk @!p3 $0xffff, v3  }
0xec: {  	v2 =	vld @!p3 [tilespmem:$0x13940];
	_ =	sdelay $0x7  }
0xed: {  	[tilespmem:v2+s11+$0x0] =	vst.idx.add.f32.msk @!p3 $0xffff, v3  }
0xee: {  	v2 =	vld @!p3 [tilespmem:$0x13950];
	_ =	sdelay $0x7  }
0xef: {  	[tilespmem:v2+s11+$0x0] =	vst.idx.add.f32.msk @!p3 $0xffff, v3  }
0xf0: {  	v2 =	vld @!p3 [tilespmem:$0x13960];
	_ =	sdelay $0x7  }
0xf1: {  	[tilespmem:v2+s11+$0x0] =	vst.idx.add.f32.msk @!p3 $0xffff, v3  }
0xf2: {  	v2 =	vld @!p3 [tilespmem:$0x13970];
	_ =	sdelay $0x6  }
0xf3: {  	p1 =	sne.s32 s9, $0x50  }
.Ltmp2:
0xf4: {  	[tilespmem:v2+s11+$0x0] =	vst.idx.add.f32.msk @!p3 $0xffff, v3;
	s11 =	simm.s32 @!p2 $0x2;
	(pc) =	sbr.rel @p1 .LBB2_6-.Ltmp2, $4  }
0xf5: {  	_ =	swait.ge @!p2 [sflag:s11], $0x4000  }
0xf6: {  	s26 =	sadd.s32 $0x80, s26;
	[sflag:s11] =	ssyncset.done @!p2 $0x0  }
0xf7: {  	s25 =	sadd.s32 $0x80, s25;
	[sflag:s11] =	ssyncadd.s32 @!p2 $0xFFFFC000;
	s11 =	simm.s32 @!p2 $0x13C00  }
0xf8: {  	[spmem:s2] =	stream.indirect.scatter.add.f32 @!p2 [tilespmem:s16], [sflag:$0x4], $0x80, s11, s15, $0xb8;
	[tilespmem:$0x1E400] =	vst v63  }
0xf9: {  	_ =	swait.ge [sflag:s7], $0x4000  }
0xfa: {  	[sflag:s7] =	ssyncset.done $0x0  }
0xfb: {  	[sflag:s7] =	ssyncadd.s32 $0xFFFFC000  }
0xfc: {  	_ =	swait.ge [sflag:s8], $0x4000  }
0xfd: {  	[sflag:s8] =	ssyncset.done $0x0  }
0xfe: {  	s11 =	simm.s32 $0x400;
	s9 =	rddreg [dreg:$0x9];
	[sflag:s8] =	ssyncadd.s32 $0xFFFFC000  }
0xff: {  	[hbm4b:s9+s31] =	stream.strided.scatter [tilespmem:s0], [sflag:$0x6], $0x2780, s11, s31, $0x38;
	[tilespmem:$0x1E400] =	vst v63  }
0x100: {  	_ =	swait.ge [sflag:s29], $0x2780  }
0x101: {  	[sflag:s29] =	ssyncset.done $0x0  }
0x102: {  	s12 =	stileid.u32;
	[sflag:s29] =	ssyncadd.s32 $0xFFFFD880  }
0x103: {  	s9 =	sshll.u32 s12, $0x6;
	[bflag:$0x0] =	sbarrier.arrive $0xFFFF  }
0x104: {  	s13 =	sshrl.u32 s17, $0x3;
	s9 =	sor.u32 $0x1C06, s9;
	s12 =	rddreg [dreg:$0xa]  }
0x105: {  	[hbm:s12], [sflag:s9] =	dma.local [spmem:s13], $0x500  }
0x106: {  	_ =	swait.ge [sflag:s29], $0x500  }
0x107: {  	[sflag:s29] =	ssyncset.done $0x0  }
0x108: {  	s14 =	sshrl.u32 s18, $0x3;
	s15 =	rddreg [dreg:$0xb];
	[sflag:s29] =	ssyncadd.s32 $0xFFFFFB00  }
0x109: {  	[hbm:s15], [sflag:s9] =	dma.local [spmem:s14], $0x500  }
0x10a: {  	_ =	swait.ge [sflag:s29], $0x500  }
0x10b: {  	[sflag:s29] =	ssyncset.done $0x0  }
0x10c: {  	s16 =	sshrl.u32 s19, $0x3;
	s25 =	rddreg [dreg:$0xc];
	[sflag:s29] =	ssyncadd.s32 $0xFFFFFB00  }
0x10d: {  	[hbm:s25], [sflag:s9] =	dma.local [spmem:s16], $0x500  }
0x10e: {  	_ =	swait.ge [sflag:s29], $0x500  }
0x10f: {  	[sflag:s29] =	ssyncset.done $0x0  }
0x110: {  	s26 =	sshrl.u32 s20, $0x3;
	s30 =	rddreg [dreg:$0xd];
	[sflag:s29] =	ssyncadd.s32 $0xFFFFFB00  }
0x111: {  	[hbm:s30], [sflag:s9] =	dma.local [spmem:s26], $0x500  }
0x112: {  	_ =	swait.ge [sflag:s29], $0x500  }
0x113: {  	[sflag:s29] =	ssyncset.done $0x0  }
0x114: {  	s13 =	sshrl.u32 s21, $0x3;
	s14 =	rddreg [dreg:$0xe];
	[sflag:s29] =	ssyncadd.s32 $0xFFFFFB00  }
0x115: {  	[hbm:s14], [sflag:s9] =	dma.local [spmem:s13], $0x500  }
0x116: {  	_ =	swait.ge [sflag:s29], $0x500  }
0x117: {  	[sflag:s29] =	ssyncset.done $0x0  }
0x118: {  	s15 =	sshrl.u32 s22, $0x3;
	s16 =	rddreg [dreg:$0xf];
	[sflag:s29] =	ssyncadd.s32 $0xFFFFFB00  }
0x119: {  	[hbm:s16], [sflag:s9] =	dma.local [spmem:s15], $0x500  }
0x11a: {  	_ =	swait.ge [sflag:s29], $0x500  }
0x11b: {  	[sflag:s29] =	ssyncset.done $0x0  }
0x11c: {  	s25 =	sshrl.u32 s23, $0x3;
	s26 =	rddreg [dreg:$0x10];
	[sflag:s29] =	ssyncadd.s32 $0xFFFFFB00  }
0x11d: {  	[hbm:s26], [sflag:s9] =	dma.local [spmem:s25], $0x500  }
0x11e: {  	_ =	swait.ge [sflag:s29], $0x500  }
0x11f: {  	[sflag:s29] =	ssyncset.done $0x0  }
0x120: {  	s11 =	sshrl.u32 @!p0 s24, $0x3;
	s12 =	rddreg [dreg:$0x11];
	[sflag:s29] =	ssyncadd.s32 $0xFFFFFB00  }
0x121: {  	[hbm:s12], [sflag:s9] =	dma.local @!p0 [spmem:s11], $0x500  }
0x122: {  	s9 =	simm.s32 @!p0 $0x6  }
0x123: {  	_ =	swait.ge @!p0 [sflag:s9], $0x500  }
0x124: {  	s4 =	sadd.s32 $0x1, s4;
	s30 =	rddreg [dreg:$0x13]  }
0x125: {  	p1 =	sne.s32 s4, s30  }
.Ltmp3:
0x126: {  	_ = 	snop;
	(pc) =	sbr.rel @p1 .LBB2_1-.Ltmp3, $3  }
0x127: {  	_ =	sdelay $0x1  }
0x128: {  	[sflag:s9] =	ssyncset.done @!p0 $0x0  }
0x129: {  	[sflag:s9] =	ssyncadd.s32 @!p0 $0xFFFFFB00  }
0x12a: {  	_ =	sfence.sel $0x180000  }
0x12b: {  	[bflag:$0x0] =	sbarrier.arrive $0xFFFF  }
0x12c: {  	_ =	strace $0x90000047  }
0x12d: {  	s0 =	stileid.u32;
	[bflag:$0x2] =	sbarrier.arrive $0xFFFF  }
0x12e: {  	p0 =	sne.s32 s0, $0x0;
	s0 =	rddreg [dreg:$0x5]  }
0x12f: {  	s0 =	sadd.s32 @!p0 $0x100000, s0  }
0x130: {  	[sflag:s0] =	ssyncadd.tile.s32 @!p0 $0x1;
	_ =	shalt  }
.Lfunc_end2:
_tile_overlayer_lowered:
.L_overlay_start_2:
0x131: {  	(tag) =	ssettag $0x2  }
0x132: {  	s0 =	rddreg [dreg:$0x0];
	s2 =	stileid.u32  }
0x133: {  	s1 =	rddreg [dreg:$0x1];
	p0 =	sne.s32 s2, $0x0  }
0x134: {  	s3 =	rddreg [dreg:$0x2];
	[bflag:$0x3] =	sbarrier.arrive $0xFFFF;
	s2 =	simm.s32 @!p0 $0x1C06  }
0x135: {  	[timem:s3], [sflag:s2] =	dma.local @!p0 [hbm:s0], s1  }
0x136: {  	s0 =	simm.s32 @!p0 $0x6  }
0x137: {  	_ =	swait.ge @!p0 [sflag:s0], s1  }
0x138: {  	s1 =	ssub.s32 @!p0 $0x0, s1;
	[sflag:s0] =	ssyncset.done @!p0 $0x0  }
0x139: {  	[sflag:s0] =	ssyncadd.s32 @!p0 s1  }
0x13a: {  	[bflag:$0x3] =	sbarrier.arrive $0xFFFF  }
0x13b: {  	_ =	shalt  }

</sc_bundles>
